<compile_context>
chip_gen: v7x
topology: tpu7x:2x2x1
jax: 0.10.2.dev20260603
libtpu: 0.0.44.dev20260713+nightly
codegen_flags: <defaults>
</compile_context>

<pallas_src>
import jax
import jax.numpy as jnp
from jax import lax
from jax.experimental import pallas as pl
from jax.experimental.pallas import tpu as pltpu
from jax.experimental.pallas import tpu_sc as plsc

N = 10000
E = 320000
F = 128
R = 64
HF = 64
HQ = 32
CHUNK = 128
NSUB = 16
NCH = E // CHUNK
LOW = NCH // NSUB
TSPLIT = NSUB - NCH % NSUB
NBUF = 6
ROWS_PT = N // NSUB
NA = N
DH = 8
QSCALE = 64.0
QCLIP = -4.0

_mesh = plsc.VectorSubcoreMesh(core_axis_name="c", subcore_axis_name="s")
_sc_params = pltpu.CompilerParams(use_tc_tiling_on_sc=False)


def _deg_body(src2d, dst2d, zhist, onesb, degs, degd, hist, idxb, onesv, sem):
    del sem
    c = lax.axis_index("c")
    s = lax.axis_index("s")
    row0 = s * ROWS_PT
    base = s * LOW + jnp.maximum(s - TSPLIT, 0)

    pltpu.sync_copy(zhist, hist.at[pl.ds(row0, ROWS_PT)])
    pltpu.sync_copy(onesb, onesv)
    plsc.subcore_barrier()

    def run(idx2d, out):
        pltpu.sync_copy(idx2d.at[pl.ds(base, LOW + 1)], idxb)

        def body(k, carry2):
            pltpu.sync_copy(onesv, hist.at[idxb.at[k]], add=True)
            return carry2

        lax.fori_loop(0, LOW, body, 0)
        pl.when(s >= TSPLIT)(
            lambda: pltpu.sync_copy(onesv, hist.at[idxb.at[LOW]], add=True))
        plsc.subcore_barrier()
        pltpu.sync_copy(hist.at[pl.ds(row0, ROWS_PT)],
                        out.at[pl.ds(row0, ROWS_PT)])

    pl.when(c == 0)(lambda: run(src2d, degs))
    pl.when(c == 1)(lambda: run(dst2d, degd))


_deg_call = pl.kernel(
    _deg_body,
    out_type=[jax.ShapeDtypeStruct((N, DH), jnp.float32),
              jax.ShapeDtypeStruct((N, DH), jnp.float32)],
    mesh=_mesh,
    scratch_types=[
        pltpu.VMEM_SHARED((NA, DH), jnp.float32),
        pltpu.VMEM((LOW + 1, CHUNK), jnp.int32),
        pltpu.VMEM((CHUNK, DH), jnp.float32),
        pltpu.SemaphoreType.DMA,
    ],
    compiler_params=_sc_params,
)


def _dense_body(feat_ref, deg_ref, w1_ref, w2a_ref, w2b_ref,
                ts0_ref, ts1_ref, tq0_ref, tq1_ref):
    x = feat_ref[...] * lax.rsqrt(jnp.maximum(deg_ref[...][:, 0:1], 1.0))
    sfull = jnp.dot(x, w1_ref[...], preferred_element_type=jnp.float32)
    z = jnp.dot(x, w2a_ref[...], preferred_element_type=jnp.float32) + w2b_ref[...]
    t = jnp.tanh(z)
    lp = jnp.maximum(jnp.log(jnp.maximum(jnp.abs(t), 1e-30)), QCLIP)
    qm = jnp.round(lp * QSCALE).astype(jnp.int32)
    q = (2 * qm + (t < 0).astype(jnp.int32)).astype(jnp.int16)
    ts0_ref[...] = sfull[:, :HF].astype(jnp.bfloat16)
    ts1_ref[...] = sfull[:, HF:].astype(jnp.bfloat16)
    tq0_ref[...] = q[:, :HQ]
    tq1_ref[...] = q[:, HQ:]


_BLK = 2000

_dense_call = pl.pallas_call(
    _dense_body,
    grid=(N // _BLK,),
    in_specs=[
        pl.BlockSpec((_BLK, F), lambda i: (i, 0)),
        pl.BlockSpec((_BLK, DH), lambda i: (i, 0)),
        pl.BlockSpec((F, F), lambda i: (0, 0)),
        pl.BlockSpec((F, R), lambda i: (0, 0)),
        pl.BlockSpec((1, R), lambda i: (0, 0)),
    ],
    out_specs=[
        pl.BlockSpec((_BLK, HF), lambda i: (i, 0)),
        pl.BlockSpec((_BLK, HF), lambda i: (i, 0)),
        pl.BlockSpec((_BLK, HQ), lambda i: (i, 0)),
        pl.BlockSpec((_BLK, HQ), lambda i: (i, 0)),
    ],
    out_shape=[jax.ShapeDtypeStruct((N, HF), jnp.bfloat16),
               jax.ShapeDtypeStruct((N, HF), jnp.bfloat16),
               jax.ShapeDtypeStruct((N, HQ), jnp.int16),
               jax.ShapeDtypeStruct((N, HQ), jnp.int16)],
)


def _agg_body(ts0, ts1, tq0, tq1, src2d, dst2d, zs, zq, a0, a1, aq0, aq1,
              accs, accq, sidxb, didxb, rs, rq, gsems, ssems):
    c = lax.axis_index("c")
    s = lax.axis_index("s")
    row0 = s * ROWS_PT
    base = s * LOW + jnp.maximum(s - TSPLIT, 0)

    pltpu.sync_copy(zs, accs.at[pl.ds(row0, ROWS_PT)])
    pltpu.sync_copy(zq, accq.at[pl.ds(row0, ROWS_PT)])
    plsc.subcore_barrier()

    def run(ts, tq, outs, outq):
        pltpu.sync_copy(src2d.at[pl.ds(base, LOW + 1)], sidxb)
        pltpu.sync_copy(dst2d.at[pl.ds(base, LOW + 1)], didxb)
        for j in range(NBUF):
            pltpu.async_copy(ts.at[sidxb.at[j]], rs[j], gsems[j])
            pltpu.async_copy(tq.at[sidxb.at[j]], rq[j], gsems[j])

        def body(i, carry2):
            k = NBUF * i
            for j in range(NBUF):
                pltpu.make_async_copy(
                    ts.at[sidxb.at[k + j]], rs[j], gsems[j]).wait()
                pltpu.make_async_copy(
                    tq.at[sidxb.at[k + j]], rq[j], gsems[j]).wait()
                pltpu.async_copy(
                    rs[j], accs.at[didxb.at[k + j]], ssems[j], add=True)
                pltpu.async_copy(
                    rq[j], accq.at[didxb.at[k + j]], ssems[j], add=True)
            for j in range(NBUF):
                pltpu.make_async_copy(
                    rs[j], accs.at[didxb.at[k + j]], ssems[j]).wait()
                pltpu.make_async_copy(
                    rq[j], accq.at[didxb.at[k + j]], ssems[j]).wait()

                def _prefetch(jj=j):
                    pltpu.async_copy(ts.at[sidxb.at[k + NBUF + jj]],
                                     rs[jj], gsems[jj])
                    pltpu.async_copy(tq.at[sidxb.at[k + NBUF + jj]],
                                     rq[jj], gsems[jj])

                pl.when(i < LOW // NBUF - 1)(_prefetch)
            return carry2

        lax.fori_loop(0, LOW // NBUF, body, 0)

        def _epilogue():
            pltpu.async_copy(ts.at[sidxb.at[LOW]], rs[0], gsems[0])
            pltpu.async_copy(tq.at[sidxb.at[LOW]], rq[0], gsems[0])
            pltpu.make_async_copy(ts.at[sidxb.at[LOW]], rs[0], gsems[0]).wait()
            pltpu.make_async_copy(tq.at[sidxb.at[LOW]], rq[0], gsems[0]).wait()
            pltpu.async_copy(rs[0], accs.at[didxb.at[LOW]], ssems[0], add=True)
            pltpu.async_copy(rq[0], accq.at[didxb.at[LOW]], ssems[0], add=True)
            pltpu.make_async_copy(
                rs[0], accs.at[didxb.at[LOW]], ssems[0]).wait()
            pltpu.make_async_copy(
                rq[0], accq.at[didxb.at[LOW]], ssems[0]).wait()

        pl.when(s >= TSPLIT)(_epilogue)
        plsc.subcore_barrier()
        pltpu.sync_copy(accs.at[pl.ds(row0, ROWS_PT)],
                        outs.at[pl.ds(row0, ROWS_PT)])
        pltpu.sync_copy(accq.at[pl.ds(row0, ROWS_PT)],
                        outq.at[pl.ds(row0, ROWS_PT)])

    pl.when(c == 0)(lambda: run(ts0, tq0, a0, aq0))
    pl.when(c == 1)(lambda: run(ts1, tq1, a1, aq1))


_agg_call = pl.kernel(
    _agg_body,
    out_type=[jax.ShapeDtypeStruct((N, HF), jnp.bfloat16),
              jax.ShapeDtypeStruct((N, HF), jnp.bfloat16),
              jax.ShapeDtypeStruct((N, HQ), jnp.int16),
              jax.ShapeDtypeStruct((N, HQ), jnp.int16)],
    mesh=_mesh,
    scratch_types=[
        pltpu.VMEM_SHARED((NA, HF), jnp.bfloat16),
        pltpu.VMEM_SHARED((NA, HQ), jnp.int16),
        pltpu.VMEM((LOW + 1, CHUNK), jnp.int32),
        pltpu.VMEM((LOW + 1, CHUNK), jnp.int32),
        [pltpu.VMEM((CHUNK, HF), jnp.bfloat16)] * NBUF,
        [pltpu.VMEM((CHUNK, HQ), jnp.int16)] * NBUF,
        [pltpu.SemaphoreType.DMA] * NBUF,
        [pltpu.SemaphoreType.DMA] * NBUF,
    ],
    compiler_params=_sc_params,
)


def _final_body(a0_ref, a1_ref, q0_ref, q1_ref, deg_ref, v_ref, out_ref):
    indeg = deg_ref[...][:, 0:1]
    h_sum = jnp.concatenate([a0_ref[...], a1_ref[...]],
                            axis=1).astype(jnp.float32)
    qs = jnp.concatenate([q0_ref[...], q1_ref[...]], axis=1).astype(jnp.int32)
    par = jnp.bitwise_and(qs, 1)
    sign = (1 - 2 * par).astype(jnp.float32)
    lp = ((qs - par) // 2).astype(jnp.float32) * (1.0 / QSCALE)
    h_prod = sign * jnp.exp(lp) * (indeg > 0).astype(jnp.float32)
    r = h_sum + jnp.dot(h_prod, v_ref[...], preferred_element_type=jnp.float32)
    out_ref[...] = r * lax.rsqrt(jnp.maximum(indeg, 1.0))


_final_call = pl.pallas_call(
    _final_body,
    grid=(N // _BLK,),
    in_specs=[
        pl.BlockSpec((_BLK, HF), lambda i: (i, 0)),
        pl.BlockSpec((_BLK, HF), lambda i: (i, 0)),
        pl.BlockSpec((_BLK, HQ), lambda i: (i, 0)),
        pl.BlockSpec((_BLK, HQ), lambda i: (i, 0)),
        pl.BlockSpec((_BLK, DH), lambda i: (i, 0)),
        pl.BlockSpec((R, F), lambda i: (0, 0)),
    ],
    out_specs=pl.BlockSpec((_BLK, F), lambda i: (i, 0)),
    out_shape=jax.ShapeDtypeStruct((N, F), jnp.float32),
)


def kernel(feat, edge_index, w1, w2, v):
    src2d = edge_index[0].reshape(NCH, CHUNK)
    dst2d = edge_index[1].reshape(NCH, CHUNK)
    zhist = jnp.zeros((ROWS_PT, DH), jnp.float32)
    onesb = jnp.concatenate(
        [jnp.ones((CHUNK, 1), jnp.float32),
         jnp.zeros((CHUNK, DH - 1), jnp.float32)], axis=1)
    zs = jnp.zeros((ROWS_PT, HF), jnp.bfloat16)
    zq = jnp.zeros((ROWS_PT, HQ), jnp.int16)

    degs, degd = _deg_call(src2d, dst2d, zhist, onesb)
    ts0, ts1, tq0, tq1 = _dense_call(feat, degs, w1, w2[:F], w2[F:F + 1])
    a0, a1, aq0, aq1 = _agg_call(ts0, ts1, tq0, tq1, src2d, dst2d, zs, zq)
    return _final_call(a0, a1, aq0, aq1, degd, v)

# --- scband reference (transcript-rebuilt; emitter-appended) ---
"""Pipeline reference for scband-dglgraph-conv-22608707846293 (READ-ONLY COPY).

The authoritative reference and input builder live on the scoring server;
editing this copy changes nothing except your own understanding.
"""

import jax, jax.numpy as jnp
import numpy as np

N = 10000
E = 320000
IN_FEATS = 128
OUT_FEATS = 128
RANK = 64

def _xavier(key, shape):
    a = float(np.sqrt(6.0 / (shape[0] + shape[1])))
    return jax.random.uniform(key, shape, minval=-a, maxval=a, dtype=jnp.float32)

def setup_inputs(seed: int = 0) -> dict:
    key = jax.random.key(seed)
    k1, k2, k3, k4, k5 = jax.random.split(key, 5)
    feat = jax.random.normal(k1, (N, IN_FEATS), dtype=jnp.float32)
    edge_index = jax.random.randint(k2, (2, E), 0, N, dtype=jnp.int32)
    w1 = _xavier(k3, (IN_FEATS, OUT_FEATS))
    w2 = _xavier(k4, (IN_FEATS + 1, RANK))
    v = _xavier(k5, (RANK, OUT_FEATS))
    return {"feat": feat, "edge_index": edge_index, "w1": w1, "w2": w2, "v": v}

def reference(feat, edge_index, w1, w2, v):
    n = feat.shape[0]
    src = edge_index[0]
    dst = edge_index[1]
    # norm == 'both': scale source features by out-degree^-0.5
    out_deg = jnp.maximum(jnp.bincount(src, length=n).astype(jnp.float32), 1.0)
    norm_src = out_deg ** -0.5
    feat_src = feat * norm_src[:, None]
    # linear transforms
    feat_sumsrc = feat_src @ w1
    ones = jnp.ones((feat_src.shape[0], 1), dtype=feat_src.dtype)
    feat_prodsrc = jnp.tanh(jnp.concatenate([feat_src, ones], axis=1) @ w2)
    # message passing: gather from src, reduce to dst
    m_sum = feat_sumsrc[src]
    m_prod = feat_prodsrc[src]
    h_sum = jax.ops.segment_sum(m_sum, dst, num_segments=n)
    h_prod = jax.ops.segment_prod(m_prod, dst, num_segments=n)
    in_deg = jnp.bincount(dst, length=n).astype(jnp.float32)
    # DGL leaves zero-in-degree dst data as zeros (segment_prod identity is 1 -> mask)
    has_msg = (in_deg > 0).astype(feat.dtype)[:, None]
    h_prod = h_prod * has_msg
    rst = h_sum + h_prod @ v
    # norm == 'both': scale result by in-degree^-0.5
    norm_dst = jnp.maximum(in_deg, 1.0) ** -0.5
    rst = rst * norm_dst[:, None]
    return rst

if __name__ == "__main__":
    import jax
    _d = setup_inputs()
    print(jax.jit(kernel)(*tuple(_d.values())))

</pallas_src>

<mosaic_0001>
#map = affine_map<(d0, d1) -> (0, 0)>
module attributes {stable_mosaic.version = 14 : i64} {
  func.func @_deg_body(%arg0: i32, %arg1: i32, %arg2: memref<2500x128xi32, #tpu.memory_space<hbm>>, %arg3: memref<2500x128xi32, #tpu.memory_space<hbm>>, %arg4: memref<625x8xf32, #tpu.memory_space<hbm>>, %arg5: memref<128x8xf32, #tpu.memory_space<hbm>>, %arg6: memref<10000x8xf32, #tpu.memory_space<hbm>>, %arg7: memref<10000x8xf32, #tpu.memory_space<hbm>>, %arg8: memref<10000x8xf32, #tpu.memory_space<vmem_shared>>, %arg9: memref<157x128xi32, #tpu.memory_space<vmem>>, %arg10: memref<128x8xf32, #tpu.memory_space<vmem>>, %arg11: memref<!tpu.dma_semaphore, #tpu.memory_space<semaphore_mem>>) attributes {dimension_semantics = [#tpu.dimension_semantics<core_parallel>, #tpu.dimension_semantics<subcore_parallel>], iteration_bounds = array<i64: 2, 16>, scalar_prefetch = 0 : i64, scratch_operands = 4 : i64, tpu.core_type = #tpu.core_type<sc_vector_subcore>, window_params = [{transform_indices = #map}, {transform_indices = #map}, {transform_indices = #map}, {transform_indices = #map}, {transform_indices = #map}, {transform_indices = #map}]} {
    %mul3A = arith.constant 625 : i32
    %mul3A_0 = arith.muli %arg1, %mul3A : i32
    %mul3A_1 = arith.constant 156 : i32
    %mul3A_2 = arith.muli %arg1, %mul3A_1 : i32
    %sub3A = arith.constant 12 : i32
    %sub3A_3 = arith.subi %arg1, %sub3A : i32
    %max3A = arith.constant 0 : i32
    %max3A_4 = arith.maxsi %sub3A_3, %max3A : i32
    %add3A = arith.addi %mul3A_2, %max3A_4 : i32
    "tpu.region"() ({
      %run_scoped3A = tpu.sem_alloc : memref<!tpu.dma_semaphore, #tpu.memory_space<semaphore_mem>>
      %dma_start3A = arith.constant 0 : i32
      %dma_start3A_12 = tpu.memref_slice %arg8[%mul3A_0, %dma_start3A] : memref<10000x8xf32, #tpu.memory_space<vmem_shared>> -> memref<625x8xf32, #tpu.memory_space<vmem_shared>>
      tpu.enqueue_dma source(%arg4 : memref<625x8xf32, #tpu.memory_space<hbm>>) target(%dma_start3A_12 : memref<625x8xf32, #tpu.memory_space<vmem_shared>>) target_semaphore(%run_scoped3A : memref<!tpu.dma_semaphore, #tpu.memory_space<semaphore_mem>>)
      %dma_wait3A = arith.constant 0 : i32
      %dma_wait3A_13 = tpu.memref_slice %arg8[%mul3A_0, %dma_wait3A] : memref<10000x8xf32, #tpu.memory_space<vmem_shared>> -> memref<625x8xf32, #tpu.memory_space<vmem_shared>>
      tpu.wait_dma2 semaphore(%run_scoped3A : memref<!tpu.dma_semaphore, #tpu.memory_space<semaphore_mem>>) src(%arg4 : memref<625x8xf32, #tpu.memory_space<hbm>>) dst(%dma_wait3A_13 : memref<625x8xf32, #tpu.memory_space<vmem_shared>>)
      tpu.yield
    }) : () -> ()
    "tpu.region"() ({
      %run_scoped3A = tpu.sem_alloc : memref<!tpu.dma_semaphore, #tpu.memory_space<semaphore_mem>>
      tpu.enqueue_dma source(%arg5 : memref<128x8xf32, #tpu.memory_space<hbm>>) target(%arg10 : memref<128x8xf32, #tpu.memory_space<vmem>>) target_semaphore(%run_scoped3A : memref<!tpu.dma_semaphore, #tpu.memory_space<semaphore_mem>>)
      tpu.wait_dma2 semaphore(%run_scoped3A : memref<!tpu.dma_semaphore, #tpu.memory_space<semaphore_mem>>) src(%arg5 : memref<128x8xf32, #tpu.memory_space<hbm>>) dst(%arg10 : memref<128x8xf32, #tpu.memory_space<vmem>>)
      tpu.yield
    }) : () -> ()
    %barrier3A = arith.constant 0 : index
    tpu.barrier barrier_id(%barrier3A)
    %eq3A = arith.constant 0 : i32
    %eq3A_5 = arith.cmpi eq, %arg0, %eq3A : i32
    %convert_element_type3A = arith.extui %eq3A_5 : i1 to i32
    %cond3A = arith.constant 0 : i32
    %cond3A_6 = arith.cmpi ne, %convert_element_type3A, %cond3A : i32
    scf.if %cond3A_6 {
      "tpu.region"() ({
        %run_scoped3A = tpu.sem_alloc : memref<!tpu.dma_semaphore, #tpu.memory_space<semaphore_mem>>
        %dma_start3A = arith.constant 0 : i32
        %dma_start3A_22 = tpu.memref_slice %arg2[%add3A, %dma_start3A] : memref<2500x128xi32, #tpu.memory_space<hbm>> -> memref<157x128xi32, #tpu.memory_space<hbm>>
        %dma_start3A_23 = arith.constant 0 : i32
        %dma_start3A_24 = tpu.memref_slice %arg2[%add3A, %dma_start3A_23] : memref<2500x128xi32, #tpu.memory_space<hbm>> -> memref<157x128xi32, #tpu.memory_space<hbm>>
        tpu.enqueue_dma source(%dma_start3A_24 : memref<157x128xi32, #tpu.memory_space<hbm>>) target(%arg9 : memref<157x128xi32, #tpu.memory_space<vmem>>) target_semaphore(%run_scoped3A : memref<!tpu.dma_semaphore, #tpu.memory_space<semaphore_mem>>)
        %dma_wait3A = arith.constant 0 : i32
        %dma_wait3A_25 = tpu.memref_slice %arg2[%add3A, %dma_wait3A] : memref<2500x128xi32, #tpu.memory_space<hbm>> -> memref<157x128xi32, #tpu.memory_space<hbm>>
        %dma_wait3A_26 = arith.constant 0 : i32
        %dma_wait3A_27 = tpu.memref_slice %arg2[%add3A, %dma_wait3A_26] : memref<2500x128xi32, #tpu.memory_space<hbm>> -> memref<157x128xi32, #tpu.memory_space<hbm>>
        tpu.wait_dma2 semaphore(%run_scoped3A : memref<!tpu.dma_semaphore, #tpu.memory_space<semaphore_mem>>) src(%dma_wait3A_27 : memref<157x128xi32, #tpu.memory_space<hbm>>) dst(%arg9 : memref<157x128xi32, #tpu.memory_space<vmem>>)
        tpu.yield
      }) : () -> ()
      %scan3A = arith.constant 0 : i32
      %scan3A_12 = arith.constant 0 : i32
      %scan3A_13 = arith.constant 156 : i32
      %scan3A_14 = arith.addi %scan3A_12, %scan3A_13 : i32
      %scan3A_15 = arith.constant 1 : i32
      scf.for %scan3A_22 = %scan3A_12 to %scan3A_14 step %scan3A_15  : i32 {
        "tpu.region"() ({
          %run_scoped3A = tpu.sem_alloc : memref<!tpu.dma_semaphore, #tpu.memory_space<semaphore_mem>>
          %dma_start3A = arith.constant 0 : i32
          %dma_start3A_23 = tpu.memref_slice %arg9[%scan3A_22, %dma_start3A] : memref<157x128xi32, #tpu.memory_space<vmem>> -> memref<1x128xi32, #tpu.memory_space<vmem>>
          %dma_start3A_24 = tpu.memref_squeeze %dma_start3A_23 : memref<1x128xi32, #tpu.memory_space<vmem>> -> memref<128xi32, #tpu.memory_space<vmem>>
          %dma_start3A_25 = arith.constant 0 : i32
          %dma_start3A_26 = arith.constant 0 : i32
          %dma_start3A_27 = tpu.memref_slice %arg8[%dma_start3A_25, %dma_start3A_26] : memref<10000x8xf32, #tpu.memory_space<vmem_shared>> -> memref<10000x8xf32, #tpu.memory_space<vmem_shared>>
          tpu.enqueue_indirect_dma source(%arg10 : memref<128x8xf32, #tpu.memory_space<vmem>>) target(%dma_start3A_27 : memref<10000x8xf32, #tpu.memory_space<vmem_shared>>) offsets(%dma_start3A_24 : memref<128xi32, #tpu.memory_space<vmem>>) semaphore(%run_scoped3A : memref<!tpu.dma_semaphore, #tpu.memory_space<semaphore_mem>>) {add = true}
          %dma_wait3A = arith.constant 0 : i32
          %dma_wait3A_28 = tpu.memref_slice %arg9[%scan3A_22, %dma_wait3A] : memref<157x128xi32, #tpu.memory_space<vmem>> -> memref<1x128xi32, #tpu.memory_space<vmem>>
          %dma_wait3A_29 = tpu.memref_squeeze %dma_wait3A_28 : memref<1x128xi32, #tpu.memory_space<vmem>> -> memref<128xi32, #tpu.memory_space<vmem>>
          %dma_wait3A_30 = arith.constant 0 : i32
          %dma_wait3A_31 = arith.constant 0 : i32
          %dma_wait3A_32 = tpu.memref_slice %arg8[%dma_wait3A_30, %dma_wait3A_31] : memref<10000x8xf32, #tpu.memory_space<vmem_shared>> -> memref<10000x8xf32, #tpu.memory_space<vmem_shared>>
          tpu.wait_indirect_dma semaphore(%run_scoped3A : memref<!tpu.dma_semaphore, #tpu.memory_space<semaphore_mem>>) src(%arg10 : memref<128x8xf32, #tpu.memory_space<vmem>>) dst(%dma_wait3A_32 : memref<10000x8xf32, #tpu.memory_space<vmem_shared>>)
          tpu.yield
        }) : () -> ()
      }
      %scan3A_16 = arith.constant 156 : i32
      %ge3A = arith.constant 12 : i32
      %ge3A_17 = arith.cmpi sge, %arg1, %ge3A : i32
      %convert_element_type3A_18 = arith.extui %ge3A_17 : i1 to i32
      %cond3A_19 = arith.constant 0 : i32
      %cond3A_20 = arith.cmpi ne, %convert_element_type3A_18, %cond3A_19 : i32
      scf.if %cond3A_20 {
        %run_scoped3A = arith.constant 156 : i32
        "tpu.region"() ({
          %run_scoped3A_22 = tpu.sem_alloc : memref<!tpu.dma_semaphore, #tpu.memory_space<semaphore_mem>>
          %dma_start3A = arith.constant 0 : i32
          %dma_start3A_23 = tpu.memref_slice %arg9[%run_scoped3A, %dma_start3A] : memref<157x128xi32, #tpu.memory_space<vmem>> -> memref<1x128xi32, #tpu.memory_space<vmem>>
          %dma_start3A_24 = tpu.memref_squeeze %dma_start3A_23 : memref<1x128xi32, #tpu.memory_space<vmem>> -> memref<128xi32, #tpu.memory_space<vmem>>
          %dma_start3A_25 = arith.constant 0 : i32
          %dma_start3A_26 = arith.constant 0 : i32
          %dma_start3A_27 = tpu.memref_slice %arg8[%dma_start3A_25, %dma_start3A_26] : memref<10000x8xf32, #tpu.memory_space<vmem_shared>> -> memref<10000x8xf32, #tpu.memory_space<vmem_shared>>
          tpu.enqueue_indirect_dma source(%arg10 : memref<128x8xf32, #tpu.memory_space<vmem>>) target(%dma_start3A_27 : memref<10000x8xf32, #tpu.memory_space<vmem_shared>>) offsets(%dma_start3A_24 : memref<128xi32, #tpu.memory_space<vmem>>) semaphore(%run_scoped3A_22 : memref<!tpu.dma_semaphore, #tpu.memory_space<semaphore_mem>>) {add = true}
          %dma_wait3A = arith.constant 0 : i32
          %dma_wait3A_28 = tpu.memref_slice %arg9[%run_scoped3A, %dma_wait3A] : memref<157x128xi32, #tpu.memory_space<vmem>> -> memref<1x128xi32, #tpu.memory_space<vmem>>
          %dma_wait3A_29 = tpu.memref_squeeze %dma_wait3A_28 : memref<1x128xi32, #tpu.memory_space<vmem>> -> memref<128xi32, #tpu.memory_space<vmem>>
          %dma_wait3A_30 = arith.constant 0 : i32
          %dma_wait3A_31 = arith.constant 0 : i32
          %dma_wait3A_32 = tpu.memref_slice %arg8[%dma_wait3A_30, %dma_wait3A_31] : memref<10000x8xf32, #tpu.memory_space<vmem_shared>> -> memref<10000x8xf32, #tpu.memory_space<vmem_shared>>
          tpu.wait_indirect_dma semaphore(%run_scoped3A_22 : memref<!tpu.dma_semaphore, #tpu.memory_space<semaphore_mem>>) src(%arg10 : memref<128x8xf32, #tpu.memory_space<vmem>>) dst(%dma_wait3A_32 : memref<10000x8xf32, #tpu.memory_space<vmem_shared>>)
          tpu.yield
        }) : () -> ()
      } else {
      }
      %barrier3A_21 = arith.constant 0 : index
      tpu.barrier barrier_id(%barrier3A_21)
      "tpu.region"() ({
        %run_scoped3A = tpu.sem_alloc : memref<!tpu.dma_semaphore, #tpu.memory_space<semaphore_mem>>
        %dma_start3A = arith.constant 0 : i32
        %dma_start3A_22 = tpu.memref_slice %arg6[%mul3A_0, %dma_start3A] : memref<10000x8xf32, #tpu.memory_space<hbm>> -> memref<625x8xf32, #tpu.memory_space<hbm>>
        %dma_start3A_23 = arith.constant 0 : i32
        %dma_start3A_24 = tpu.memref_slice %arg8[%mul3A_0, %dma_start3A_23] : memref<10000x8xf32, #tpu.memory_space<vmem_shared>> -> memref<625x8xf32, #tpu.memory_space<vmem_shared>>
        tpu.enqueue_dma source(%dma_start3A_24 : memref<625x8xf32, #tpu.memory_space<vmem_shared>>) target(%dma_start3A_22 : memref<625x8xf32, #tpu.memory_space<hbm>>) target_semaphore(%run_scoped3A : memref<!tpu.dma_semaphore, #tpu.memory_space<semaphore_mem>>)
        %dma_wait3A = arith.constant 0 : i32
        %dma_wait3A_25 = tpu.memref_slice %arg6[%mul3A_0, %dma_wait3A] : memref<10000x8xf32, #tpu.memory_space<hbm>> -> memref<625x8xf32, #tpu.memory_space<hbm>>
        %dma_wait3A_26 = arith.constant 0 : i32
        %dma_wait3A_27 = tpu.memref_slice %arg8[%mul3A_0, %dma_wait3A_26] : memref<10000x8xf32, #tpu.memory_space<vmem_shared>> -> memref<625x8xf32, #tpu.memory_space<vmem_shared>>
        tpu.wait_dma2 semaphore(%run_scoped3A : memref<!tpu.dma_semaphore, #tpu.memory_space<semaphore_mem>>) src(%dma_wait3A_27 : memref<625x8xf32, #tpu.memory_space<vmem_shared>>) dst(%dma_wait3A_25 : memref<625x8xf32, #tpu.memory_space<hbm>>)
        tpu.yield
      }) : () -> ()
    } else {
    }
    %eq3A_7 = arith.constant 1 : i32
    %eq3A_8 = arith.cmpi eq, %arg0, %eq3A_7 : i32
    %convert_element_type3A_9 = arith.extui %eq3A_8 : i1 to i32
    %cond3A_10 = arith.constant 0 : i32
    %cond3A_11 = arith.cmpi ne, %convert_element_type3A_9, %cond3A_10 : i32
    scf.if %cond3A_11 {
      "tpu.region"() ({
        %run_scoped3A = tpu.sem_alloc : memref<!tpu.dma_semaphore, #tpu.memory_space<semaphore_mem>>
        %dma_start3A = arith.constant 0 : i32
        %dma_start3A_22 = tpu.memref_slice %arg3[%add3A, %dma_start3A] : memref<2500x128xi32, #tpu.memory_space<hbm>> -> memref<157x128xi32, #tpu.memory_space<hbm>>
        %dma_start3A_23 = arith.constant 0 : i32
        %dma_start3A_24 = tpu.memref_slice %arg3[%add3A, %dma_start3A_23] : memref<2500x128xi32, #tpu.memory_space<hbm>> -> memref<157x128xi32, #tpu.memory_space<hbm>>
        tpu.enqueue_dma source(%dma_start3A_24 : memref<157x128xi32, #tpu.memory_space<hbm>>) target(%arg9 : memref<157x128xi32, #tpu.memory_space<vmem>>) target_semaphore(%run_scoped3A : memref<!tpu.dma_semaphore, #tpu.memory_space<semaphore_mem>>)
        %dma_wait3A = arith.constant 0 : i32
        %dma_wait3A_25 = tpu.memref_slice %arg3[%add3A, %dma_wait3A] : memref<2500x128xi32, #tpu.memory_space<hbm>> -> memref<157x128xi32, #tpu.memory_space<hbm>>
        %dma_wait3A_26 = arith.constant 0 : i32
        %dma_wait3A_27 = tpu.memref_slice %arg3[%add3A, %dma_wait3A_26] : memref<2500x128xi32, #tpu.memory_space<hbm>> -> memref<157x128xi32, #tpu.memory_space<hbm>>
        tpu.wait_dma2 semaphore(%run_scoped3A : memref<!tpu.dma_semaphore, #tpu.memory_space<semaphore_mem>>) src(%dma_wait3A_27 : memref<157x128xi32, #tpu.memory_space<hbm>>) dst(%arg9 : memref<157x128xi32, #tpu.memory_space<vmem>>)
        tpu.yield
      }) : () -> ()
      %scan3A = arith.constant 0 : i32
      %scan3A_12 = arith.constant 0 : i32
      %scan3A_13 = arith.constant 156 : i32
      %scan3A_14 = arith.addi %scan3A_12, %scan3A_13 : i32
      %scan3A_15 = arith.constant 1 : i32
      scf.for %scan3A_22 = %scan3A_12 to %scan3A_14 step %scan3A_15  : i32 {
        "tpu.region"() ({
          %run_scoped3A = tpu.sem_alloc : memref<!tpu.dma_semaphore, #tpu.memory_space<semaphore_mem>>
          %dma_start3A = arith.constant 0 : i32
          %dma_start3A_23 = tpu.memref_slice %arg9[%scan3A_22, %dma_start3A] : memref<157x128xi32, #tpu.memory_space<vmem>> -> memref<1x128xi32, #tpu.memory_space<vmem>>
          %dma_start3A_24 = tpu.memref_squeeze %dma_start3A_23 : memref<1x128xi32, #tpu.memory_space<vmem>> -> memref<128xi32, #tpu.memory_space<vmem>>
          %dma_start3A_25 = arith.constant 0 : i32
          %dma_start3A_26 = arith.constant 0 : i32
          %dma_start3A_27 = tpu.memref_slice %arg8[%dma_start3A_25, %dma_start3A_26] : memref<10000x8xf32, #tpu.memory_space<vmem_shared>> -> memref<10000x8xf32, #tpu.memory_space<vmem_shared>>
          tpu.enqueue_indirect_dma source(%arg10 : memref<128x8xf32, #tpu.memory_space<vmem>>) target(%dma_start3A_27 : memref<10000x8xf32, #tpu.memory_space<vmem_shared>>) offsets(%dma_start3A_24 : memref<128xi32, #tpu.memory_space<vmem>>) semaphore(%run_scoped3A : memref<!tpu.dma_semaphore, #tpu.memory_space<semaphore_mem>>) {add = true}
          %dma_wait3A = arith.constant 0 : i32
          %dma_wait3A_28 = tpu.memref_slice %arg9[%scan3A_22, %dma_wait3A] : memref<157x128xi32, #tpu.memory_space<vmem>> -> memref<1x128xi32, #tpu.memory_space<vmem>>
          %dma_wait3A_29 = tpu.memref_squeeze %dma_wait3A_28 : memref<1x128xi32, #tpu.memory_space<vmem>> -> memref<128xi32, #tpu.memory_space<vmem>>
          %dma_wait3A_30 = arith.constant 0 : i32
          %dma_wait3A_31 = arith.constant 0 : i32
          %dma_wait3A_32 = tpu.memref_slice %arg8[%dma_wait3A_30, %dma_wait3A_31] : memref<10000x8xf32, #tpu.memory_space<vmem_shared>> -> memref<10000x8xf32, #tpu.memory_space<vmem_shared>>
          tpu.wait_indirect_dma semaphore(%run_scoped3A : memref<!tpu.dma_semaphore, #tpu.memory_space<semaphore_mem>>) src(%arg10 : memref<128x8xf32, #tpu.memory_space<vmem>>) dst(%dma_wait3A_32 : memref<10000x8xf32, #tpu.memory_space<vmem_shared>>)
          tpu.yield
        }) : () -> ()
      }
      %scan3A_16 = arith.constant 156 : i32
      %ge3A = arith.constant 12 : i32
      %ge3A_17 = arith.cmpi sge, %arg1, %ge3A : i32
      %convert_element_type3A_18 = arith.extui %ge3A_17 : i1 to i32
      %cond3A_19 = arith.constant 0 : i32
      %cond3A_20 = arith.cmpi ne, %convert_element_type3A_18, %cond3A_19 : i32
      scf.if %cond3A_20 {
        %run_scoped3A = arith.constant 156 : i32
        "tpu.region"() ({
          %run_scoped3A_22 = tpu.sem_alloc : memref<!tpu.dma_semaphore, #tpu.memory_space<semaphore_mem>>
          %dma_start3A = arith.constant 0 : i32
          %dma_start3A_23 = tpu.memref_slice %arg9[%run_scoped3A, %dma_start3A] : memref<157x128xi32, #tpu.memory_space<vmem>> -> memref<1x128xi32, #tpu.memory_space<vmem>>
          %dma_start3A_24 = tpu.memref_squeeze %dma_start3A_23 : memref<1x128xi32, #tpu.memory_space<vmem>> -> memref<128xi32, #tpu.memory_space<vmem>>
          %dma_start3A_25 = arith.constant 0 : i32
          %dma_start3A_26 = arith.constant 0 : i32
          %dma_start3A_27 = tpu.memref_slice %arg8[%dma_start3A_25, %dma_start3A_26] : memref<10000x8xf32, #tpu.memory_space<vmem_shared>> -> memref<10000x8xf32, #tpu.memory_space<vmem_shared>>
          tpu.enqueue_indirect_dma source(%arg10 : memref<128x8xf32, #tpu.memory_space<vmem>>) target(%dma_start3A_27 : memref<10000x8xf32, #tpu.memory_space<vmem_shared>>) offsets(%dma_start3A_24 : memref<128xi32, #tpu.memory_space<vmem>>) semaphore(%run_scoped3A_22 : memref<!tpu.dma_semaphore, #tpu.memory_space<semaphore_mem>>) {add = true}
          %dma_wait3A = arith.constant 0 : i32
          %dma_wait3A_28 = tpu.memref_slice %arg9[%run_scoped3A, %dma_wait3A] : memref<157x128xi32, #tpu.memory_space<vmem>> -> memref<1x128xi32, #tpu.memory_space<vmem>>
          %dma_wait3A_29 = tpu.memref_squeeze %dma_wait3A_28 : memref<1x128xi32, #tpu.memory_space<vmem>> -> memref<128xi32, #tpu.memory_space<vmem>>
          %dma_wait3A_30 = arith.constant 0 : i32
          %dma_wait3A_31 = arith.constant 0 : i32
          %dma_wait3A_32 = tpu.memref_slice %arg8[%dma_wait3A_30, %dma_wait3A_31] : memref<10000x8xf32, #tpu.memory_space<vmem_shared>> -> memref<10000x8xf32, #tpu.memory_space<vmem_shared>>
          tpu.wait_indirect_dma semaphore(%run_scoped3A_22 : memref<!tpu.dma_semaphore, #tpu.memory_space<semaphore_mem>>) src(%arg10 : memref<128x8xf32, #tpu.memory_space<vmem>>) dst(%dma_wait3A_32 : memref<10000x8xf32, #tpu.memory_space<vmem_shared>>)
          tpu.yield
        }) : () -> ()
      } else {
      }
      %barrier3A_21 = arith.constant 0 : index
      tpu.barrier barrier_id(%barrier3A_21)
      "tpu.region"() ({
        %run_scoped3A = tpu.sem_alloc : memref<!tpu.dma_semaphore, #tpu.memory_space<semaphore_mem>>
        %dma_start3A = arith.constant 0 : i32
        %dma_start3A_22 = tpu.memref_slice %arg7[%mul3A_0, %dma_start3A] : memref<10000x8xf32, #tpu.memory_space<hbm>> -> memref<625x8xf32, #tpu.memory_space<hbm>>
        %dma_start3A_23 = arith.constant 0 : i32
        %dma_start3A_24 = tpu.memref_slice %arg8[%mul3A_0, %dma_start3A_23] : memref<10000x8xf32, #tpu.memory_space<vmem_shared>> -> memref<625x8xf32, #tpu.memory_space<vmem_shared>>
        tpu.enqueue_dma source(%dma_start3A_24 : memref<625x8xf32, #tpu.memory_space<vmem_shared>>) target(%dma_start3A_22 : memref<625x8xf32, #tpu.memory_space<hbm>>) target_semaphore(%run_scoped3A : memref<!tpu.dma_semaphore, #tpu.memory_space<semaphore_mem>>)
        %dma_wait3A = arith.constant 0 : i32
        %dma_wait3A_25 = tpu.memref_slice %arg7[%mul3A_0, %dma_wait3A] : memref<10000x8xf32, #tpu.memory_space<hbm>> -> memref<625x8xf32, #tpu.memory_space<hbm>>
        %dma_wait3A_26 = arith.constant 0 : i32
        %dma_wait3A_27 = tpu.memref_slice %arg8[%mul3A_0, %dma_wait3A_26] : memref<10000x8xf32, #tpu.memory_space<vmem_shared>> -> memref<625x8xf32, #tpu.memory_space<vmem_shared>>
        tpu.wait_dma2 semaphore(%run_scoped3A : memref<!tpu.dma_semaphore, #tpu.memory_space<semaphore_mem>>) src(%dma_wait3A_27 : memref<625x8xf32, #tpu.memory_space<vmem_shared>>) dst(%dma_wait3A_25 : memref<625x8xf32, #tpu.memory_space<hbm>>)
        tpu.yield
      }) : () -> ()
    } else {
    }
    return
  }
}

#map = affine_map<(d0, d1) -> (0, 0)>
module attributes {stable_mosaic.version = 14 : i64} {
  func.func @_agg_body(%arg0: i32, %arg1: i32, %arg2: memref<10000x64xbf16, #tpu.memory_space<hbm>>, %arg3: memref<10000x64xbf16, #tpu.memory_space<hbm>>, %arg4: memref<10000x32xi16, #tpu.memory_space<hbm>>, %arg5: memref<10000x32xi16, #tpu.memory_space<hbm>>, %arg6: memref<2500x128xi32, #tpu.memory_space<hbm>>, %arg7: memref<2500x128xi32, #tpu.memory_space<hbm>>, %arg8: memref<625x64xbf16, #tpu.memory_space<hbm>>, %arg9: memref<625x32xi16, #tpu.memory_space<hbm>>, %arg10: memref<10000x64xbf16, #tpu.memory_space<hbm>>, %arg11: memref<10000x64xbf16, #tpu.memory_space<hbm>>, %arg12: memref<10000x32xi16, #tpu.memory_space<hbm>>, %arg13: memref<10000x32xi16, #tpu.memory_space<hbm>>, %arg14: memref<10000x64xbf16, #tpu.memory_space<vmem_shared>>, %arg15: memref<10000x32xi16, #tpu.memory_space<vmem_shared>>, %arg16: memref<157x128xi32, #tpu.memory_space<vmem>>, %arg17: memref<157x128xi32, #tpu.memory_space<vmem>>, %arg18: memref<128x64xbf16, #tpu.memory_space<vmem>>, %arg19: memref<128x64xbf16, #tpu.memory_space<vmem>>, %arg20: memref<128x64xbf16, #tpu.memory_space<vmem>>, %arg21: memref<128x64xbf16, #tpu.memory_space<vmem>>, %arg22: memref<128x64xbf16, #tpu.memory_space<vmem>>, %arg23: memref<128x64xbf16, #tpu.memory_space<vmem>>, %arg24: memref<128x32xi16, #tpu.memory_space<vmem>>, %arg25: memref<128x32xi16, #tpu.memory_space<vmem>>, %arg26: memref<128x32xi16, #tpu.memory_space<vmem>>, %arg27: memref<128x32xi16, #tpu.memory_space<vmem>>, %arg28: memref<128x32xi16, #tpu.memory_space<vmem>>, %arg29: memref<128x32xi16, #tpu.memory_space<vmem>>, %arg30: memref<!tpu.dma_semaphore, #tpu.memory_space<semaphore_mem>>, %arg31: memref<!tpu.dma_semaphore, #tpu.memory_space<semaphore_mem>>, %arg32: memref<!tpu.dma_semaphore, #tpu.memory_space<semaphore_mem>>, %arg33: memref<!tpu.dma_semaphore, #tpu.memory_space<semaphore_mem>>, %arg34: memref<!tpu.dma_semaphore, #tpu.memory_space<semaphore_mem>>, %arg35: memref<!tpu.dma_semaphore, #tpu.memory_space<semaphore_mem>>, %arg36: memref<!tpu.dma_semaphore, #tpu.memory_space<semaphore_mem>>, %arg37: memref<!tpu.dma_semaphore, #tpu.memory_space<semaphore_mem>>, %arg38: memref<!tpu.dma_semaphore, #tpu.memory_space<semaphore_mem>>, %arg39: memref<!tpu.dma_semaphore, #tpu.memory_space<semaphore_mem>>, %arg40: memref<!tpu.dma_semaphore, #tpu.memory_space<semaphore_mem>>, %arg41: memref<!tpu.dma_semaphore, #tpu.memory_space<semaphore_mem>>) attributes {dimension_semantics = [#tpu.dimension_semantics<core_parallel>, #tpu.dimension_semantics<subcore_parallel>], iteration_bounds = array<i64: 2, 16>, scalar_prefetch = 0 : i64, scratch_operands = 28 : i64, tpu.core_type = #tpu.core_type<sc_vector_subcore>, window_params = [{transform_indices = #map}, {transform_indices = #map}, {transform_indices = #map}, {transform_indices = #map}, {transform_indices = #map}, {transform_indices = #map}, {transform_indices = #map}, {transform_indices = #map}, {transform_indices = #map}, {transform_indices = #map}, {transform_indices = #map}, {transform_indices = #map}]} {
    %mul3A = arith.constant 625 : i32
    %mul3A_0 = arith.muli %arg1, %mul3A : i32
    %mul3A_1 = arith.constant 156 : i32
    %mul3A_2 = arith.muli %arg1, %mul3A_1 : i32
    %sub3A = arith.constant 12 : i32
    %sub3A_3 = arith.subi %arg1, %sub3A : i32
    %max3A = arith.constant 0 : i32
    %max3A_4 = arith.maxsi %sub3A_3, %max3A : i32
    %add3A = arith.addi %mul3A_2, %max3A_4 : i32
    "tpu.region"() ({
      %run_scoped3A = tpu.sem_alloc : memref<!tpu.dma_semaphore, #tpu.memory_space<semaphore_mem>>
      %dma_start3A = arith.constant 0 : i32
      %dma_start3A_12 = tpu.memref_slice %arg14[%mul3A_0, %dma_start3A] : memref<10000x64xbf16, #tpu.memory_space<vmem_shared>> -> memref<625x64xbf16, #tpu.memory_space<vmem_shared>>
      tpu.enqueue_dma source(%arg8 : memref<625x64xbf16, #tpu.memory_space<hbm>>) target(%dma_start3A_12 : memref<625x64xbf16, #tpu.memory_space<vmem_shared>>) target_semaphore(%run_scoped3A : memref<!tpu.dma_semaphore, #tpu.memory_space<semaphore_mem>>)
      %dma_wait3A = arith.constant 0 : i32
      %dma_wait3A_13 = tpu.memref_slice %arg14[%mul3A_0, %dma_wait3A] : memref<10000x64xbf16, #tpu.memory_space<vmem_shared>> -> memref<625x64xbf16, #tpu.memory_space<vmem_shared>>
      tpu.wait_dma2 semaphore(%run_scoped3A : memref<!tpu.dma_semaphore, #tpu.memory_space<semaphore_mem>>) src(%arg8 : memref<625x64xbf16, #tpu.memory_space<hbm>>) dst(%dma_wait3A_13 : memref<625x64xbf16, #tpu.memory_space<vmem_shared>>)
      tpu.yield
    }) : () -> ()
    "tpu.region"() ({
      %run_scoped3A = tpu.sem_alloc : memref<!tpu.dma_semaphore, #tpu.memory_space<semaphore_mem>>
      %dma_start3A = arith.constant 0 : i32
      %dma_start3A_12 = tpu.memref_slice %arg15[%mul3A_0, %dma_start3A] : memref<10000x32xi16, #tpu.memory_space<vmem_shared>> -> memref<625x32xi16, #tpu.memory_space<vmem_shared>>
      tpu.enqueue_dma source(%arg9 : memref<625x32xi16, #tpu.memory_space<hbm>>) target(%dma_start3A_12 : memref<625x32xi16, #tpu.memory_space<vmem_shared>>) target_semaphore(%run_scoped3A : memref<!tpu.dma_semaphore, #tpu.memory_space<semaphore_mem>>)
      %dma_wait3A = arith.constant 0 : i32
      %dma_wait3A_13 = tpu.memref_slice %arg15[%mul3A_0, %dma_wait3A] : memref<10000x32xi16, #tpu.memory_space<vmem_shared>> -> memref<625x32xi16, #tpu.memory_space<vmem_shared>>
      tpu.wait_dma2 semaphore(%run_scoped3A : memref<!tpu.dma_semaphore, #tpu.memory_space<semaphore_mem>>) src(%arg9 : memref<625x32xi16, #tpu.memory_space<hbm>>) dst(%dma_wait3A_13 : memref<625x32xi16, #tpu.memory_space<vmem_shared>>)
      tpu.yield
    }) : () -> ()
    %barrier3A = arith.constant 0 : index
    tpu.barrier barrier_id(%barrier3A)
    %eq3A = arith.constant 0 : i32
    %eq3A_5 = arith.cmpi eq, %arg0, %eq3A : i32
    %convert_element_type3A = arith.extui %eq3A_5 : i1 to i32
    %cond3A = arith.constant 0 : i32
    %cond3A_6 = arith.cmpi ne, %convert_element_type3A, %cond3A : i32
    scf.if %cond3A_6 {
      "tpu.region"() ({
        %run_scoped3A = tpu.sem_alloc : memref<!tpu.dma_semaphore, #tpu.memory_space<semaphore_mem>>
        %dma_start3A_105 = arith.constant 0 : i32
        %dma_start3A_106 = tpu.memref_slice %arg6[%add3A, %dma_start3A_105] : memref<2500x128xi32, #tpu.memory_space<hbm>> -> memref<157x128xi32, #tpu.memory_space<hbm>>
        %dma_start3A_107 = arith.constant 0 : i32
        %dma_start3A_108 = tpu.memref_slice %arg6[%add3A, %dma_start3A_107] : memref<2500x128xi32, #tpu.memory_space<hbm>> -> memref<157x128xi32, #tpu.memory_space<hbm>>
        tpu.enqueue_dma source(%dma_start3A_108 : memref<157x128xi32, #tpu.memory_space<hbm>>) target(%arg16 : memref<157x128xi32, #tpu.memory_space<vmem>>) target_semaphore(%run_scoped3A : memref<!tpu.dma_semaphore, #tpu.memory_space<semaphore_mem>>)
        %dma_wait3A = arith.constant 0 : i32
        %dma_wait3A_109 = tpu.memref_slice %arg6[%add3A, %dma_wait3A] : memref<2500x128xi32, #tpu.memory_space<hbm>> -> memref<157x128xi32, #tpu.memory_space<hbm>>
        %dma_wait3A_110 = arith.constant 0 : i32
        %dma_wait3A_111 = tpu.memref_slice %arg6[%add3A, %dma_wait3A_110] : memref<2500x128xi32, #tpu.memory_space<hbm>> -> memref<157x128xi32, #tpu.memory_space<hbm>>
        tpu.wait_dma2 semaphore(%run_scoped3A : memref<!tpu.dma_semaphore, #tpu.memory_space<semaphore_mem>>) src(%dma_wait3A_111 : memref<157x128xi32, #tpu.memory_space<hbm>>) dst(%arg16 : memref<157x128xi32, #tpu.memory_space<vmem>>)
        tpu.yield
      }) : () -> ()
      "tpu.region"() ({
        %run_scoped3A = tpu.sem_alloc : memref<!tpu.dma_semaphore, #tpu.memory_space<semaphore_mem>>
        %dma_start3A_105 = arith.constant 0 : i32
        %dma_start3A_106 = tpu.memref_slice %arg7[%add3A, %dma_start3A_105] : memref<2500x128xi32, #tpu.memory_space<hbm>> -> memref<157x128xi32, #tpu.memory_space<hbm>>
        %dma_start3A_107 = arith.constant 0 : i32
        %dma_start3A_108 = tpu.memref_slice %arg7[%add3A, %dma_start3A_107] : memref<2500x128xi32, #tpu.memory_space<hbm>> -> memref<157x128xi32, #tpu.memory_space<hbm>>
        tpu.enqueue_dma source(%dma_start3A_108 : memref<157x128xi32, #tpu.memory_space<hbm>>) target(%arg17 : memref<157x128xi32, #tpu.memory_space<vmem>>) target_semaphore(%run_scoped3A : memref<!tpu.dma_semaphore, #tpu.memory_space<semaphore_mem>>)
        %dma_wait3A = arith.constant 0 : i32
        %dma_wait3A_109 = tpu.memref_slice %arg7[%add3A, %dma_wait3A] : memref<2500x128xi32, #tpu.memory_space<hbm>> -> memref<157x128xi32, #tpu.memory_space<hbm>>
        %dma_wait3A_110 = arith.constant 0 : i32
        %dma_wait3A_111 = tpu.memref_slice %arg7[%add3A, %dma_wait3A_110] : memref<2500x128xi32, #tpu.memory_space<hbm>> -> memref<157x128xi32, #tpu.memory_space<hbm>>
        tpu.wait_dma2 semaphore(%run_scoped3A : memref<!tpu.dma_semaphore, #tpu.memory_space<semaphore_mem>>) src(%dma_wait3A_111 : memref<157x128xi32, #tpu.memory_space<hbm>>) dst(%arg17 : memref<157x128xi32, #tpu.memory_space<vmem>>)
        tpu.yield
      }) : () -> ()
      %dma_start3A = arith.constant 0 : i32
      %dma_start3A_12 = arith.constant 0 : i32
      %dma_start3A_13 = tpu.memref_slice %arg16[%dma_start3A, %dma_start3A_12] : memref<157x128xi32, #tpu.memory_space<vmem>> -> memref<1x128xi32, #tpu.memory_space<vmem>>
      %dma_start3A_14 = tpu.memref_squeeze %dma_start3A_13 : memref<1x128xi32, #tpu.memory_space<vmem>> -> memref<128xi32, #tpu.memory_space<vmem>>
      %dma_start3A_15 = arith.constant 0 : i32
      %dma_start3A_16 = arith.constant 0 : i32
      %dma_start3A_17 = tpu.memref_slice %arg2[%dma_start3A_15, %dma_start3A_16] : memref<10000x64xbf16, #tpu.memory_space<hbm>> -> memref<10000x64xbf16, #tpu.memory_space<hbm>>
      tpu.enqueue_indirect_dma source(%dma_start3A_17 : memref<10000x64xbf16, #tpu.memory_space<hbm>>) target(%arg18 : memref<128x64xbf16, #tpu.memory_space<vmem>>) offsets(%dma_start3A_14 : memref<128xi32, #tpu.memory_space<vmem>>) semaphore(%arg30 : memref<!tpu.dma_semaphore, #tpu.memory_space<semaphore_mem>>)
      %dma_start3A_18 = arith.constant 0 : i32
      %dma_start3A_19 = arith.constant 0 : i32
      %dma_start3A_20 = tpu.memref_slice %arg16[%dma_start3A_18, %dma_start3A_19] : memref<157x128xi32, #tpu.memory_space<vmem>> -> memref<1x128xi32, #tpu.memory_space<vmem>>
      %dma_start3A_21 = tpu.memref_squeeze %dma_start3A_20 : memref<1x128xi32, #tpu.memory_space<vmem>> -> memref<128xi32, #tpu.memory_space<vmem>>
      %dma_start3A_22 = arith.constant 0 : i32
      %dma_start3A_23 = arith.constant 0 : i32
      %dma_start3A_24 = tpu.memref_slice %arg4[%dma_start3A_22, %dma_start3A_23] : memref<10000x32xi16, #tpu.memory_space<hbm>> -> memref<10000x32xi16, #tpu.memory_space<hbm>>
      tpu.enqueue_indirect_dma source(%dma_start3A_24 : memref<10000x32xi16, #tpu.memory_space<hbm>>) target(%arg24 : memref<128x32xi16, #tpu.memory_space<vmem>>) offsets(%dma_start3A_21 : memref<128xi32, #tpu.memory_space<vmem>>) semaphore(%arg30 : memref<!tpu.dma_semaphore, #tpu.memory_space<semaphore_mem>>)
      %dma_start3A_25 = arith.constant 1 : i32
      %dma_start3A_26 = arith.constant 0 : i32
      %dma_start3A_27 = tpu.memref_slice %arg16[%dma_start3A_25, %dma_start3A_26] : memref<157x128xi32, #tpu.memory_space<vmem>> -> memref<1x128xi32, #tpu.memory_space<vmem>>
      %dma_start3A_28 = tpu.memref_squeeze %dma_start3A_27 : memref<1x128xi32, #tpu.memory_space<vmem>> -> memref<128xi32, #tpu.memory_space<vmem>>
      %dma_start3A_29 = arith.constant 0 : i32
      %dma_start3A_30 = arith.constant 0 : i32
      %dma_start3A_31 = tpu.memref_slice %arg2[%dma_start3A_29, %dma_start3A_30] : memref<10000x64xbf16, #tpu.memory_space<hbm>> -> memref<10000x64xbf16, #tpu.memory_space<hbm>>
      tpu.enqueue_indirect_dma source(%dma_start3A_31 : memref<10000x64xbf16, #tpu.memory_space<hbm>>) target(%arg19 : memref<128x64xbf16, #tpu.memory_space<vmem>>) offsets(%dma_start3A_28 : memref<128xi32, #tpu.memory_space<vmem>>) semaphore(%arg31 : memref<!tpu.dma_semaphore, #tpu.memory_space<semaphore_mem>>)
      %dma_start3A_32 = arith.constant 1 : i32
      %dma_start3A_33 = arith.constant 0 : i32
      %dma_start3A_34 = tpu.memref_slice %arg16[%dma_start3A_32, %dma_start3A_33] : memref<157x128xi32, #tpu.memory_space<vmem>> -> memref<1x128xi32, #tpu.memory_space<vmem>>
      %dma_start3A_35 = tpu.memref_squeeze %dma_start3A_34 : memref<1x128xi32, #tpu.memory_space<vmem>> -> memref<128xi32, #tpu.memory_space<vmem>>
      %dma_start3A_36 = arith.constant 0 : i32
      %dma_start3A_37 = arith.constant 0 : i32
      %dma_start3A_38 = tpu.memref_slice %arg4[%dma_start3A_36, %dma_start3A_37] : memref<10000x32xi16, #tpu.memory_space<hbm>> -> memref<10000x32xi16, #tpu.memory_space<hbm>>
      tpu.enqueue_indirect_dma source(%dma_start3A_38 : memref<10000x32xi16, #tpu.memory_space<hbm>>) target(%arg25 : memref<128x32xi16, #tpu.memory_space<vmem>>) offsets(%dma_start3A_35 : memref<128xi32, #tpu.memory_space<vmem>>) semaphore(%arg31 : memref<!tpu.dma_semaphore, #tpu.memory_space<semaphore_mem>>)
      %dma_start3A_39 = arith.constant 2 : i32
      %dma_start3A_40 = arith.constant 0 : i32
      %dma_start3A_41 = tpu.memref_slice %arg16[%dma_start3A_39, %dma_start3A_40] : memref<157x128xi32, #tpu.memory_space<vmem>> -> memref<1x128xi32, #tpu.memory_space<vmem>>
      %dma_start3A_42 = tpu.memref_squeeze %dma_start3A_41 : memref<1x128xi32, #tpu.memory_space<vmem>> -> memref<128xi32, #tpu.memory_space<vmem>>
      %dma_start3A_43 = arith.constant 0 : i32
      %dma_start3A_44 = arith.constant 0 : i32
      %dma_start3A_45 = tpu.memref_slice %arg2[%dma_start3A_43, %dma_start3A_44] : memref<10000x64xbf16, #tpu.memory_space<hbm>> -> memref<10000x64xbf16, #tpu.memory_space<hbm>>
      tpu.enqueue_indirect_dma source(%dma_start3A_45 : memref<10000x64xbf16, #tpu.memory_space<hbm>>) target(%arg20 : memref<128x64xbf16, #tpu.memory_space<vmem>>) offsets(%dma_start3A_42 : memref<128xi32, #tpu.memory_space<vmem>>) semaphore(%arg32 : memref<!tpu.dma_semaphore, #tpu.memory_space<semaphore_mem>>)
      %dma_start3A_46 = arith.constant 2 : i32
      %dma_start3A_47 = arith.constant 0 : i32
      %dma_start3A_48 = tpu.memref_slice %arg16[%dma_start3A_46, %dma_start3A_47] : memref<157x128xi32, #tpu.memory_space<vmem>> -> memref<1x128xi32, #tpu.memory_space<vmem>>
      %dma_start3A_49 = tpu.memref_squeeze %dma_start3A_48 : memref<1x128xi32, #tpu.memory_space<vmem>> -> memref<128xi32, #tpu.memory_space<vmem>>
      %dma_start3A_50 = arith.constant 0 : i32
      %dma_start3A_51 = arith.constant 0 : i32
      %dma_start3A_52 = tpu.memref_slice %arg4[%dma_start3A_50, %dma_start3A_51] : memref<10000x32xi16, #tpu.memory_space<hbm>> -> memref<10000x32xi16, #tpu.memory_space<hbm>>
      tpu.enqueue_indirect_dma source(%dma_start3A_52 : memref<10000x32xi16, #tpu.memory_space<hbm>>) target(%arg26 : memref<128x32xi16, #tpu.memory_space<vmem>>) offsets(%dma_start3A_49 : memref<128xi32, #tpu.memory_space<vmem>>) semaphore(%arg32 : memref<!tpu.dma_semaphore, #tpu.memory_space<semaphore_mem>>)
      %dma_start3A_53 = arith.constant 3 : i32
      %dma_start3A_54 = arith.constant 0 : i32
      %dma_start3A_55 = tpu.memref_slice %arg16[%dma_start3A_53, %dma_start3A_54] : memref<157x128xi32, #tpu.memory_space<vmem>> -> memref<1x128xi32, #tpu.memory_space<vmem>>
      %dma_start3A_56 = tpu.memref_squeeze %dma_start3A_55 : memref<1x128xi32, #tpu.memory_space<vmem>> -> memref<128xi32, #tpu.memory_space<vmem>>
      %dma_start3A_57 = arith.constant 0 : i32
      %dma_start3A_58 = arith.constant 0 : i32
      %dma_start3A_59 = tpu.memref_slice %arg2[%dma_start3A_57, %dma_start3A_58] : memref<10000x64xbf16, #tpu.memory_space<hbm>> -> memref<10000x64xbf16, #tpu.memory_space<hbm>>
      tpu.enqueue_indirect_dma source(%dma_start3A_59 : memref<10000x64xbf16, #tpu.memory_space<hbm>>) target(%arg21 : memref<128x64xbf16, #tpu.memory_space<vmem>>) offsets(%dma_start3A_56 : memref<128xi32, #tpu.memory_space<vmem>>) semaphore(%arg33 : memref<!tpu.dma_semaphore, #tpu.memory_space<semaphore_mem>>)
      %dma_start3A_60 = arith.constant 3 : i32
      %dma_start3A_61 = arith.constant 0 : i32
      %dma_start3A_62 = tpu.memref_slice %arg16[%dma_start3A_60, %dma_start3A_61] : memref<157x128xi32, #tpu.memory_space<vmem>> -> memref<1x128xi32, #tpu.memory_space<vmem>>
      %dma_start3A_63 = tpu.memref_squeeze %dma_start3A_62 : memref<1x128xi32, #tpu.memory_space<vmem>> -> memref<128xi32, #tpu.memory_space<vmem>>
      %dma_start3A_64 = arith.constant 0 : i32
      %dma_start3A_65 = arith.constant 0 : i32
      %dma_start3A_66 = tpu.memref_slice %arg4[%dma_start3A_64, %dma_start3A_65] : memref<10000x32xi16, #tpu.memory_space<hbm>> -> memref<10000x32xi16, #tpu.memory_space<hbm>>
      tpu.enqueue_indirect_dma source(%dma_start3A_66 : memref<10000x32xi16, #tpu.memory_space<hbm>>) target(%arg27 : memref<128x32xi16, #tpu.memory_space<vmem>>) offsets(%dma_start3A_63 : memref<128xi32, #tpu.memory_space<vmem>>) semaphore(%arg33 : memref<!tpu.dma_semaphore, #tpu.memory_space<semaphore_mem>>)
      %dma_start3A_67 = arith.constant 4 : i32
      %dma_start3A_68 = arith.constant 0 : i32
      %dma_start3A_69 = tpu.memref_slice %arg16[%dma_start3A_67, %dma_start3A_68] : memref<157x128xi32, #tpu.memory_space<vmem>> -> memref<1x128xi32, #tpu.memory_space<vmem>>
      %dma_start3A_70 = tpu.memref_squeeze %dma_start3A_69 : memref<1x128xi32, #tpu.memory_space<vmem>> -> memref<128xi32, #tpu.memory_space<vmem>>
      %dma_start3A_71 = arith.constant 0 : i32
      %dma_start3A_72 = arith.constant 0 : i32
      %dma_start3A_73 = tpu.memref_slice %arg2[%dma_start3A_71, %dma_start3A_72] : memref<10000x64xbf16, #tpu.memory_space<hbm>> -> memref<10000x64xbf16, #tpu.memory_space<hbm>>
      tpu.enqueue_indirect_dma source(%dma_start3A_73 : memref<10000x64xbf16, #tpu.memory_space<hbm>>) target(%arg22 : memref<128x64xbf16, #tpu.memory_space<vmem>>) offsets(%dma_start3A_70 : memref<128xi32, #tpu.memory_space<vmem>>) semaphore(%arg34 : memref<!tpu.dma_semaphore, #tpu.memory_space<semaphore_mem>>)
      %dma_start3A_74 = arith.constant 4 : i32
      %dma_start3A_75 = arith.constant 0 : i32
      %dma_start3A_76 = tpu.memref_slice %arg16[%dma_start3A_74, %dma_start3A_75] : memref<157x128xi32, #tpu.memory_space<vmem>> -> memref<1x128xi32, #tpu.memory_space<vmem>>
      %dma_start3A_77 = tpu.memref_squeeze %dma_start3A_76 : memref<1x128xi32, #tpu.memory_space<vmem>> -> memref<128xi32, #tpu.memory_space<vmem>>
      %dma_start3A_78 = arith.constant 0 : i32
      %dma_start3A_79 = arith.constant 0 : i32
      %dma_start3A_80 = tpu.memref_slice %arg4[%dma_start3A_78, %dma_start3A_79] : memref<10000x32xi16, #tpu.memory_space<hbm>> -> memref<10000x32xi16, #tpu.memory_space<hbm>>
      tpu.enqueue_indirect_dma source(%dma_start3A_80 : memref<10000x32xi16, #tpu.memory_space<hbm>>) target(%arg28 : memref<128x32xi16, #tpu.memory_space<vmem>>) offsets(%dma_start3A_77 : memref<128xi32, #tpu.memory_space<vmem>>) semaphore(%arg34 : memref<!tpu.dma_semaphore, #tpu.memory_space<semaphore_mem>>)
      %dma_start3A_81 = arith.constant 5 : i32
      %dma_start3A_82 = arith.constant 0 : i32
      %dma_start3A_83 = tpu.memref_slice %arg16[%dma_start3A_81, %dma_start3A_82] : memref<157x128xi32, #tpu.memory_space<vmem>> -> memref<1x128xi32, #tpu.memory_space<vmem>>
      %dma_start3A_84 = tpu.memref_squeeze %dma_start3A_83 : memref<1x128xi32, #tpu.memory_space<vmem>> -> memref<128xi32, #tpu.memory_space<vmem>>
      %dma_start3A_85 = arith.constant 0 : i32
      %dma_start3A_86 = arith.constant 0 : i32
      %dma_start3A_87 = tpu.memref_slice %arg2[%dma_start3A_85, %dma_start3A_86] : memref<10000x64xbf16, #tpu.memory_space<hbm>> -> memref<10000x64xbf16, #tpu.memory_space<hbm>>
      tpu.enqueue_indirect_dma source(%dma_start3A_87 : memref<10000x64xbf16, #tpu.memory_space<hbm>>) target(%arg23 : memref<128x64xbf16, #tpu.memory_space<vmem>>) offsets(%dma_start3A_84 : memref<128xi32, #tpu.memory_space<vmem>>) semaphore(%arg35 : memref<!tpu.dma_semaphore, #tpu.memory_space<semaphore_mem>>)
      %dma_start3A_88 = arith.constant 5 : i32
      %dma_start3A_89 = arith.constant 0 : i32
      %dma_start3A_90 = tpu.memref_slice %arg16[%dma_start3A_88, %dma_start3A_89] : memref<157x128xi32, #tpu.memory_space<vmem>> -> memref<1x128xi32, #tpu.memory_space<vmem>>
      %dma_start3A_91 = tpu.memref_squeeze %dma_start3A_90 : memref<1x128xi32, #tpu.memory_space<vmem>> -> memref<128xi32, #tpu.memory_space<vmem>>
      %dma_start3A_92 = arith.constant 0 : i32
      %dma_start3A_93 = arith.constant 0 : i32
      %dma_start3A_94 = tpu.memref_slice %arg4[%dma_start3A_92, %dma_start3A_93] : memref<10000x32xi16, #tpu.memory_space<hbm>> -> memref<10000x32xi16, #tpu.memory_space<hbm>>
      tpu.enqueue_indirect_dma source(%dma_start3A_94 : memref<10000x32xi16, #tpu.memory_space<hbm>>) target(%arg29 : memref<128x32xi16, #tpu.memory_space<vmem>>) offsets(%dma_start3A_91 : memref<128xi32, #tpu.memory_space<vmem>>) semaphore(%arg35 : memref<!tpu.dma_semaphore, #tpu.memory_space<semaphore_mem>>)
      %scan3A = arith.constant 0 : i32
      %scan3A_95 = arith.constant 0 : i32
      %scan3A_96 = arith.constant 26 : i32
      %scan3A_97 = arith.addi %scan3A_95, %scan3A_96 : i32
      %scan3A_98 = arith.constant 1 : i32
      scf.for %scan3A_105 = %scan3A_95 to %scan3A_97 step %scan3A_98  : i32 {
        %mul3A_106 = arith.constant 6 : i32
        %mul3A_107 = arith.muli %mul3A_106, %scan3A_105 : i32
        %add3A_108 = arith.constant 0 : i32
        %add3A_109 = arith.addi %mul3A_107, %add3A_108 : i32
        %dma_wait3A = arith.constant 0 : i32
        %dma_wait3A_110 = tpu.memref_slice %arg16[%add3A_109, %dma_wait3A] : memref<157x128xi32, #tpu.memory_space<vmem>> -> memref<1x128xi32, #tpu.memory_space<vmem>>
        %dma_wait3A_111 = tpu.memref_squeeze %dma_wait3A_110 : memref<1x128xi32, #tpu.memory_space<vmem>> -> memref<128xi32, #tpu.memory_space<vmem>>
        %dma_wait3A_112 = arith.constant 0 : i32
        %dma_wait3A_113 = arith.constant 0 : i32
        %dma_wait3A_114 = tpu.memref_slice %arg2[%dma_wait3A_112, %dma_wait3A_113] : memref<10000x64xbf16, #tpu.memory_space<hbm>> -> memref<10000x64xbf16, #tpu.memory_space<hbm>>
        tpu.wait_indirect_dma semaphore(%arg30 : memref<!tpu.dma_semaphore, #tpu.memory_space<semaphore_mem>>) src(%dma_wait3A_114 : memref<10000x64xbf16, #tpu.memory_space<hbm>>) dst(%arg18 : memref<128x64xbf16, #tpu.memory_space<vmem>>)
        %add3A_115 = arith.constant 0 : i32
        %add3A_116 = arith.addi %mul3A_107, %add3A_115 : i32
        %dma_wait3A_117 = arith.constant 0 : i32
        %dma_wait3A_118 = tpu.memref_slice %arg16[%add3A_116, %dma_wait3A_117] : memref<157x128xi32, #tpu.memory_space<vmem>> -> memref<1x128xi32, #tpu.memory_space<vmem>>
        %dma_wait3A_119 = tpu.memref_squeeze %dma_wait3A_118 : memref<1x128xi32, #tpu.memory_space<vmem>> -> memref<128xi32, #tpu.memory_space<vmem>>
        %dma_wait3A_120 = arith.constant 0 : i32
        %dma_wait3A_121 = arith.constant 0 : i32
        %dma_wait3A_122 = tpu.memref_slice %arg4[%dma_wait3A_120, %dma_wait3A_121] : memref<10000x32xi16, #tpu.memory_space<hbm>> -> memref<10000x32xi16, #tpu.memory_space<hbm>>
        tpu.wait_indirect_dma semaphore(%arg30 : memref<!tpu.dma_semaphore, #tpu.memory_space<semaphore_mem>>) src(%dma_wait3A_122 : memref<10000x32xi16, #tpu.memory_space<hbm>>) dst(%arg24 : memref<128x32xi16, #tpu.memory_space<vmem>>)
        %add3A_123 = arith.constant 0 : i32
        %add3A_124 = arith.addi %mul3A_107, %add3A_123 : i32
        %dma_start3A_125 = arith.constant 0 : i32
        %dma_start3A_126 = tpu.memref_slice %arg17[%add3A_124, %dma_start3A_125] : memref<157x128xi32, #tpu.memory_space<vmem>> -> memref<1x128xi32, #tpu.memory_space<vmem>>
        %dma_start3A_127 = tpu.memref_squeeze %dma_start3A_126 : memref<1x128xi32, #tpu.memory_space<vmem>> -> memref<128xi32, #tpu.memory_space<vmem>>
        %dma_start3A_128 = arith.constant 0 : i32
        %dma_start3A_129 = arith.constant 0 : i32
        %dma_start3A_130 = tpu.memref_slice %arg14[%dma_start3A_128, %dma_start3A_129] : memref<10000x64xbf16, #tpu.memory_space<vmem_shared>> -> memref<10000x64xbf16, #tpu.memory_space<vmem_shared>>
        tpu.enqueue_indirect_dma source(%arg18 : memref<128x64xbf16, #tpu.memory_space<vmem>>) target(%dma_start3A_130 : memref<10000x64xbf16, #tpu.memory_space<vmem_shared>>) offsets(%dma_start3A_127 : memref<128xi32, #tpu.memory_space<vmem>>) semaphore(%arg36 : memref<!tpu.dma_semaphore, #tpu.memory_space<semaphore_mem>>) {add = true}
        %add3A_131 = arith.constant 0 : i32
        %add3A_132 = arith.addi %mul3A_107, %add3A_131 : i32
        %dma_start3A_133 = arith.constant 0 : i32
        %dma_start3A_134 = tpu.memref_slice %arg17[%add3A_132, %dma_start3A_133] : memref<157x128xi32, #tpu.memory_space<vmem>> -> memref<1x128xi32, #tpu.memory_space<vmem>>
        %dma_start3A_135 = tpu.memref_squeeze %dma_start3A_134 : memref<1x128xi32, #tpu.memory_space<vmem>> -> memref<128xi32, #tpu.memory_space<vmem>>
        %dma_start3A_136 = arith.constant 0 : i32
        %dma_start3A_137 = arith.constant 0 : i32
        %dma_start3A_138 = tpu.memref_slice %arg15[%dma_start3A_136, %dma_start3A_137] : memref<10000x32xi16, #tpu.memory_space<vmem_shared>> -> memref<10000x32xi16, #tpu.memory_space<vmem_shared>>
        tpu.enqueue_indirect_dma source(%arg24 : memref<128x32xi16, #tpu.memory_space<vmem>>) target(%dma_start3A_138 : memref<10000x32xi16, #tpu.memory_space<vmem_shared>>) offsets(%dma_start3A_135 : memref<128xi32, #tpu.memory_space<vmem>>) semaphore(%arg36 : memref<!tpu.dma_semaphore, #tpu.memory_space<semaphore_mem>>) {add = true}
        %add3A_139 = arith.constant 1 : i32
        %add3A_140 = arith.addi %mul3A_107, %add3A_139 : i32
        %dma_wait3A_141 = arith.constant 0 : i32
        %dma_wait3A_142 = tpu.memref_slice %arg16[%add3A_140, %dma_wait3A_141] : memref<157x128xi32, #tpu.memory_space<vmem>> -> memref<1x128xi32, #tpu.memory_space<vmem>>
        %dma_wait3A_143 = tpu.memref_squeeze %dma_wait3A_142 : memref<1x128xi32, #tpu.memory_space<vmem>> -> memref<128xi32, #tpu.memory_space<vmem>>
        %dma_wait3A_144 = arith.constant 0 : i32
        %dma_wait3A_145 = arith.constant 0 : i32
        %dma_wait3A_146 = tpu.memref_slice %arg2[%dma_wait3A_144, %dma_wait3A_145] : memref<10000x64xbf16, #tpu.memory_space<hbm>> -> memref<10000x64xbf16, #tpu.memory_space<hbm>>
        tpu.wait_indirect_dma semaphore(%arg31 : memref<!tpu.dma_semaphore, #tpu.memory_space<semaphore_mem>>) src(%dma_wait3A_146 : memref<10000x64xbf16, #tpu.memory_space<hbm>>) dst(%arg19 : memref<128x64xbf16, #tpu.memory_space<vmem>>)
        %add3A_147 = arith.constant 1 : i32
        %add3A_148 = arith.addi %mul3A_107, %add3A_147 : i32
        %dma_wait3A_149 = arith.constant 0 : i32
        %dma_wait3A_150 = tpu.memref_slice %arg16[%add3A_148, %dma_wait3A_149] : memref<157x128xi32, #tpu.memory_space<vmem>> -> memref<1x128xi32, #tpu.memory_space<vmem>>
        %dma_wait3A_151 = tpu.memref_squeeze %dma_wait3A_150 : memref<1x128xi32, #tpu.memory_space<vmem>> -> memref<128xi32, #tpu.memory_space<vmem>>
        %dma_wait3A_152 = arith.constant 0 : i32
        %dma_wait3A_153 = arith.constant 0 : i32
        %dma_wait3A_154 = tpu.memref_slice %arg4[%dma_wait3A_152, %dma_wait3A_153] : memref<10000x32xi16, #tpu.memory_space<hbm>> -> memref<10000x32xi16, #tpu.memory_space<hbm>>
        tpu.wait_indirect_dma semaphore(%arg31 : memref<!tpu.dma_semaphore, #tpu.memory_space<semaphore_mem>>) src(%dma_wait3A_154 : memref<10000x32xi16, #tpu.memory_space<hbm>>) dst(%arg25 : memref<128x32xi16, #tpu.memory_space<vmem>>)
        %add3A_155 = arith.constant 1 : i32
        %add3A_156 = arith.addi %mul3A_107, %add3A_155 : i32
        %dma_start3A_157 = arith.constant 0 : i32
        %dma_start3A_158 = tpu.memref_slice %arg17[%add3A_156, %dma_start3A_157] : memref<157x128xi32, #tpu.memory_space<vmem>> -> memref<1x128xi32, #tpu.memory_space<vmem>>
        %dma_start3A_159 = tpu.memref_squeeze %dma_start3A_158 : memref<1x128xi32, #tpu.memory_space<vmem>> -> memref<128xi32, #tpu.memory_space<vmem>>
        %dma_start3A_160 = arith.constant 0 : i32
        %dma_start3A_161 = arith.constant 0 : i32
        %dma_start3A_162 = tpu.memref_slice %arg14[%dma_start3A_160, %dma_start3A_161] : memref<10000x64xbf16, #tpu.memory_space<vmem_shared>> -> memref<10000x64xbf16, #tpu.memory_space<vmem_shared>>
        tpu.enqueue_indirect_dma source(%arg19 : memref<128x64xbf16, #tpu.memory_space<vmem>>) target(%dma_start3A_162 : memref<10000x64xbf16, #tpu.memory_space<vmem_shared>>) offsets(%dma_start3A_159 : memref<128xi32, #tpu.memory_space<vmem>>) semaphore(%arg37 : memref<!tpu.dma_semaphore, #tpu.memory_space<semaphore_mem>>) {add = true}
        %add3A_163 = arith.constant 1 : i32
        %add3A_164 = arith.addi %mul3A_107, %add3A_163 : i32
        %dma_start3A_165 = arith.constant 0 : i32
        %dma_start3A_166 = tpu.memref_slice %arg17[%add3A_164, %dma_start3A_165] : memref<157x128xi32, #tpu.memory_space<vmem>> -> memref<1x128xi32, #tpu.memory_space<vmem>>
        %dma_start3A_167 = tpu.memref_squeeze %dma_start3A_166 : memref<1x128xi32, #tpu.memory_space<vmem>> -> memref<128xi32, #tpu.memory_space<vmem>>
        %dma_start3A_168 = arith.constant 0 : i32
        %dma_start3A_169 = arith.constant 0 : i32
        %dma_start3A_170 = tpu.memref_slice %arg15[%dma_start3A_168, %dma_start3A_169] : memref<10000x32xi16, #tpu.memory_space<vmem_shared>> -> memref<10000x32xi16, #tpu.memory_space<vmem_shared>>
        tpu.enqueue_indirect_dma source(%arg25 : memref<128x32xi16, #tpu.memory_space<vmem>>) target(%dma_start3A_170 : memref<10000x32xi16, #tpu.memory_space<vmem_shared>>) offsets(%dma_start3A_167 : memref<128xi32, #tpu.memory_space<vmem>>) semaphore(%arg37 : memref<!tpu.dma_semaphore, #tpu.memory_space<semaphore_mem>>) {add = true}
        %add3A_171 = arith.constant 2 : i32
        %add3A_172 = arith.addi %mul3A_107, %add3A_171 : i32
        %dma_wait3A_173 = arith.constant 0 : i32
        %dma_wait3A_174 = tpu.memref_slice %arg16[%add3A_172, %dma_wait3A_173] : memref<157x128xi32, #tpu.memory_space<vmem>> -> memref<1x128xi32, #tpu.memory_space<vmem>>
        %dma_wait3A_175 = tpu.memref_squeeze %dma_wait3A_174 : memref<1x128xi32, #tpu.memory_space<vmem>> -> memref<128xi32, #tpu.memory_space<vmem>>
        %dma_wait3A_176 = arith.constant 0 : i32
        %dma_wait3A_177 = arith.constant 0 : i32
        %dma_wait3A_178 = tpu.memref_slice %arg2[%dma_wait3A_176, %dma_wait3A_177] : memref<10000x64xbf16, #tpu.memory_space<hbm>> -> memref<10000x64xbf16, #tpu.memory_space<hbm>>
        tpu.wait_indirect_dma semaphore(%arg32 : memref<!tpu.dma_semaphore, #tpu.memory_space<semaphore_mem>>) src(%dma_wait3A_178 : memref<10000x64xbf16, #tpu.memory_space<hbm>>) dst(%arg20 : memref<128x64xbf16, #tpu.memory_space<vmem>>)
        %add3A_179 = arith.constant 2 : i32
        %add3A_180 = arith.addi %mul3A_107, %add3A_179 : i32
        %dma_wait3A_181 = arith.constant 0 : i32
        %dma_wait3A_182 = tpu.memref_slice %arg16[%add3A_180, %dma_wait3A_181] : memref<157x128xi32, #tpu.memory_space<vmem>> -> memref<1x128xi32, #tpu.memory_space<vmem>>
        %dma_wait3A_183 = tpu.memref_squeeze %dma_wait3A_182 : memref<1x128xi32, #tpu.memory_space<vmem>> -> memref<128xi32, #tpu.memory_space<vmem>>
        %dma_wait3A_184 = arith.constant 0 : i32
        %dma_wait3A_185 = arith.constant 0 : i32
        %dma_wait3A_186 = tpu.memref_slice %arg4[%dma_wait3A_184, %dma_wait3A_185] : memref<10000x32xi16, #tpu.memory_space<hbm>> -> memref<10000x32xi16, #tpu.memory_space<hbm>>
        tpu.wait_indirect_dma semaphore(%arg32 : memref<!tpu.dma_semaphore, #tpu.memory_space<semaphore_mem>>) src(%dma_wait3A_186 : memref<10000x32xi16, #tpu.memory_space<hbm>>) dst(%arg26 : memref<128x32xi16, #tpu.memory_space<vmem>>)
        %add3A_187 = arith.constant 2 : i32
        %add3A_188 = arith.addi %mul3A_107, %add3A_187 : i32
        %dma_start3A_189 = arith.constant 0 : i32
        %dma_start3A_190 = tpu.memref_slice %arg17[%add3A_188, %dma_start3A_189] : memref<157x128xi32, #tpu.memory_space<vmem>> -> memref<1x128xi32, #tpu.memory_space<vmem>>
        %dma_start3A_191 = tpu.memref_squeeze %dma_start3A_190 : memref<1x128xi32, #tpu.memory_space<vmem>> -> memref<128xi32, #tpu.memory_space<vmem>>
        %dma_start3A_192 = arith.constant 0 : i32
        %dma_start3A_193 = arith.constant 0 : i32
        %dma_start3A_194 = tpu.memref_slice %arg14[%dma_start3A_192, %dma_start3A_193] : memref<10000x64xbf16, #tpu.memory_space<vmem_shared>> -> memref<10000x64xbf16, #tpu.memory_space<vmem_shared>>
        tpu.enqueue_indirect_dma source(%arg20 : memref<128x64xbf16, #tpu.memory_space<vmem>>) target(%dma_start3A_194 : memref<10000x64xbf16, #tpu.memory_space<vmem_shared>>) offsets(%dma_start3A_191 : memref<128xi32, #tpu.memory_space<vmem>>) semaphore(%arg38 : memref<!tpu.dma_semaphore, #tpu.memory_space<semaphore_mem>>) {add = true}
        %add3A_195 = arith.constant 2 : i32
        %add3A_196 = arith.addi %mul3A_107, %add3A_195 : i32
        %dma_start3A_197 = arith.constant 0 : i32
        %dma_start3A_198 = tpu.memref_slice %arg17[%add3A_196, %dma_start3A_197] : memref<157x128xi32, #tpu.memory_space<vmem>> -> memref<1x128xi32, #tpu.memory_space<vmem>>
        %dma_start3A_199 = tpu.memref_squeeze %dma_start3A_198 : memref<1x128xi32, #tpu.memory_space<vmem>> -> memref<128xi32, #tpu.memory_space<vmem>>
        %dma_start3A_200 = arith.constant 0 : i32
        %dma_start3A_201 = arith.constant 0 : i32
        %dma_start3A_202 = tpu.memref_slice %arg15[%dma_start3A_200, %dma_start3A_201] : memref<10000x32xi16, #tpu.memory_space<vmem_shared>> -> memref<10000x32xi16, #tpu.memory_space<vmem_shared>>
        tpu.enqueue_indirect_dma source(%arg26 : memref<128x32xi16, #tpu.memory_space<vmem>>) target(%dma_start3A_202 : memref<10000x32xi16, #tpu.memory_space<vmem_shared>>) offsets(%dma_start3A_199 : memref<128xi32, #tpu.memory_space<vmem>>) semaphore(%arg38 : memref<!tpu.dma_semaphore, #tpu.memory_space<semaphore_mem>>) {add = true}
        %add3A_203 = arith.constant 3 : i32
        %add3A_204 = arith.addi %mul3A_107, %add3A_203 : i32
        %dma_wait3A_205 = arith.constant 0 : i32
        %dma_wait3A_206 = tpu.memref_slice %arg16[%add3A_204, %dma_wait3A_205] : memref<157x128xi32, #tpu.memory_space<vmem>> -> memref<1x128xi32, #tpu.memory_space<vmem>>
        %dma_wait3A_207 = tpu.memref_squeeze %dma_wait3A_206 : memref<1x128xi32, #tpu.memory_space<vmem>> -> memref<128xi32, #tpu.memory_space<vmem>>
        %dma_wait3A_208 = arith.constant 0 : i32
        %dma_wait3A_209 = arith.constant 0 : i32
        %dma_wait3A_210 = tpu.memref_slice %arg2[%dma_wait3A_208, %dma_wait3A_209] : memref<10000x64xbf16, #tpu.memory_space<hbm>> -> memref<10000x64xbf16, #tpu.memory_space<hbm>>
        tpu.wait_indirect_dma semaphore(%arg33 : memref<!tpu.dma_semaphore, #tpu.memory_space<semaphore_mem>>) src(%dma_wait3A_210 : memref<10000x64xbf16, #tpu.memory_space<hbm>>) dst(%arg21 : memref<128x64xbf16, #tpu.memory_space<vmem>>)
        %add3A_211 = arith.constant 3 : i32
        %add3A_212 = arith.addi %mul3A_107, %add3A_211 : i32
        %dma_wait3A_213 = arith.constant 0 : i32
        %dma_wait3A_214 = tpu.memref_slice %arg16[%add3A_212, %dma_wait3A_213] : memref<157x128xi32, #tpu.memory_space<vmem>> -> memref<1x128xi32, #tpu.memory_space<vmem>>
        %dma_wait3A_215 = tpu.memref_squeeze %dma_wait3A_214 : memref<1x128xi32, #tpu.memory_space<vmem>> -> memref<128xi32, #tpu.memory_space<vmem>>
        %dma_wait3A_216 = arith.constant 0 : i32
        %dma_wait3A_217 = arith.constant 0 : i32
        %dma_wait3A_218 = tpu.memref_slice %arg4[%dma_wait3A_216, %dma_wait3A_217] : memref<10000x32xi16, #tpu.memory_space<hbm>> -> memref<10000x32xi16, #tpu.memory_space<hbm>>
        tpu.wait_indirect_dma semaphore(%arg33 : memref<!tpu.dma_semaphore, #tpu.memory_space<semaphore_mem>>) src(%dma_wait3A_218 : memref<10000x32xi16, #tpu.memory_space<hbm>>) dst(%arg27 : memref<128x32xi16, #tpu.memory_space<vmem>>)
        %add3A_219 = arith.constant 3 : i32
        %add3A_220 = arith.addi %mul3A_107, %add3A_219 : i32
        %dma_start3A_221 = arith.constant 0 : i32
        %dma_start3A_222 = tpu.memref_slice %arg17[%add3A_220, %dma_start3A_221] : memref<157x128xi32, #tpu.memory_space<vmem>> -> memref<1x128xi32, #tpu.memory_space<vmem>>
        %dma_start3A_223 = tpu.memref_squeeze %dma_start3A_222 : memref<1x128xi32, #tpu.memory_space<vmem>> -> memref<128xi32, #tpu.memory_space<vmem>>
        %dma_start3A_224 = arith.constant 0 : i32
        %dma_start3A_225 = arith.constant 0 : i32
        %dma_start3A_226 = tpu.memref_slice %arg14[%dma_start3A_224, %dma_start3A_225] : memref<10000x64xbf16, #tpu.memory_space<vmem_shared>> -> memref<10000x64xbf16, #tpu.memory_space<vmem_shared>>
        tpu.enqueue_indirect_dma source(%arg21 : memref<128x64xbf16, #tpu.memory_space<vmem>>) target(%dma_start3A_226 : memref<10000x64xbf16, #tpu.memory_space<vmem_shared>>) offsets(%dma_start3A_223 : memref<128xi32, #tpu.memory_space<vmem>>) semaphore(%arg39 : memref<!tpu.dma_semaphore, #tpu.memory_space<semaphore_mem>>) {add = true}
        %add3A_227 = arith.constant 3 : i32
        %add3A_228 = arith.addi %mul3A_107, %add3A_227 : i32
        %dma_start3A_229 = arith.constant 0 : i32
        %dma_start3A_230 = tpu.memref_slice %arg17[%add3A_228, %dma_start3A_229] : memref<157x128xi32, #tpu.memory_space<vmem>> -> memref<1x128xi32, #tpu.memory_space<vmem>>
        %dma_start3A_231 = tpu.memref_squeeze %dma_start3A_230 : memref<1x128xi32, #tpu.memory_space<vmem>> -> memref<128xi32, #tpu.memory_space<vmem>>
        %dma_start3A_232 = arith.constant 0 : i32
        %dma_start3A_233 = arith.constant 0 : i32
        %dma_start3A_234 = tpu.memref_slice %arg15[%dma_start3A_232, %dma_start3A_233] : memref<10000x32xi16, #tpu.memory_space<vmem_shared>> -> memref<10000x32xi16, #tpu.memory_space<vmem_shared>>
        tpu.enqueue_indirect_dma source(%arg27 : memref<128x32xi16, #tpu.memory_space<vmem>>) target(%dma_start3A_234 : memref<10000x32xi16, #tpu.memory_space<vmem_shared>>) offsets(%dma_start3A_231 : memref<128xi32, #tpu.memory_space<vmem>>) semaphore(%arg39 : memref<!tpu.dma_semaphore, #tpu.memory_space<semaphore_mem>>) {add = true}
        %add3A_235 = arith.constant 4 : i32
        %add3A_236 = arith.addi %mul3A_107, %add3A_235 : i32
        %dma_wait3A_237 = arith.constant 0 : i32
        %dma_wait3A_238 = tpu.memref_slice %arg16[%add3A_236, %dma_wait3A_237] : memref<157x128xi32, #tpu.memory_space<vmem>> -> memref<1x128xi32, #tpu.memory_space<vmem>>
        %dma_wait3A_239 = tpu.memref_squeeze %dma_wait3A_238 : memref<1x128xi32, #tpu.memory_space<vmem>> -> memref<128xi32, #tpu.memory_space<vmem>>
        %dma_wait3A_240 = arith.constant 0 : i32
        %dma_wait3A_241 = arith.constant 0 : i32
        %dma_wait3A_242 = tpu.memref_slice %arg2[%dma_wait3A_240, %dma_wait3A_241] : memref<10000x64xbf16, #tpu.memory_space<hbm>> -> memref<10000x64xbf16, #tpu.memory_space<hbm>>
        tpu.wait_indirect_dma semaphore(%arg34 : memref<!tpu.dma_semaphore, #tpu.memory_space<semaphore_mem>>) src(%dma_wait3A_242 : memref<10000x64xbf16, #tpu.memory_space<hbm>>) dst(%arg22 : memref<128x64xbf16, #tpu.memory_space<vmem>>)
        %add3A_243 = arith.constant 4 : i32
        %add3A_244 = arith.addi %mul3A_107, %add3A_243 : i32
        %dma_wait3A_245 = arith.constant 0 : i32
        %dma_wait3A_246 = tpu.memref_slice %arg16[%add3A_244, %dma_wait3A_245] : memref<157x128xi32, #tpu.memory_space<vmem>> -> memref<1x128xi32, #tpu.memory_space<vmem>>
        %dma_wait3A_247 = tpu.memref_squeeze %dma_wait3A_246 : memref<1x128xi32, #tpu.memory_space<vmem>> -> memref<128xi32, #tpu.memory_space<vmem>>
        %dma_wait3A_248 = arith.constant 0 : i32
        %dma_wait3A_249 = arith.constant 0 : i32
        %dma_wait3A_250 = tpu.memref_slice %arg4[%dma_wait3A_248, %dma_wait3A_249] : memref<10000x32xi16, #tpu.memory_space<hbm>> -> memref<10000x32xi16, #tpu.memory_space<hbm>>
        tpu.wait_indirect_dma semaphore(%arg34 : memref<!tpu.dma_semaphore, #tpu.memory_space<semaphore_mem>>) src(%dma_wait3A_250 : memref<10000x32xi16, #tpu.memory_space<hbm>>) dst(%arg28 : memref<128x32xi16, #tpu.memory_space<vmem>>)
        %add3A_251 = arith.constant 4 : i32
        %add3A_252 = arith.addi %mul3A_107, %add3A_251 : i32
        %dma_start3A_253 = arith.constant 0 : i32
        %dma_start3A_254 = tpu.memref_slice %arg17[%add3A_252, %dma_start3A_253] : memref<157x128xi32, #tpu.memory_space<vmem>> -> memref<1x128xi32, #tpu.memory_space<vmem>>
        %dma_start3A_255 = tpu.memref_squeeze %dma_start3A_254 : memref<1x128xi32, #tpu.memory_space<vmem>> -> memref<128xi32, #tpu.memory_space<vmem>>
        %dma_start3A_256 = arith.constant 0 : i32
        %dma_start3A_257 = arith.constant 0 : i32
        %dma_start3A_258 = tpu.memref_slice %arg14[%dma_start3A_256, %dma_start3A_257] : memref<10000x64xbf16, #tpu.memory_space<vmem_shared>> -> memref<10000x64xbf16, #tpu.memory_space<vmem_shared>>
        tpu.enqueue_indirect_dma source(%arg22 : memref<128x64xbf16, #tpu.memory_space<vmem>>) target(%dma_start3A_258 : memref<10000x64xbf16, #tpu.memory_space<vmem_shared>>) offsets(%dma_start3A_255 : memref<128xi32, #tpu.memory_space<vmem>>) semaphore(%arg40 : memref<!tpu.dma_semaphore, #tpu.memory_space<semaphore_mem>>) {add = true}
        %add3A_259 = arith.constant 4 : i32
        %add3A_260 = arith.addi %mul3A_107, %add3A_259 : i32
        %dma_start3A_261 = arith.constant 0 : i32
        %dma_start3A_262 = tpu.memref_slice %arg17[%add3A_260, %dma_start3A_261] : memref<157x128xi32, #tpu.memory_space<vmem>> -> memref<1x128xi32, #tpu.memory_space<vmem>>
        %dma_start3A_263 = tpu.memref_squeeze %dma_start3A_262 : memref<1x128xi32, #tpu.memory_space<vmem>> -> memref<128xi32, #tpu.memory_space<vmem>>
        %dma_start3A_264 = arith.constant 0 : i32
        %dma_start3A_265 = arith.constant 0 : i32
        %dma_start3A_266 = tpu.memref_slice %arg15[%dma_start3A_264, %dma_start3A_265] : memref<10000x32xi16, #tpu.memory_space<vmem_shared>> -> memref<10000x32xi16, #tpu.memory_space<vmem_shared>>
        tpu.enqueue_indirect_dma source(%arg28 : memref<128x32xi16, #tpu.memory_space<vmem>>) target(%dma_start3A_266 : memref<10000x32xi16, #tpu.memory_space<vmem_shared>>) offsets(%dma_start3A_263 : memref<128xi32, #tpu.memory_space<vmem>>) semaphore(%arg40 : memref<!tpu.dma_semaphore, #tpu.memory_space<semaphore_mem>>) {add = true}
        %add3A_267 = arith.constant 5 : i32
        %add3A_268 = arith.addi %mul3A_107, %add3A_267 : i32
        %dma_wait3A_269 = arith.constant 0 : i32
        %dma_wait3A_270 = tpu.memref_slice %arg16[%add3A_268, %dma_wait3A_269] : memref<157x128xi32, #tpu.memory_space<vmem>> -> memref<1x128xi32, #tpu.memory_space<vmem>>
        %dma_wait3A_271 = tpu.memref_squeeze %dma_wait3A_270 : memref<1x128xi32, #tpu.memory_space<vmem>> -> memref<128xi32, #tpu.memory_space<vmem>>
        %dma_wait3A_272 = arith.constant 0 : i32
        %dma_wait3A_273 = arith.constant 0 : i32
        %dma_wait3A_274 = tpu.memref_slice %arg2[%dma_wait3A_272, %dma_wait3A_273] : memref<10000x64xbf16, #tpu.memory_space<hbm>> -> memref<10000x64xbf16, #tpu.memory_space<hbm>>
        tpu.wait_indirect_dma semaphore(%arg35 : memref<!tpu.dma_semaphore, #tpu.memory_space<semaphore_mem>>) src(%dma_wait3A_274 : memref<10000x64xbf16, #tpu.memory_space<hbm>>) dst(%arg23 : memref<128x64xbf16, #tpu.memory_space<vmem>>)
        %add3A_275 = arith.constant 5 : i32
        %add3A_276 = arith.addi %mul3A_107, %add3A_275 : i32
        %dma_wait3A_277 = arith.constant 0 : i32
        %dma_wait3A_278 = tpu.memref_slice %arg16[%add3A_276, %dma_wait3A_277] : memref<157x128xi32, #tpu.memory_space<vmem>> -> memref<1x128xi32, #tpu.memory_space<vmem>>
        %dma_wait3A_279 = tpu.memref_squeeze %dma_wait3A_278 : memref<1x128xi32, #tpu.memory_space<vmem>> -> memref<128xi32, #tpu.memory_space<vmem>>
        %dma_wait3A_280 = arith.constant 0 : i32
        %dma_wait3A_281 = arith.constant 0 : i32
        %dma_wait3A_282 = tpu.memref_slice %arg4[%dma_wait3A_280, %dma_wait3A_281] : memref<10000x32xi16, #tpu.memory_space<hbm>> -> memref<10000x32xi16, #tpu.memory_space<hbm>>
        tpu.wait_indirect_dma semaphore(%arg35 : memref<!tpu.dma_semaphore, #tpu.memory_space<semaphore_mem>>) src(%dma_wait3A_282 : memref<10000x32xi16, #tpu.memory_space<hbm>>) dst(%arg29 : memref<128x32xi16, #tpu.memory_space<vmem>>)
        %add3A_283 = arith.constant 5 : i32
        %add3A_284 = arith.addi %mul3A_107, %add3A_283 : i32
        %dma_start3A_285 = arith.constant 0 : i32
        %dma_start3A_286 = tpu.memref_slice %arg17[%add3A_284, %dma_start3A_285] : memref<157x128xi32, #tpu.memory_space<vmem>> -> memref<1x128xi32, #tpu.memory_space<vmem>>
        %dma_start3A_287 = tpu.memref_squeeze %dma_start3A_286 : memref<1x128xi32, #tpu.memory_space<vmem>> -> memref<128xi32, #tpu.memory_space<vmem>>
        %dma_start3A_288 = arith.constant 0 : i32
        %dma_start3A_289 = arith.constant 0 : i32
        %dma_start3A_290 = tpu.memref_slice %arg14[%dma_start3A_288, %dma_start3A_289] : memref<10000x64xbf16, #tpu.memory_space<vmem_shared>> -> memref<10000x64xbf16, #tpu.memory_space<vmem_shared>>
        tpu.enqueue_indirect_dma source(%arg23 : memref<128x64xbf16, #tpu.memory_space<vmem>>) target(%dma_start3A_290 : memref<10000x64xbf16, #tpu.memory_space<vmem_shared>>) offsets(%dma_start3A_287 : memref<128xi32, #tpu.memory_space<vmem>>) semaphore(%arg41 : memref<!tpu.dma_semaphore, #tpu.memory_space<semaphore_mem>>) {add = true}
        %add3A_291 = arith.constant 5 : i32
        %add3A_292 = arith.addi %mul3A_107, %add3A_291 : i32
        %dma_start3A_293 = arith.constant 0 : i32
        %dma_start3A_294 = tpu.memref_slice %arg17[%add3A_292, %dma_start3A_293] : memref<157x128xi32, #tpu.memory_space<vmem>> -> memref<1x128xi32, #tpu.memory_space<vmem>>
        %dma_start3A_295 = tpu.memref_squeeze %dma_start3A_294 : memref<1x128xi32, #tpu.memory_space<vmem>> -> memref<128xi32, #tpu.memory_space<vmem>>
        %dma_start3A_296 = arith.constant 0 : i32
        %dma_start3A_297 = arith.constant 0 : i32
        %dma_start3A_298 = tpu.memref_slice %arg15[%dma_start3A_296, %dma_start3A_297] : memref<10000x32xi16, #tpu.memory_space<vmem_shared>> -> memref<10000x32xi16, #tpu.memory_space<vmem_shared>>
        tpu.enqueue_indirect_dma source(%arg29 : memref<128x32xi16, #tpu.memory_space<vmem>>) target(%dma_start3A_298 : memref<10000x32xi16, #tpu.memory_space<vmem_shared>>) offsets(%dma_start3A_295 : memref<128xi32, #tpu.memory_space<vmem>>) semaphore(%arg41 : memref<!tpu.dma_semaphore, #tpu.memory_space<semaphore_mem>>) {add = true}
        %add3A_299 = arith.constant 0 : i32
        %add3A_300 = arith.addi %mul3A_107, %add3A_299 : i32
        %dma_wait3A_301 = arith.constant 0 : i32
        %dma_wait3A_302 = tpu.memref_slice %arg17[%add3A_300, %dma_wait3A_301] : memref<157x128xi32, #tpu.memory_space<vmem>> -> memref<1x128xi32, #tpu.memory_space<vmem>>
        %dma_wait3A_303 = tpu.memref_squeeze %dma_wait3A_302 : memref<1x128xi32, #tpu.memory_space<vmem>> -> memref<128xi32, #tpu.memory_space<vmem>>
        %dma_wait3A_304 = arith.constant 0 : i32
        %dma_wait3A_305 = arith.constant 0 : i32
        %dma_wait3A_306 = tpu.memref_slice %arg14[%dma_wait3A_304, %dma_wait3A_305] : memref<10000x64xbf16, #tpu.memory_space<vmem_shared>> -> memref<10000x64xbf16, #tpu.memory_space<vmem_shared>>
        tpu.wait_indirect_dma semaphore(%arg36 : memref<!tpu.dma_semaphore, #tpu.memory_space<semaphore_mem>>) src(%arg18 : memref<128x64xbf16, #tpu.memory_space<vmem>>) dst(%dma_wait3A_306 : memref<10000x64xbf16, #tpu.memory_space<vmem_shared>>)
        %add3A_307 = arith.constant 0 : i32
        %add3A_308 = arith.addi %mul3A_107, %add3A_307 : i32
        %dma_wait3A_309 = arith.constant 0 : i32
        %dma_wait3A_310 = tpu.memref_slice %arg17[%add3A_308, %dma_wait3A_309] : memref<157x128xi32, #tpu.memory_space<vmem>> -> memref<1x128xi32, #tpu.memory_space<vmem>>
        %dma_wait3A_311 = tpu.memref_squeeze %dma_wait3A_310 : memref<1x128xi32, #tpu.memory_space<vmem>> -> memref<128xi32, #tpu.memory_space<vmem>>
        %dma_wait3A_312 = arith.constant 0 : i32
        %dma_wait3A_313 = arith.constant 0 : i32
        %dma_wait3A_314 = tpu.memref_slice %arg15[%dma_wait3A_312, %dma_wait3A_313] : memref<10000x32xi16, #tpu.memory_space<vmem_shared>> -> memref<10000x32xi16, #tpu.memory_space<vmem_shared>>
        tpu.wait_indirect_dma semaphore(%arg36 : memref<!tpu.dma_semaphore, #tpu.memory_space<semaphore_mem>>) src(%arg24 : memref<128x32xi16, #tpu.memory_space<vmem>>) dst(%dma_wait3A_314 : memref<10000x32xi16, #tpu.memory_space<vmem_shared>>)
        %lt3A = arith.constant 25 : i32
        %lt3A_315 = arith.cmpi slt, %scan3A_105, %lt3A : i32
        %convert_element_type3A_316 = arith.extui %lt3A_315 : i1 to i32
        %cond3A_317 = arith.constant 0 : i32
        %cond3A_318 = arith.cmpi ne, %convert_element_type3A_316, %cond3A_317 : i32
        scf.if %cond3A_318 {
          %add3A_424 = arith.constant 6 : i32
          %add3A_425 = arith.addi %mul3A_107, %add3A_424 : i32
          %add3A_426 = arith.constant 0 : i32
          %add3A_427 = arith.addi %add3A_425, %add3A_426 : i32
          %dma_start3A_428 = arith.constant 0 : i32
          %dma_start3A_429 = tpu.memref_slice %arg16[%add3A_427, %dma_start3A_428] : memref<157x128xi32, #tpu.memory_space<vmem>> -> memref<1x128xi32, #tpu.memory_space<vmem>>
          %dma_start3A_430 = tpu.memref_squeeze %dma_start3A_429 : memref<1x128xi32, #tpu.memory_space<vmem>> -> memref<128xi32, #tpu.memory_space<vmem>>
          %dma_start3A_431 = arith.constant 0 : i32
          %dma_start3A_432 = arith.constant 0 : i32
          %dma_start3A_433 = tpu.memref_slice %arg2[%dma_start3A_431, %dma_start3A_432] : memref<10000x64xbf16, #tpu.memory_space<hbm>> -> memref<10000x64xbf16, #tpu.memory_space<hbm>>
          tpu.enqueue_indirect_dma source(%dma_start3A_433 : memref<10000x64xbf16, #tpu.memory_space<hbm>>) target(%arg18 : memref<128x64xbf16, #tpu.memory_space<vmem>>) offsets(%dma_start3A_430 : memref<128xi32, #tpu.memory_space<vmem>>) semaphore(%arg30 : memref<!tpu.dma_semaphore, #tpu.memory_space<semaphore_mem>>)
          %add3A_434 = arith.constant 6 : i32
          %add3A_435 = arith.addi %mul3A_107, %add3A_434 : i32
          %add3A_436 = arith.constant 0 : i32
          %add3A_437 = arith.addi %add3A_435, %add3A_436 : i32
          %dma_start3A_438 = arith.constant 0 : i32
          %dma_start3A_439 = tpu.memref_slice %arg16[%add3A_437, %dma_start3A_438] : memref<157x128xi32, #tpu.memory_space<vmem>> -> memref<1x128xi32, #tpu.memory_space<vmem>>
          %dma_start3A_440 = tpu.memref_squeeze %dma_start3A_439 : memref<1x128xi32, #tpu.memory_space<vmem>> -> memref<128xi32, #tpu.memory_space<vmem>>
          %dma_start3A_441 = arith.constant 0 : i32
          %dma_start3A_442 = arith.constant 0 : i32
          %dma_start3A_443 = tpu.memref_slice %arg4[%dma_start3A_441, %dma_start3A_442] : memref<10000x32xi16, #tpu.memory_space<hbm>> -> memref<10000x32xi16, #tpu.memory_space<hbm>>
          tpu.enqueue_indirect_dma source(%dma_start3A_443 : memref<10000x32xi16, #tpu.memory_space<hbm>>) target(%arg24 : memref<128x32xi16, #tpu.memory_space<vmem>>) offsets(%dma_start3A_440 : memref<128xi32, #tpu.memory_space<vmem>>) semaphore(%arg30 : memref<!tpu.dma_semaphore, #tpu.memory_space<semaphore_mem>>)
        } else {
        }
        %add3A_319 = arith.constant 1 : i32
        %add3A_320 = arith.addi %mul3A_107, %add3A_319 : i32
        %dma_wait3A_321 = arith.constant 0 : i32
        %dma_wait3A_322 = tpu.memref_slice %arg17[%add3A_320, %dma_wait3A_321] : memref<157x128xi32, #tpu.memory_space<vmem>> -> memref<1x128xi32, #tpu.memory_space<vmem>>
        %dma_wait3A_323 = tpu.memref_squeeze %dma_wait3A_322 : memref<1x128xi32, #tpu.memory_space<vmem>> -> memref<128xi32, #tpu.memory_space<vmem>>
        %dma_wait3A_324 = arith.constant 0 : i32
        %dma_wait3A_325 = arith.constant 0 : i32
        %dma_wait3A_326 = tpu.memref_slice %arg14[%dma_wait3A_324, %dma_wait3A_325] : memref<10000x64xbf16, #tpu.memory_space<vmem_shared>> -> memref<10000x64xbf16, #tpu.memory_space<vmem_shared>>
        tpu.wait_indirect_dma semaphore(%arg37 : memref<!tpu.dma_semaphore, #tpu.memory_space<semaphore_mem>>) src(%arg19 : memref<128x64xbf16, #tpu.memory_space<vmem>>) dst(%dma_wait3A_326 : memref<10000x64xbf16, #tpu.memory_space<vmem_shared>>)
        %add3A_327 = arith.constant 1 : i32
        %add3A_328 = arith.addi %mul3A_107, %add3A_327 : i32
        %dma_wait3A_329 = arith.constant 0 : i32
        %dma_wait3A_330 = tpu.memref_slice %arg17[%add3A_328, %dma_wait3A_329] : memref<157x128xi32, #tpu.memory_space<vmem>> -> memref<1x128xi32, #tpu.memory_space<vmem>>
        %dma_wait3A_331 = tpu.memref_squeeze %dma_wait3A_330 : memref<1x128xi32, #tpu.memory_space<vmem>> -> memref<128xi32, #tpu.memory_space<vmem>>
        %dma_wait3A_332 = arith.constant 0 : i32
        %dma_wait3A_333 = arith.constant 0 : i32
        %dma_wait3A_334 = tpu.memref_slice %arg15[%dma_wait3A_332, %dma_wait3A_333] : memref<10000x32xi16, #tpu.memory_space<vmem_shared>> -> memref<10000x32xi16, #tpu.memory_space<vmem_shared>>
        tpu.wait_indirect_dma semaphore(%arg37 : memref<!tpu.dma_semaphore, #tpu.memory_space<semaphore_mem>>) src(%arg25 : memref<128x32xi16, #tpu.memory_space<vmem>>) dst(%dma_wait3A_334 : memref<10000x32xi16, #tpu.memory_space<vmem_shared>>)
        %lt3A_335 = arith.constant 25 : i32
        %lt3A_336 = arith.cmpi slt, %scan3A_105, %lt3A_335 : i32
        %convert_element_type3A_337 = arith.extui %lt3A_336 : i1 to i32
        %cond3A_338 = arith.constant 0 : i32
        %cond3A_339 = arith.cmpi ne, %convert_element_type3A_337, %cond3A_338 : i32
        scf.if %cond3A_339 {
          %add3A_424 = arith.constant 6 : i32
          %add3A_425 = arith.addi %mul3A_107, %add3A_424 : i32
          %add3A_426 = arith.constant 1 : i32
          %add3A_427 = arith.addi %add3A_425, %add3A_426 : i32
          %dma_start3A_428 = arith.constant 0 : i32
          %dma_start3A_429 = tpu.memref_slice %arg16[%add3A_427, %dma_start3A_428] : memref<157x128xi32, #tpu.memory_space<vmem>> -> memref<1x128xi32, #tpu.memory_space<vmem>>
          %dma_start3A_430 = tpu.memref_squeeze %dma_start3A_429 : memref<1x128xi32, #tpu.memory_space<vmem>> -> memref<128xi32, #tpu.memory_space<vmem>>
          %dma_start3A_431 = arith.constant 0 : i32
          %dma_start3A_432 = arith.constant 0 : i32
          %dma_start3A_433 = tpu.memref_slice %arg2[%dma_start3A_431, %dma_start3A_432] : memref<10000x64xbf16, #tpu.memory_space<hbm>> -> memref<10000x64xbf16, #tpu.memory_space<hbm>>
          tpu.enqueue_indirect_dma source(%dma_start3A_433 : memref<10000x64xbf16, #tpu.memory_space<hbm>>) target(%arg19 : memref<128x64xbf16, #tpu.memory_space<vmem>>) offsets(%dma_start3A_430 : memref<128xi32, #tpu.memory_space<vmem>>) semaphore(%arg31 : memref<!tpu.dma_semaphore, #tpu.memory_space<semaphore_mem>>)
          %add3A_434 = arith.constant 6 : i32
          %add3A_435 = arith.addi %mul3A_107, %add3A_434 : i32
          %add3A_436 = arith.constant 1 : i32
          %add3A_437 = arith.addi %add3A_435, %add3A_436 : i32
          %dma_start3A_438 = arith.constant 0 : i32
          %dma_start3A_439 = tpu.memref_slice %arg16[%add3A_437, %dma_start3A_438] : memref<157x128xi32, #tpu.memory_space<vmem>> -> memref<1x128xi32, #tpu.memory_space<vmem>>
          %dma_start3A_440 = tpu.memref_squeeze %dma_start3A_439 : memref<1x128xi32, #tpu.memory_space<vmem>> -> memref<128xi32, #tpu.memory_space<vmem>>
          %dma_start3A_441 = arith.constant 0 : i32
          %dma_start3A_442 = arith.constant 0 : i32
          %dma_start3A_443 = tpu.memref_slice %arg4[%dma_start3A_441, %dma_start3A_442] : memref<10000x32xi16, #tpu.memory_space<hbm>> -> memref<10000x32xi16, #tpu.memory_space<hbm>>
          tpu.enqueue_indirect_dma source(%dma_start3A_443 : memref<10000x32xi16, #tpu.memory_space<hbm>>) target(%arg25 : memref<128x32xi16, #tpu.memory_space<vmem>>) offsets(%dma_start3A_440 : memref<128xi32, #tpu.memory_space<vmem>>) semaphore(%arg31 : memref<!tpu.dma_semaphore, #tpu.memory_space<semaphore_mem>>)
        } else {
        }
        %add3A_340 = arith.constant 2 : i32
        %add3A_341 = arith.addi %mul3A_107, %add3A_340 : i32
        %dma_wait3A_342 = arith.constant 0 : i32
        %dma_wait3A_343 = tpu.memref_slice %arg17[%add3A_341, %dma_wait3A_342] : memref<157x128xi32, #tpu.memory_space<vmem>> -> memref<1x128xi32, #tpu.memory_space<vmem>>
        %dma_wait3A_344 = tpu.memref_squeeze %dma_wait3A_343 : memref<1x128xi32, #tpu.memory_space<vmem>> -> memref<128xi32, #tpu.memory_space<vmem>>
        %dma_wait3A_345 = arith.constant 0 : i32
        %dma_wait3A_346 = arith.constant 0 : i32
        %dma_wait3A_347 = tpu.memref_slice %arg14[%dma_wait3A_345, %dma_wait3A_346] : memref<10000x64xbf16, #tpu.memory_space<vmem_shared>> -> memref<10000x64xbf16, #tpu.memory_space<vmem_shared>>
        tpu.wait_indirect_dma semaphore(%arg38 : memref<!tpu.dma_semaphore, #tpu.memory_space<semaphore_mem>>) src(%arg20 : memref<128x64xbf16, #tpu.memory_space<vmem>>) dst(%dma_wait3A_347 : memref<10000x64xbf16, #tpu.memory_space<vmem_shared>>)
        %add3A_348 = arith.constant 2 : i32
        %add3A_349 = arith.addi %mul3A_107, %add3A_348 : i32
        %dma_wait3A_350 = arith.constant 0 : i32
        %dma_wait3A_351 = tpu.memref_slice %arg17[%add3A_349, %dma_wait3A_350] : memref<157x128xi32, #tpu.memory_space<vmem>> -> memref<1x128xi32, #tpu.memory_space<vmem>>
        %dma_wait3A_352 = tpu.memref_squeeze %dma_wait3A_351 : memref<1x128xi32, #tpu.memory_space<vmem>> -> memref<128xi32, #tpu.memory_space<vmem>>
        %dma_wait3A_353 = arith.constant 0 : i32
        %dma_wait3A_354 = arith.constant 0 : i32
        %dma_wait3A_355 = tpu.memref_slice %arg15[%dma_wait3A_353, %dma_wait3A_354] : memref<10000x32xi16, #tpu.memory_space<vmem_shared>> -> memref<10000x32xi16, #tpu.memory_space<vmem_shared>>
        tpu.wait_indirect_dma semaphore(%arg38 : memref<!tpu.dma_semaphore, #tpu.memory_space<semaphore_mem>>) src(%arg26 : memref<128x32xi16, #tpu.memory_space<vmem>>) dst(%dma_wait3A_355 : memref<10000x32xi16, #tpu.memory_space<vmem_shared>>)
        %lt3A_356 = arith.constant 25 : i32
        %lt3A_357 = arith.cmpi slt, %scan3A_105, %lt3A_356 : i32
        %convert_element_type3A_358 = arith.extui %lt3A_357 : i1 to i32
        %cond3A_359 = arith.constant 0 : i32
        %cond3A_360 = arith.cmpi ne, %convert_element_type3A_358, %cond3A_359 : i32
        scf.if %cond3A_360 {
          %add3A_424 = arith.constant 6 : i32
          %add3A_425 = arith.addi %mul3A_107, %add3A_424 : i32
          %add3A_426 = arith.constant 2 : i32
          %add3A_427 = arith.addi %add3A_425, %add3A_426 : i32
          %dma_start3A_428 = arith.constant 0 : i32
          %dma_start3A_429 = tpu.memref_slice %arg16[%add3A_427, %dma_start3A_428] : memref<157x128xi32, #tpu.memory_space<vmem>> -> memref<1x128xi32, #tpu.memory_space<vmem>>
          %dma_start3A_430 = tpu.memref_squeeze %dma_start3A_429 : memref<1x128xi32, #tpu.memory_space<vmem>> -> memref<128xi32, #tpu.memory_space<vmem>>
          %dma_start3A_431 = arith.constant 0 : i32
          %dma_start3A_432 = arith.constant 0 : i32
          %dma_start3A_433 = tpu.memref_slice %arg2[%dma_start3A_431, %dma_start3A_432] : memref<10000x64xbf16, #tpu.memory_space<hbm>> -> memref<10000x64xbf16, #tpu.memory_space<hbm>>
          tpu.enqueue_indirect_dma source(%dma_start3A_433 : memref<10000x64xbf16, #tpu.memory_space<hbm>>) target(%arg20 : memref<128x64xbf16, #tpu.memory_space<vmem>>) offsets(%dma_start3A_430 : memref<128xi32, #tpu.memory_space<vmem>>) semaphore(%arg32 : memref<!tpu.dma_semaphore, #tpu.memory_space<semaphore_mem>>)
          %add3A_434 = arith.constant 6 : i32
          %add3A_435 = arith.addi %mul3A_107, %add3A_434 : i32
          %add3A_436 = arith.constant 2 : i32
          %add3A_437 = arith.addi %add3A_435, %add3A_436 : i32
          %dma_start3A_438 = arith.constant 0 : i32
          %dma_start3A_439 = tpu.memref_slice %arg16[%add3A_437, %dma_start3A_438] : memref<157x128xi32, #tpu.memory_space<vmem>> -> memref<1x128xi32, #tpu.memory_space<vmem>>
          %dma_start3A_440 = tpu.memref_squeeze %dma_start3A_439 : memref<1x128xi32, #tpu.memory_space<vmem>> -> memref<128xi32, #tpu.memory_space<vmem>>
          %dma_start3A_441 = arith.constant 0 : i32
          %dma_start3A_442 = arith.constant 0 : i32
          %dma_start3A_443 = tpu.memref_slice %arg4[%dma_start3A_441, %dma_start3A_442] : memref<10000x32xi16, #tpu.memory_space<hbm>> -> memref<10000x32xi16, #tpu.memory_space<hbm>>
          tpu.enqueue_indirect_dma source(%dma_start3A_443 : memref<10000x32xi16, #tpu.memory_space<hbm>>) target(%arg26 : memref<128x32xi16, #tpu.memory_space<vmem>>) offsets(%dma_start3A_440 : memref<128xi32, #tpu.memory_space<vmem>>) semaphore(%arg32 : memref<!tpu.dma_semaphore, #tpu.memory_space<semaphore_mem>>)
        } else {
        }
        %add3A_361 = arith.constant 3 : i32
        %add3A_362 = arith.addi %mul3A_107, %add3A_361 : i32
        %dma_wait3A_363 = arith.constant 0 : i32
        %dma_wait3A_364 = tpu.memref_slice %arg17[%add3A_362, %dma_wait3A_363] : memref<157x128xi32, #tpu.memory_space<vmem>> -> memref<1x128xi32, #tpu.memory_space<vmem>>
        %dma_wait3A_365 = tpu.memref_squeeze %dma_wait3A_364 : memref<1x128xi32, #tpu.memory_space<vmem>> -> memref<128xi32, #tpu.memory_space<vmem>>
        %dma_wait3A_366 = arith.constant 0 : i32
        %dma_wait3A_367 = arith.constant 0 : i32
        %dma_wait3A_368 = tpu.memref_slice %arg14[%dma_wait3A_366, %dma_wait3A_367] : memref<10000x64xbf16, #tpu.memory_space<vmem_shared>> -> memref<10000x64xbf16, #tpu.memory_space<vmem_shared>>
        tpu.wait_indirect_dma semaphore(%arg39 : memref<!tpu.dma_semaphore, #tpu.memory_space<semaphore_mem>>) src(%arg21 : memref<128x64xbf16, #tpu.memory_space<vmem>>) dst(%dma_wait3A_368 : memref<10000x64xbf16, #tpu.memory_space<vmem_shared>>)
        %add3A_369 = arith.constant 3 : i32
        %add3A_370 = arith.addi %mul3A_107, %add3A_369 : i32
        %dma_wait3A_371 = arith.constant 0 : i32
        %dma_wait3A_372 = tpu.memref_slice %arg17[%add3A_370, %dma_wait3A_371] : memref<157x128xi32, #tpu.memory_space<vmem>> -> memref<1x128xi32, #tpu.memory_space<vmem>>
        %dma_wait3A_373 = tpu.memref_squeeze %dma_wait3A_372 : memref<1x128xi32, #tpu.memory_space<vmem>> -> memref<128xi32, #tpu.memory_space<vmem>>
        %dma_wait3A_374 = arith.constant 0 : i32
        %dma_wait3A_375 = arith.constant 0 : i32
        %dma_wait3A_376 = tpu.memref_slice %arg15[%dma_wait3A_374, %dma_wait3A_375] : memref<10000x32xi16, #tpu.memory_space<vmem_shared>> -> memref<10000x32xi16, #tpu.memory_space<vmem_shared>>
        tpu.wait_indirect_dma semaphore(%arg39 : memref<!tpu.dma_semaphore, #tpu.memory_space<semaphore_mem>>) src(%arg27 : memref<128x32xi16, #tpu.memory_space<vmem>>) dst(%dma_wait3A_376 : memref<10000x32xi16, #tpu.memory_space<vmem_shared>>)
        %lt3A_377 = arith.constant 25 : i32
        %lt3A_378 = arith.cmpi slt, %scan3A_105, %lt3A_377 : i32
        %convert_element_type3A_379 = arith.extui %lt3A_378 : i1 to i32
        %cond3A_380 = arith.constant 0 : i32
        %cond3A_381 = arith.cmpi ne, %convert_element_type3A_379, %cond3A_380 : i32
        scf.if %cond3A_381 {
          %add3A_424 = arith.constant 6 : i32
          %add3A_425 = arith.addi %mul3A_107, %add3A_424 : i32
          %add3A_426 = arith.constant 3 : i32
          %add3A_427 = arith.addi %add3A_425, %add3A_426 : i32
          %dma_start3A_428 = arith.constant 0 : i32
          %dma_start3A_429 = tpu.memref_slice %arg16[%add3A_427, %dma_start3A_428] : memref<157x128xi32, #tpu.memory_space<vmem>> -> memref<1x128xi32, #tpu.memory_space<vmem>>
          %dma_start3A_430 = tpu.memref_squeeze %dma_start3A_429 : memref<1x128xi32, #tpu.memory_space<vmem>> -> memref<128xi32, #tpu.memory_space<vmem>>
          %dma_start3A_431 = arith.constant 0 : i32
          %dma_start3A_432 = arith.constant 0 : i32
          %dma_start3A_433 = tpu.memref_slice %arg2[%dma_start3A_431, %dma_start3A_432] : memref<10000x64xbf16, #tpu.memory_space<hbm>> -> memref<10000x64xbf16, #tpu.memory_space<hbm>>
          tpu.enqueue_indirect_dma source(%dma_start3A_433 : memref<10000x64xbf16, #tpu.memory_space<hbm>>) target(%arg21 : memref<128x64xbf16, #tpu.memory_space<vmem>>) offsets(%dma_start3A_430 : memref<128xi32, #tpu.memory_space<vmem>>) semaphore(%arg33 : memref<!tpu.dma_semaphore, #tpu.memory_space<semaphore_mem>>)
          %add3A_434 = arith.constant 6 : i32
          %add3A_435 = arith.addi %mul3A_107, %add3A_434 : i32
          %add3A_436 = arith.constant 3 : i32
          %add3A_437 = arith.addi %add3A_435, %add3A_436 : i32
          %dma_start3A_438 = arith.constant 0 : i32
          %dma_start3A_439 = tpu.memref_slice %arg16[%add3A_437, %dma_start3A_438] : memref<157x128xi32, #tpu.memory_space<vmem>> -> memref<1x128xi32, #tpu.memory_space<vmem>>
          %dma_start3A_440 = tpu.memref_squeeze %dma_start3A_439 : memref<1x128xi32, #tpu.memory_space<vmem>> -> memref<128xi32, #tpu.memory_space<vmem>>
          %dma_start3A_441 = arith.constant 0 : i32
          %dma_start3A_442 = arith.constant 0 : i32
          %dma_start3A_443 = tpu.memref_slice %arg4[%dma_start3A_441, %dma_start3A_442] : memref<10000x32xi16, #tpu.memory_space<hbm>> -> memref<10000x32xi16, #tpu.memory_space<hbm>>
          tpu.enqueue_indirect_dma source(%dma_start3A_443 : memref<10000x32xi16, #tpu.memory_space<hbm>>) target(%arg27 : memref<128x32xi16, #tpu.memory_space<vmem>>) offsets(%dma_start3A_440 : memref<128xi32, #tpu.memory_space<vmem>>) semaphore(%arg33 : memref<!tpu.dma_semaphore, #tpu.memory_space<semaphore_mem>>)
        } else {
        }
        %add3A_382 = arith.constant 4 : i32
        %add3A_383 = arith.addi %mul3A_107, %add3A_382 : i32
        %dma_wait3A_384 = arith.constant 0 : i32
        %dma_wait3A_385 = tpu.memref_slice %arg17[%add3A_383, %dma_wait3A_384] : memref<157x128xi32, #tpu.memory_space<vmem>> -> memref<1x128xi32, #tpu.memory_space<vmem>>
        %dma_wait3A_386 = tpu.memref_squeeze %dma_wait3A_385 : memref<1x128xi32, #tpu.memory_space<vmem>> -> memref<128xi32, #tpu.memory_space<vmem>>
        %dma_wait3A_387 = arith.constant 0 : i32
        %dma_wait3A_388 = arith.constant 0 : i32
        %dma_wait3A_389 = tpu.memref_slice %arg14[%dma_wait3A_387, %dma_wait3A_388] : memref<10000x64xbf16, #tpu.memory_space<vmem_shared>> -> memref<10000x64xbf16, #tpu.memory_space<vmem_shared>>
        tpu.wait_indirect_dma semaphore(%arg40 : memref<!tpu.dma_semaphore, #tpu.memory_space<semaphore_mem>>) src(%arg22 : memref<128x64xbf16, #tpu.memory_space<vmem>>) dst(%dma_wait3A_389 : memref<10000x64xbf16, #tpu.memory_space<vmem_shared>>)
        %add3A_390 = arith.constant 4 : i32
        %add3A_391 = arith.addi %mul3A_107, %add3A_390 : i32
        %dma_wait3A_392 = arith.constant 0 : i32
        %dma_wait3A_393 = tpu.memref_slice %arg17[%add3A_391, %dma_wait3A_392] : memref<157x128xi32, #tpu.memory_space<vmem>> -> memref<1x128xi32, #tpu.memory_space<vmem>>
        %dma_wait3A_394 = tpu.memref_squeeze %dma_wait3A_393 : memref<1x128xi32, #tpu.memory_space<vmem>> -> memref<128xi32, #tpu.memory_space<vmem>>
        %dma_wait3A_395 = arith.constant 0 : i32
        %dma_wait3A_396 = arith.constant 0 : i32
        %dma_wait3A_397 = tpu.memref_slice %arg15[%dma_wait3A_395, %dma_wait3A_396] : memref<10000x32xi16, #tpu.memory_space<vmem_shared>> -> memref<10000x32xi16, #tpu.memory_space<vmem_shared>>
        tpu.wait_indirect_dma semaphore(%arg40 : memref<!tpu.dma_semaphore, #tpu.memory_space<semaphore_mem>>) src(%arg28 : memref<128x32xi16, #tpu.memory_space<vmem>>) dst(%dma_wait3A_397 : memref<10000x32xi16, #tpu.memory_space<vmem_shared>>)
        %lt3A_398 = arith.constant 25 : i32
        %lt3A_399 = arith.cmpi slt, %scan3A_105, %lt3A_398 : i32
        %convert_element_type3A_400 = arith.extui %lt3A_399 : i1 to i32
        %cond3A_401 = arith.constant 0 : i32
        %cond3A_402 = arith.cmpi ne, %convert_element_type3A_400, %cond3A_401 : i32
        scf.if %cond3A_402 {
          %add3A_424 = arith.constant 6 : i32
          %add3A_425 = arith.addi %mul3A_107, %add3A_424 : i32
          %add3A_426 = arith.constant 4 : i32
          %add3A_427 = arith.addi %add3A_425, %add3A_426 : i32
          %dma_start3A_428 = arith.constant 0 : i32
          %dma_start3A_429 = tpu.memref_slice %arg16[%add3A_427, %dma_start3A_428] : memref<157x128xi32, #tpu.memory_space<vmem>> -> memref<1x128xi32, #tpu.memory_space<vmem>>
          %dma_start3A_430 = tpu.memref_squeeze %dma_start3A_429 : memref<1x128xi32, #tpu.memory_space<vmem>> -> memref<128xi32, #tpu.memory_space<vmem>>
          %dma_start3A_431 = arith.constant 0 : i32
          %dma_start3A_432 = arith.constant 0 : i32
          %dma_start3A_433 = tpu.memref_slice %arg2[%dma_start3A_431, %dma_start3A_432] : memref<10000x64xbf16, #tpu.memory_space<hbm>> -> memref<10000x64xbf16, #tpu.memory_space<hbm>>
          tpu.enqueue_indirect_dma source(%dma_start3A_433 : memref<10000x64xbf16, #tpu.memory_space<hbm>>) target(%arg22 : memref<128x64xbf16, #tpu.memory_space<vmem>>) offsets(%dma_start3A_430 : memref<128xi32, #tpu.memory_space<vmem>>) semaphore(%arg34 : memref<!tpu.dma_semaphore, #tpu.memory_space<semaphore_mem>>)
          %add3A_434 = arith.constant 6 : i32
          %add3A_435 = arith.addi %mul3A_107, %add3A_434 : i32
          %add3A_436 = arith.constant 4 : i32
          %add3A_437 = arith.addi %add3A_435, %add3A_436 : i32
          %dma_start3A_438 = arith.constant 0 : i32
          %dma_start3A_439 = tpu.memref_slice %arg16[%add3A_437, %dma_start3A_438] : memref<157x128xi32, #tpu.memory_space<vmem>> -> memref<1x128xi32, #tpu.memory_space<vmem>>
          %dma_start3A_440 = tpu.memref_squeeze %dma_start3A_439 : memref<1x128xi32, #tpu.memory_space<vmem>> -> memref<128xi32, #tpu.memory_space<vmem>>
          %dma_start3A_441 = arith.constant 0 : i32
          %dma_start3A_442 = arith.constant 0 : i32
          %dma_start3A_443 = tpu.memref_slice %arg4[%dma_start3A_441, %dma_start3A_442] : memref<10000x32xi16, #tpu.memory_space<hbm>> -> memref<10000x32xi16, #tpu.memory_space<hbm>>
          tpu.enqueue_indirect_dma source(%dma_start3A_443 : memref<10000x32xi16, #tpu.memory_space<hbm>>) target(%arg28 : memref<128x32xi16, #tpu.memory_space<vmem>>) offsets(%dma_start3A_440 : memref<128xi32, #tpu.memory_space<vmem>>) semaphore(%arg34 : memref<!tpu.dma_semaphore, #tpu.memory_space<semaphore_mem>>)
        } else {
        }
        %add3A_403 = arith.constant 5 : i32
        %add3A_404 = arith.addi %mul3A_107, %add3A_403 : i32
        %dma_wait3A_405 = arith.constant 0 : i32
        %dma_wait3A_406 = tpu.memref_slice %arg17[%add3A_404, %dma_wait3A_405] : memref<157x128xi32, #tpu.memory_space<vmem>> -> memref<1x128xi32, #tpu.memory_space<vmem>>
        %dma_wait3A_407 = tpu.memref_squeeze %dma_wait3A_406 : memref<1x128xi32, #tpu.memory_space<vmem>> -> memref<128xi32, #tpu.memory_space<vmem>>
        %dma_wait3A_408 = arith.constant 0 : i32
        %dma_wait3A_409 = arith.constant 0 : i32
        %dma_wait3A_410 = tpu.memref_slice %arg14[%dma_wait3A_408, %dma_wait3A_409] : memref<10000x64xbf16, #tpu.memory_space<vmem_shared>> -> memref<10000x64xbf16, #tpu.memory_space<vmem_shared>>
        tpu.wait_indirect_dma semaphore(%arg41 : memref<!tpu.dma_semaphore, #tpu.memory_space<semaphore_mem>>) src(%arg23 : memref<128x64xbf16, #tpu.memory_space<vmem>>) dst(%dma_wait3A_410 : memref<10000x64xbf16, #tpu.memory_space<vmem_shared>>)
        %add3A_411 = arith.constant 5 : i32
        %add3A_412 = arith.addi %mul3A_107, %add3A_411 : i32
        %dma_wait3A_413 = arith.constant 0 : i32
        %dma_wait3A_414 = tpu.memref_slice %arg17[%add3A_412, %dma_wait3A_413] : memref<157x128xi32, #tpu.memory_space<vmem>> -> memref<1x128xi32, #tpu.memory_space<vmem>>
        %dma_wait3A_415 = tpu.memref_squeeze %dma_wait3A_414 : memref<1x128xi32, #tpu.memory_space<vmem>> -> memref<128xi32, #tpu.memory_space<vmem>>
        %dma_wait3A_416 = arith.constant 0 : i32
        %dma_wait3A_417 = arith.constant 0 : i32
        %dma_wait3A_418 = tpu.memref_slice %arg15[%dma_wait3A_416, %dma_wait3A_417] : memref<10000x32xi16, #tpu.memory_space<vmem_shared>> -> memref<10000x32xi16, #tpu.memory_space<vmem_shared>>
        tpu.wait_indirect_dma semaphore(%arg41 : memref<!tpu.dma_semaphore, #tpu.memory_space<semaphore_mem>>) src(%arg29 : memref<128x32xi16, #tpu.memory_space<vmem>>) dst(%dma_wait3A_418 : memref<10000x32xi16, #tpu.memory_space<vmem_shared>>)
        %lt3A_419 = arith.constant 25 : i32
        %lt3A_420 = arith.cmpi slt, %scan3A_105, %lt3A_419 : i32
        %convert_element_type3A_421 = arith.extui %lt3A_420 : i1 to i32
        %cond3A_422 = arith.constant 0 : i32
        %cond3A_423 = arith.cmpi ne, %convert_element_type3A_421, %cond3A_422 : i32
        scf.if %cond3A_423 {
          %add3A_424 = arith.constant 6 : i32
          %add3A_425 = arith.addi %mul3A_107, %add3A_424 : i32
          %add3A_426 = arith.constant 5 : i32
          %add3A_427 = arith.addi %add3A_425, %add3A_426 : i32
          %dma_start3A_428 = arith.constant 0 : i32
          %dma_start3A_429 = tpu.memref_slice %arg16[%add3A_427, %dma_start3A_428] : memref<157x128xi32, #tpu.memory_space<vmem>> -> memref<1x128xi32, #tpu.memory_space<vmem>>
          %dma_start3A_430 = tpu.memref_squeeze %dma_start3A_429 : memref<1x128xi32, #tpu.memory_space<vmem>> -> memref<128xi32, #tpu.memory_space<vmem>>
          %dma_start3A_431 = arith.constant 0 : i32
          %dma_start3A_432 = arith.constant 0 : i32
          %dma_start3A_433 = tpu.memref_slice %arg2[%dma_start3A_431, %dma_start3A_432] : memref<10000x64xbf16, #tpu.memory_space<hbm>> -> memref<10000x64xbf16, #tpu.memory_space<hbm>>
          tpu.enqueue_indirect_dma source(%dma_start3A_433 : memref<10000x64xbf16, #tpu.memory_space<hbm>>) target(%arg23 : memref<128x64xbf16, #tpu.memory_space<vmem>>) offsets(%dma_start3A_430 : memref<128xi32, #tpu.memory_space<vmem>>) semaphore(%arg35 : memref<!tpu.dma_semaphore, #tpu.memory_space<semaphore_mem>>)
          %add3A_434 = arith.constant 6 : i32
          %add3A_435 = arith.addi %mul3A_107, %add3A_434 : i32
          %add3A_436 = arith.constant 5 : i32
          %add3A_437 = arith.addi %add3A_435, %add3A_436 : i32
          %dma_start3A_438 = arith.constant 0 : i32
          %dma_start3A_439 = tpu.memref_slice %arg16[%add3A_437, %dma_start3A_438] : memref<157x128xi32, #tpu.memory_space<vmem>> -> memref<1x128xi32, #tpu.memory_space<vmem>>
          %dma_start3A_440 = tpu.memref_squeeze %dma_start3A_439 : memref<1x128xi32, #tpu.memory_space<vmem>> -> memref<128xi32, #tpu.memory_space<vmem>>
          %dma_start3A_441 = arith.constant 0 : i32
          %dma_start3A_442 = arith.constant 0 : i32
          %dma_start3A_443 = tpu.memref_slice %arg4[%dma_start3A_441, %dma_start3A_442] : memref<10000x32xi16, #tpu.memory_space<hbm>> -> memref<10000x32xi16, #tpu.memory_space<hbm>>
          tpu.enqueue_indirect_dma source(%dma_start3A_443 : memref<10000x32xi16, #tpu.memory_space<hbm>>) target(%arg29 : memref<128x32xi16, #tpu.memory_space<vmem>>) offsets(%dma_start3A_440 : memref<128xi32, #tpu.memory_space<vmem>>) semaphore(%arg35 : memref<!tpu.dma_semaphore, #tpu.memory_space<semaphore_mem>>)
        } else {
        }
      }
      %scan3A_99 = arith.constant 26 : i32
      %ge3A = arith.constant 12 : i32
      %ge3A_100 = arith.cmpi sge, %arg1, %ge3A : i32
      %convert_element_type3A_101 = arith.extui %ge3A_100 : i1 to i32
      %cond3A_102 = arith.constant 0 : i32
      %cond3A_103 = arith.cmpi ne, %convert_element_type3A_101, %cond3A_102 : i32
      scf.if %cond3A_103 {
        %dma_start3A_105 = arith.constant 156 : i32
        %dma_start3A_106 = arith.constant 0 : i32
        %dma_start3A_107 = tpu.memref_slice %arg16[%dma_start3A_105, %dma_start3A_106] : memref<157x128xi32, #tpu.memory_space<vmem>> -> memref<1x128xi32, #tpu.memory_space<vmem>>
        %dma_start3A_108 = tpu.memref_squeeze %dma_start3A_107 : memref<1x128xi32, #tpu.memory_space<vmem>> -> memref<128xi32, #tpu.memory_space<vmem>>
        %dma_start3A_109 = arith.constant 0 : i32
        %dma_start3A_110 = arith.constant 0 : i32
        %dma_start3A_111 = tpu.memref_slice %arg2[%dma_start3A_109, %dma_start3A_110] : memref<10000x64xbf16, #tpu.memory_space<hbm>> -> memref<10000x64xbf16, #tpu.memory_space<hbm>>
        tpu.enqueue_indirect_dma source(%dma_start3A_111 : memref<10000x64xbf16, #tpu.memory_space<hbm>>) target(%arg18 : memref<128x64xbf16, #tpu.memory_space<vmem>>) offsets(%dma_start3A_108 : memref<128xi32, #tpu.memory_space<vmem>>) semaphore(%arg30 : memref<!tpu.dma_semaphore, #tpu.memory_space<semaphore_mem>>)
        %dma_start3A_112 = arith.constant 156 : i32
        %dma_start3A_113 = arith.constant 0 : i32
        %dma_start3A_114 = tpu.memref_slice %arg16[%dma_start3A_112, %dma_start3A_113] : memref<157x128xi32, #tpu.memory_space<vmem>> -> memref<1x128xi32, #tpu.memory_space<vmem>>
        %dma_start3A_115 = tpu.memref_squeeze %dma_start3A_114 : memref<1x128xi32, #tpu.memory_space<vmem>> -> memref<128xi32, #tpu.memory_space<vmem>>
        %dma_start3A_116 = arith.constant 0 : i32
        %dma_start3A_117 = arith.constant 0 : i32
        %dma_start3A_118 = tpu.memref_slice %arg4[%dma_start3A_116, %dma_start3A_117] : memref<10000x32xi16, #tpu.memory_space<hbm>> -> memref<10000x32xi16, #tpu.memory_space<hbm>>
        tpu.enqueue_indirect_dma source(%dma_start3A_118 : memref<10000x32xi16, #tpu.memory_space<hbm>>) target(%arg24 : memref<128x32xi16, #tpu.memory_space<vmem>>) offsets(%dma_start3A_115 : memref<128xi32, #tpu.memory_space<vmem>>) semaphore(%arg30 : memref<!tpu.dma_semaphore, #tpu.memory_space<semaphore_mem>>)
        %dma_wait3A = arith.constant 156 : i32
        %dma_wait3A_119 = arith.constant 0 : i32
        %dma_wait3A_120 = tpu.memref_slice %arg16[%dma_wait3A, %dma_wait3A_119] : memref<157x128xi32, #tpu.memory_space<vmem>> -> memref<1x128xi32, #tpu.memory_space<vmem>>
        %dma_wait3A_121 = tpu.memref_squeeze %dma_wait3A_120 : memref<1x128xi32, #tpu.memory_space<vmem>> -> memref<128xi32, #tpu.memory_space<vmem>>
        %dma_wait3A_122 = arith.constant 0 : i32
        %dma_wait3A_123 = arith.constant 0 : i32
        %dma_wait3A_124 = tpu.memref_slice %arg2[%dma_wait3A_122, %dma_wait3A_123] : memref<10000x64xbf16, #tpu.memory_space<hbm>> -> memref<10000x64xbf16, #tpu.memory_space<hbm>>
        tpu.wait_indirect_dma semaphore(%arg30 : memref<!tpu.dma_semaphore, #tpu.memory_space<semaphore_mem>>) src(%dma_wait3A_124 : memref<10000x64xbf16, #tpu.memory_space<hbm>>) dst(%arg18 : memref<128x64xbf16, #tpu.memory_space<vmem>>)
        %dma_wait3A_125 = arith.constant 156 : i32
        %dma_wait3A_126 = arith.constant 0 : i32
        %dma_wait3A_127 = tpu.memref_slice %arg16[%dma_wait3A_125, %dma_wait3A_126] : memref<157x128xi32, #tpu.memory_space<vmem>> -> memref<1x128xi32, #tpu.memory_space<vmem>>
        %dma_wait3A_128 = tpu.memref_squeeze %dma_wait3A_127 : memref<1x128xi32, #tpu.memory_space<vmem>> -> memref<128xi32, #tpu.memory_space<vmem>>
        %dma_wait3A_129 = arith.constant 0 : i32
        %dma_wait3A_130 = arith.constant 0 : i32
        %dma_wait3A_131 = tpu.memref_slice %arg4[%dma_wait3A_129, %dma_wait3A_130] : memref<10000x32xi16, #tpu.memory_space<hbm>> -> memref<10000x32xi16, #tpu.memory_space<hbm>>
        tpu.wait_indirect_dma semaphore(%arg30 : memref<!tpu.dma_semaphore, #tpu.memory_space<semaphore_mem>>) src(%dma_wait3A_131 : memref<10000x32xi16, #tpu.memory_space<hbm>>) dst(%arg24 : memref<128x32xi16, #tpu.memory_space<vmem>>)
        %dma_start3A_132 = arith.constant 156 : i32
        %dma_start3A_133 = arith.constant 0 : i32
        %dma_start3A_134 = tpu.memref_slice %arg17[%dma_start3A_132, %dma_start3A_133] : memref<157x128xi32, #tpu.memory_space<vmem>> -> memref<1x128xi32, #tpu.memory_space<vmem>>
        %dma_start3A_135 = tpu.memref_squeeze %dma_start3A_134 : memref<1x128xi32, #tpu.memory_space<vmem>> -> memref<128xi32, #tpu.memory_space<vmem>>
        %dma_start3A_136 = arith.constant 0 : i32
        %dma_start3A_137 = arith.constant 0 : i32
        %dma_start3A_138 = tpu.memref_slice %arg14[%dma_start3A_136, %dma_start3A_137] : memref<10000x64xbf16, #tpu.memory_space<vmem_shared>> -> memref<10000x64xbf16, #tpu.memory_space<vmem_shared>>
        tpu.enqueue_indirect_dma source(%arg18 : memref<128x64xbf16, #tpu.memory_space<vmem>>) target(%dma_start3A_138 : memref<10000x64xbf16, #tpu.memory_space<vmem_shared>>) offsets(%dma_start3A_135 : memref<128xi32, #tpu.memory_space<vmem>>) semaphore(%arg36 : memref<!tpu.dma_semaphore, #tpu.memory_space<semaphore_mem>>) {add = true}
        %dma_start3A_139 = arith.constant 156 : i32
        %dma_start3A_140 = arith.constant 0 : i32
        %dma_start3A_141 = tpu.memref_slice %arg17[%dma_start3A_139, %dma_start3A_140] : memref<157x128xi32, #tpu.memory_space<vmem>> -> memref<1x128xi32, #tpu.memory_space<vmem>>
        %dma_start3A_142 = tpu.memref_squeeze %dma_start3A_141 : memref<1x128xi32, #tpu.memory_space<vmem>> -> memref<128xi32, #tpu.memory_space<vmem>>
        %dma_start3A_143 = arith.constant 0 : i32
        %dma_start3A_144 = arith.constant 0 : i32
        %dma_start3A_145 = tpu.memref_slice %arg15[%dma_start3A_143, %dma_start3A_144] : memref<10000x32xi16, #tpu.memory_space<vmem_shared>> -> memref<10000x32xi16, #tpu.memory_space<vmem_shared>>
        tpu.enqueue_indirect_dma source(%arg24 : memref<128x32xi16, #tpu.memory_space<vmem>>) target(%dma_start3A_145 : memref<10000x32xi16, #tpu.memory_space<vmem_shared>>) offsets(%dma_start3A_142 : memref<128xi32, #tpu.memory_space<vmem>>) semaphore(%arg36 : memref<!tpu.dma_semaphore, #tpu.memory_space<semaphore_mem>>) {add = true}
        %dma_wait3A_146 = arith.constant 156 : i32
        %dma_wait3A_147 = arith.constant 0 : i32
        %dma_wait3A_148 = tpu.memref_slice %arg17[%dma_wait3A_146, %dma_wait3A_147] : memref<157x128xi32, #tpu.memory_space<vmem>> -> memref<1x128xi32, #tpu.memory_space<vmem>>
        %dma_wait3A_149 = tpu.memref_squeeze %dma_wait3A_148 : memref<1x128xi32, #tpu.memory_space<vmem>> -> memref<128xi32, #tpu.memory_space<vmem>>
        %dma_wait3A_150 = arith.constant 0 : i32
        %dma_wait3A_151 = arith.constant 0 : i32
        %dma_wait3A_152 = tpu.memref_slice %arg14[%dma_wait3A_150, %dma_wait3A_151] : memref<10000x64xbf16, #tpu.memory_space<vmem_shared>> -> memref<10000x64xbf16, #tpu.memory_space<vmem_shared>>
        tpu.wait_indirect_dma semaphore(%arg36 : memref<!tpu.dma_semaphore, #tpu.memory_space<semaphore_mem>>) src(%arg18 : memref<128x64xbf16, #tpu.memory_space<vmem>>) dst(%dma_wait3A_152 : memref<10000x64xbf16, #tpu.memory_space<vmem_shared>>)
        %dma_wait3A_153 = arith.constant 156 : i32
        %dma_wait3A_154 = arith.constant 0 : i32
        %dma_wait3A_155 = tpu.memref_slice %arg17[%dma_wait3A_153, %dma_wait3A_154] : memref<157x128xi32, #tpu.memory_space<vmem>> -> memref<1x128xi32, #tpu.memory_space<vmem>>
        %dma_wait3A_156 = tpu.memref_squeeze %dma_wait3A_155 : memref<1x128xi32, #tpu.memory_space<vmem>> -> memref<128xi32, #tpu.memory_space<vmem>>
        %dma_wait3A_157 = arith.constant 0 : i32
        %dma_wait3A_158 = arith.constant 0 : i32
        %dma_wait3A_159 = tpu.memref_slice %arg15[%dma_wait3A_157, %dma_wait3A_158] : memref<10000x32xi16, #tpu.memory_space<vmem_shared>> -> memref<10000x32xi16, #tpu.memory_space<vmem_shared>>
        tpu.wait_indirect_dma semaphore(%arg36 : memref<!tpu.dma_semaphore, #tpu.memory_space<semaphore_mem>>) src(%arg24 : memref<128x32xi16, #tpu.memory_space<vmem>>) dst(%dma_wait3A_159 : memref<10000x32xi16, #tpu.memory_space<vmem_shared>>)
      } else {
      }
      %barrier3A_104 = arith.constant 0 : index
      tpu.barrier barrier_id(%barrier3A_104)
      "tpu.region"() ({
        %run_scoped3A = tpu.sem_alloc : memref<!tpu.dma_semaphore, #tpu.memory_space<semaphore_mem>>
        %dma_start3A_105 = arith.constant 0 : i32
        %dma_start3A_106 = tpu.memref_slice %arg10[%mul3A_0, %dma_start3A_105] : memref<10000x64xbf16, #tpu.memory_space<hbm>> -> memref<625x64xbf16, #tpu.memory_space<hbm>>
        %dma_start3A_107 = arith.constant 0 : i32
        %dma_start3A_108 = tpu.memref_slice %arg14[%mul3A_0, %dma_start3A_107] : memref<10000x64xbf16, #tpu.memory_space<vmem_shared>> -> memref<625x64xbf16, #tpu.memory_space<vmem_shared>>
        tpu.enqueue_dma source(%dma_start3A_108 : memref<625x64xbf16, #tpu.memory_space<vmem_shared>>) target(%dma_start3A_106 : memref<625x64xbf16, #tpu.memory_space<hbm>>) target_semaphore(%run_scoped3A : memref<!tpu.dma_semaphore, #tpu.memory_space<semaphore_mem>>)
        %dma_wait3A = arith.constant 0 : i32
        %dma_wait3A_109 = tpu.memref_slice %arg10[%mul3A_0, %dma_wait3A] : memref<10000x64xbf16, #tpu.memory_space<hbm>> -> memref<625x64xbf16, #tpu.memory_space<hbm>>
        %dma_wait3A_110 = arith.constant 0 : i32
        %dma_wait3A_111 = tpu.memref_slice %arg14[%mul3A_0, %dma_wait3A_110] : memref<10000x64xbf16, #tpu.memory_space<vmem_shared>> -> memref<625x64xbf16, #tpu.memory_space<vmem_shared>>
        tpu.wait_dma2 semaphore(%run_scoped3A : memref<!tpu.dma_semaphore, #tpu.memory_space<semaphore_mem>>) src(%dma_wait3A_111 : memref<625x64xbf16, #tpu.memory_space<vmem_shared>>) dst(%dma_wait3A_109 : memref<625x64xbf16, #tpu.memory_space<hbm>>)
        tpu.yield
      }) : () -> ()
      "tpu.region"() ({
        %run_scoped3A = tpu.sem_alloc : memref<!tpu.dma_semaphore, #tpu.memory_space<semaphore_mem>>
        %dma_start3A_105 = arith.constant 0 : i32
        %dma_start3A_106 = tpu.memref_slice %arg12[%mul3A_0, %dma_start3A_105] : memref<10000x32xi16, #tpu.memory_space<hbm>> -> memref<625x32xi16, #tpu.memory_space<hbm>>
        %dma_start3A_107 = arith.constant 0 : i32
        %dma_start3A_108 = tpu.memref_slice %arg15[%mul3A_0, %dma_start3A_107] : memref<10000x32xi16, #tpu.memory_space<vmem_shared>> -> memref<625x32xi16, #tpu.memory_space<vmem_shared>>
        tpu.enqueue_dma source(%dma_start3A_108 : memref<625x32xi16, #tpu.memory_space<vmem_shared>>) target(%dma_start3A_106 : memref<625x32xi16, #tpu.memory_space<hbm>>) target_semaphore(%run_scoped3A : memref<!tpu.dma_semaphore, #tpu.memory_space<semaphore_mem>>)
        %dma_wait3A = arith.constant 0 : i32
        %dma_wait3A_109 = tpu.memref_slice %arg12[%mul3A_0, %dma_wait3A] : memref<10000x32xi16, #tpu.memory_space<hbm>> -> memref<625x32xi16, #tpu.memory_space<hbm>>
        %dma_wait3A_110 = arith.constant 0 : i32
        %dma_wait3A_111 = tpu.memref_slice %arg15[%mul3A_0, %dma_wait3A_110] : memref<10000x32xi16, #tpu.memory_space<vmem_shared>> -> memref<625x32xi16, #tpu.memory_space<vmem_shared>>
        tpu.wait_dma2 semaphore(%run_scoped3A : memref<!tpu.dma_semaphore, #tpu.memory_space<semaphore_mem>>) src(%dma_wait3A_111 : memref<625x32xi16, #tpu.memory_space<vmem_shared>>) dst(%dma_wait3A_109 : memref<625x32xi16, #tpu.memory_space<hbm>>)
        tpu.yield
      }) : () -> ()
    } else {
    }
    %eq3A_7 = arith.constant 1 : i32
    %eq3A_8 = arith.cmpi eq, %arg0, %eq3A_7 : i32
    %convert_element_type3A_9 = arith.extui %eq3A_8 : i1 to i32
    %cond3A_10 = arith.constant 0 : i32
    %cond3A_11 = arith.cmpi ne, %convert_element_type3A_9, %cond3A_10 : i32
    scf.if %cond3A_11 {
      "tpu.region"() ({
        %run_scoped3A = tpu.sem_alloc : memref<!tpu.dma_semaphore, #tpu.memory_space<semaphore_mem>>
        %dma_start3A_105 = arith.constant 0 : i32
        %dma_start3A_106 = tpu.memref_slice %arg6[%add3A, %dma_start3A_105] : memref<2500x128xi32, #tpu.memory_space<hbm>> -> memref<157x128xi32, #tpu.memory_space<hbm>>
        %dma_start3A_107 = arith.constant 0 : i32
        %dma_start3A_108 = tpu.memref_slice %arg6[%add3A, %dma_start3A_107] : memref<2500x128xi32, #tpu.memory_space<hbm>> -> memref<157x128xi32, #tpu.memory_space<hbm>>
        tpu.enqueue_dma source(%dma_start3A_108 : memref<157x128xi32, #tpu.memory_space<hbm>>) target(%arg16 : memref<157x128xi32, #tpu.memory_space<vmem>>) target_semaphore(%run_scoped3A : memref<!tpu.dma_semaphore, #tpu.memory_space<semaphore_mem>>)
        %dma_wait3A = arith.constant 0 : i32
        %dma_wait3A_109 = tpu.memref_slice %arg6[%add3A, %dma_wait3A] : memref<2500x128xi32, #tpu.memory_space<hbm>> -> memref<157x128xi32, #tpu.memory_space<hbm>>
        %dma_wait3A_110 = arith.constant 0 : i32
        %dma_wait3A_111 = tpu.memref_slice %arg6[%add3A, %dma_wait3A_110] : memref<2500x128xi32, #tpu.memory_space<hbm>> -> memref<157x128xi32, #tpu.memory_space<hbm>>
        tpu.wait_dma2 semaphore(%run_scoped3A : memref<!tpu.dma_semaphore, #tpu.memory_space<semaphore_mem>>) src(%dma_wait3A_111 : memref<157x128xi32, #tpu.memory_space<hbm>>) dst(%arg16 : memref<157x128xi32, #tpu.memory_space<vmem>>)
        tpu.yield
      }) : () -> ()
      "tpu.region"() ({
        %run_scoped3A = tpu.sem_alloc : memref<!tpu.dma_semaphore, #tpu.memory_space<semaphore_mem>>
        %dma_start3A_105 = arith.constant 0 : i32
        %dma_start3A_106 = tpu.memref_slice %arg7[%add3A, %dma_start3A_105] : memref<2500x128xi32, #tpu.memory_space<hbm>> -> memref<157x128xi32, #tpu.memory_space<hbm>>
        %dma_start3A_107 = arith.constant 0 : i32
        %dma_start3A_108 = tpu.memref_slice %arg7[%add3A, %dma_start3A_107] : memref<2500x128xi32, #tpu.memory_space<hbm>> -> memref<157x128xi32, #tpu.memory_space<hbm>>
        tpu.enqueue_dma source(%dma_start3A_108 : memref<157x128xi32, #tpu.memory_space<hbm>>) target(%arg17 : memref<157x128xi32, #tpu.memory_space<vmem>>) target_semaphore(%run_scoped3A : memref<!tpu.dma_semaphore, #tpu.memory_space<semaphore_mem>>)
        %dma_wait3A = arith.constant 0 : i32
        %dma_wait3A_109 = tpu.memref_slice %arg7[%add3A, %dma_wait3A] : memref<2500x128xi32, #tpu.memory_space<hbm>> -> memref<157x128xi32, #tpu.memory_space<hbm>>
        %dma_wait3A_110 = arith.constant 0 : i32
        %dma_wait3A_111 = tpu.memref_slice %arg7[%add3A, %dma_wait3A_110] : memref<2500x128xi32, #tpu.memory_space<hbm>> -> memref<157x128xi32, #tpu.memory_space<hbm>>
        tpu.wait_dma2 semaphore(%run_scoped3A : memref<!tpu.dma_semaphore, #tpu.memory_space<semaphore_mem>>) src(%dma_wait3A_111 : memref<157x128xi32, #tpu.memory_space<hbm>>) dst(%arg17 : memref<157x128xi32, #tpu.memory_space<vmem>>)
        tpu.yield
      }) : () -> ()
      %dma_start3A = arith.constant 0 : i32
      %dma_start3A_12 = arith.constant 0 : i32
      %dma_start3A_13 = tpu.memref_slice %arg16[%dma_start3A, %dma_start3A_12] : memref<157x128xi32, #tpu.memory_space<vmem>> -> memref<1x128xi32, #tpu.memory_space<vmem>>
      %dma_start3A_14 = tpu.memref_squeeze %dma_start3A_13 : memref<1x128xi32, #tpu.memory_space<vmem>> -> memref<128xi32, #tpu.memory_space<vmem>>
      %dma_start3A_15 = arith.constant 0 : i32
      %dma_start3A_16 = arith.constant 0 : i32
      %dma_start3A_17 = tpu.memref_slice %arg3[%dma_start3A_15, %dma_start3A_16] : memref<10000x64xbf16, #tpu.memory_space<hbm>> -> memref<10000x64xbf16, #tpu.memory_space<hbm>>
      tpu.enqueue_indirect_dma source(%dma_start3A_17 : memref<10000x64xbf16, #tpu.memory_space<hbm>>) target(%arg18 : memref<128x64xbf16, #tpu.memory_space<vmem>>) offsets(%dma_start3A_14 : memref<128xi32, #tpu.memory_space<vmem>>) semaphore(%arg30 : memref<!tpu.dma_semaphore, #tpu.memory_space<semaphore_mem>>)
      %dma_start3A_18 = arith.constant 0 : i32
      %dma_start3A_19 = arith.constant 0 : i32
      %dma_start3A_20 = tpu.memref_slice %arg16[%dma_start3A_18, %dma_start3A_19] : memref<157x128xi32, #tpu.memory_space<vmem>> -> memref<1x128xi32, #tpu.memory_space<vmem>>
      %dma_start3A_21 = tpu.memref_squeeze %dma_start3A_20 : memref<1x128xi32, #tpu.memory_space<vmem>> -> memref<128xi32, #tpu.memory_space<vmem>>
      %dma_start3A_22 = arith.constant 0 : i32
      %dma_start3A_23 = arith.constant 0 : i32
      %dma_start3A_24 = tpu.memref_slice %arg5[%dma_start3A_22, %dma_start3A_23] : memref<10000x32xi16, #tpu.memory_space<hbm>> -> memref<10000x32xi16, #tpu.memory_space<hbm>>
      tpu.enqueue_indirect_dma source(%dma_start3A_24 : memref<10000x32xi16, #tpu.memory_space<hbm>>) target(%arg24 : memref<128x32xi16, #tpu.memory_space<vmem>>) offsets(%dma_start3A_21 : memref<128xi32, #tpu.memory_space<vmem>>) semaphore(%arg30 : memref<!tpu.dma_semaphore, #tpu.memory_space<semaphore_mem>>)
      %dma_start3A_25 = arith.constant 1 : i32
      %dma_start3A_26 = arith.constant 0 : i32
      %dma_start3A_27 = tpu.memref_slice %arg16[%dma_start3A_25, %dma_start3A_26] : memref<157x128xi32, #tpu.memory_space<vmem>> -> memref<1x128xi32, #tpu.memory_space<vmem>>
      %dma_start3A_28 = tpu.memref_squeeze %dma_start3A_27 : memref<1x128xi32, #tpu.memory_space<vmem>> -> memref<128xi32, #tpu.memory_space<vmem>>
      %dma_start3A_29 = arith.constant 0 : i32
      %dma_start3A_30 = arith.constant 0 : i32
      %dma_start3A_31 = tpu.memref_slice %arg3[%dma_start3A_29, %dma_start3A_30] : memref<10000x64xbf16, #tpu.memory_space<hbm>> -> memref<10000x64xbf16, #tpu.memory_space<hbm>>
      tpu.enqueue_indirect_dma source(%dma_start3A_31 : memref<10000x64xbf16, #tpu.memory_space<hbm>>) target(%arg19 : memref<128x64xbf16, #tpu.memory_space<vmem>>) offsets(%dma_start3A_28 : memref<128xi32, #tpu.memory_space<vmem>>) semaphore(%arg31 : memref<!tpu.dma_semaphore, #tpu.memory_space<semaphore_mem>>)
      %dma_start3A_32 = arith.constant 1 : i32
      %dma_start3A_33 = arith.constant 0 : i32
      %dma_start3A_34 = tpu.memref_slice %arg16[%dma_start3A_32, %dma_start3A_33] : memref<157x128xi32, #tpu.memory_space<vmem>> -> memref<1x128xi32, #tpu.memory_space<vmem>>
      %dma_start3A_35 = tpu.memref_squeeze %dma_start3A_34 : memref<1x128xi32, #tpu.memory_space<vmem>> -> memref<128xi32, #tpu.memory_space<vmem>>
      %dma_start3A_36 = arith.constant 0 : i32
      %dma_start3A_37 = arith.constant 0 : i32
      %dma_start3A_38 = tpu.memref_slice %arg5[%dma_start3A_36, %dma_start3A_37] : memref<10000x32xi16, #tpu.memory_space<hbm>> -> memref<10000x32xi16, #tpu.memory_space<hbm>>
      tpu.enqueue_indirect_dma source(%dma_start3A_38 : memref<10000x32xi16, #tpu.memory_space<hbm>>) target(%arg25 : memref<128x32xi16, #tpu.memory_space<vmem>>) offsets(%dma_start3A_35 : memref<128xi32, #tpu.memory_space<vmem>>) semaphore(%arg31 : memref<!tpu.dma_semaphore, #tpu.memory_space<semaphore_mem>>)
      %dma_start3A_39 = arith.constant 2 : i32
      %dma_start3A_40 = arith.constant 0 : i32
      %dma_start3A_41 = tpu.memref_slice %arg16[%dma_start3A_39, %dma_start3A_40] : memref<157x128xi32, #tpu.memory_space<vmem>> -> memref<1x128xi32, #tpu.memory_space<vmem>>
      %dma_start3A_42 = tpu.memref_squeeze %dma_start3A_41 : memref<1x128xi32, #tpu.memory_space<vmem>> -> memref<128xi32, #tpu.memory_space<vmem>>
      %dma_start3A_43 = arith.constant 0 : i32
      %dma_start3A_44 = arith.constant 0 : i32
      %dma_start3A_45 = tpu.memref_slice %arg3[%dma_start3A_43, %dma_start3A_44] : memref<10000x64xbf16, #tpu.memory_space<hbm>> -> memref<10000x64xbf16, #tpu.memory_space<hbm>>
      tpu.enqueue_indirect_dma source(%dma_start3A_45 : memref<10000x64xbf16, #tpu.memory_space<hbm>>) target(%arg20 : memref<128x64xbf16, #tpu.memory_space<vmem>>) offsets(%dma_start3A_42 : memref<128xi32, #tpu.memory_space<vmem>>) semaphore(%arg32 : memref<!tpu.dma_semaphore, #tpu.memory_space<semaphore_mem>>)
      %dma_start3A_46 = arith.constant 2 : i32
      %dma_start3A_47 = arith.constant 0 : i32
      %dma_start3A_48 = tpu.memref_slice %arg16[%dma_start3A_46, %dma_start3A_47] : memref<157x128xi32, #tpu.memory_space<vmem>> -> memref<1x128xi32, #tpu.memory_space<vmem>>
      %dma_start3A_49 = tpu.memref_squeeze %dma_start3A_48 : memref<1x128xi32, #tpu.memory_space<vmem>> -> memref<128xi32, #tpu.memory_space<vmem>>
      %dma_start3A_50 = arith.constant 0 : i32
      %dma_start3A_51 = arith.constant 0 : i32
      %dma_start3A_52 = tpu.memref_slice %arg5[%dma_start3A_50, %dma_start3A_51] : memref<10000x32xi16, #tpu.memory_space<hbm>> -> memref<10000x32xi16, #tpu.memory_space<hbm>>
      tpu.enqueue_indirect_dma source(%dma_start3A_52 : memref<10000x32xi16, #tpu.memory_space<hbm>>) target(%arg26 : memref<128x32xi16, #tpu.memory_space<vmem>>) offsets(%dma_start3A_49 : memref<128xi32, #tpu.memory_space<vmem>>) semaphore(%arg32 : memref<!tpu.dma_semaphore, #tpu.memory_space<semaphore_mem>>)
      %dma_start3A_53 = arith.constant 3 : i32
      %dma_start3A_54 = arith.constant 0 : i32
      %dma_start3A_55 = tpu.memref_slice %arg16[%dma_start3A_53, %dma_start3A_54] : memref<157x128xi32, #tpu.memory_space<vmem>> -> memref<1x128xi32, #tpu.memory_space<vmem>>
      %dma_start3A_56 = tpu.memref_squeeze %dma_start3A_55 : memref<1x128xi32, #tpu.memory_space<vmem>> -> memref<128xi32, #tpu.memory_space<vmem>>
      %dma_start3A_57 = arith.constant 0 : i32
      %dma_start3A_58 = arith.constant 0 : i32
      %dma_start3A_59 = tpu.memref_slice %arg3[%dma_start3A_57, %dma_start3A_58] : memref<10000x64xbf16, #tpu.memory_space<hbm>> -> memref<10000x64xbf16, #tpu.memory_space<hbm>>
      tpu.enqueue_indirect_dma source(%dma_start3A_59 : memref<10000x64xbf16, #tpu.memory_space<hbm>>) target(%arg21 : memref<128x64xbf16, #tpu.memory_space<vmem>>) offsets(%dma_start3A_56 : memref<128xi32, #tpu.memory_space<vmem>>) semaphore(%arg33 : memref<!tpu.dma_semaphore, #tpu.memory_space<semaphore_mem>>)
      %dma_start3A_60 = arith.constant 3 : i32
      %dma_start3A_61 = arith.constant 0 : i32
      %dma_start3A_62 = tpu.memref_slice %arg16[%dma_start3A_60, %dma_start3A_61] : memref<157x128xi32, #tpu.memory_space<vmem>> -> memref<1x128xi32, #tpu.memory_space<vmem>>
      %dma_start3A_63 = tpu.memref_squeeze %dma_start3A_62 : memref<1x128xi32, #tpu.memory_space<vmem>> -> memref<128xi32, #tpu.memory_space<vmem>>
      %dma_start3A_64 = arith.constant 0 : i32
      %dma_start3A_65 = arith.constant 0 : i32
      %dma_start3A_66 = tpu.memref_slice %arg5[%dma_start3A_64, %dma_start3A_65] : memref<10000x32xi16, #tpu.memory_space<hbm>> -> memref<10000x32xi16, #tpu.memory_space<hbm>>
      tpu.enqueue_indirect_dma source(%dma_start3A_66 : memref<10000x32xi16, #tpu.memory_space<hbm>>) target(%arg27 : memref<128x32xi16, #tpu.memory_space<vmem>>) offsets(%dma_start3A_63 : memref<128xi32, #tpu.memory_space<vmem>>) semaphore(%arg33 : memref<!tpu.dma_semaphore, #tpu.memory_space<semaphore_mem>>)
      %dma_start3A_67 = arith.constant 4 : i32
      %dma_start3A_68 = arith.constant 0 : i32
      %dma_start3A_69 = tpu.memref_slice %arg16[%dma_start3A_67, %dma_start3A_68] : memref<157x128xi32, #tpu.memory_space<vmem>> -> memref<1x128xi32, #tpu.memory_space<vmem>>
      %dma_start3A_70 = tpu.memref_squeeze %dma_start3A_69 : memref<1x128xi32, #tpu.memory_space<vmem>> -> memref<128xi32, #tpu.memory_space<vmem>>
      %dma_start3A_71 = arith.constant 0 : i32
      %dma_start3A_72 = arith.constant 0 : i32
      %dma_start3A_73 = tpu.memref_slice %arg3[%dma_start3A_71, %dma_start3A_72] : memref<10000x64xbf16, #tpu.memory_space<hbm>> -> memref<10000x64xbf16, #tpu.memory_space<hbm>>
      tpu.enqueue_indirect_dma source(%dma_start3A_73 : memref<10000x64xbf16, #tpu.memory_space<hbm>>) target(%arg22 : memref<128x64xbf16, #tpu.memory_space<vmem>>) offsets(%dma_start3A_70 : memref<128xi32, #tpu.memory_space<vmem>>) semaphore(%arg34 : memref<!tpu.dma_semaphore, #tpu.memory_space<semaphore_mem>>)
      %dma_start3A_74 = arith.constant 4 : i32
      %dma_start3A_75 = arith.constant 0 : i32
      %dma_start3A_76 = tpu.memref_slice %arg16[%dma_start3A_74, %dma_start3A_75] : memref<157x128xi32, #tpu.memory_space<vmem>> -> memref<1x128xi32, #tpu.memory_space<vmem>>
      %dma_start3A_77 = tpu.memref_squeeze %dma_start3A_76 : memref<1x128xi32, #tpu.memory_space<vmem>> -> memref<128xi32, #tpu.memory_space<vmem>>
      %dma_start3A_78 = arith.constant 0 : i32
      %dma_start3A_79 = arith.constant 0 : i32
      %dma_start3A_80 = tpu.memref_slice %arg5[%dma_start3A_78, %dma_start3A_79] : memref<10000x32xi16, #tpu.memory_space<hbm>> -> memref<10000x32xi16, #tpu.memory_space<hbm>>
      tpu.enqueue_indirect_dma source(%dma_start3A_80 : memref<10000x32xi16, #tpu.memory_space<hbm>>) target(%arg28 : memref<128x32xi16, #tpu.memory_space<vmem>>) offsets(%dma_start3A_77 : memref<128xi32, #tpu.memory_space<vmem>>) semaphore(%arg34 : memref<!tpu.dma_semaphore, #tpu.memory_space<semaphore_mem>>)
      %dma_start3A_81 = arith.constant 5 : i32
      %dma_start3A_82 = arith.constant 0 : i32
      %dma_start3A_83 = tpu.memref_slice %arg16[%dma_start3A_81, %dma_start3A_82] : memref<157x128xi32, #tpu.memory_space<vmem>> -> memref<1x128xi32, #tpu.memory_space<vmem>>
      %dma_start3A_84 = tpu.memref_squeeze %dma_start3A_83 : memref<1x128xi32, #tpu.memory_space<vmem>> -> memref<128xi32, #tpu.memory_space<vmem>>
      %dma_start3A_85 = arith.constant 0 : i32
      %dma_start3A_86 = arith.constant 0 : i32
      %dma_start3A_87 = tpu.memref_slice %arg3[%dma_start3A_85, %dma_start3A_86] : memref<10000x64xbf16, #tpu.memory_space<hbm>> -> memref<10000x64xbf16, #tpu.memory_space<hbm>>
      tpu.enqueue_indirect_dma source(%dma_start3A_87 : memref<10000x64xbf16, #tpu.memory_space<hbm>>) target(%arg23 : memref<128x64xbf16, #tpu.memory_space<vmem>>) offsets(%dma_start3A_84 : memref<128xi32, #tpu.memory_space<vmem>>) semaphore(%arg35 : memref<!tpu.dma_semaphore, #tpu.memory_space<semaphore_mem>>)
      %dma_start3A_88 = arith.constant 5 : i32
      %dma_start3A_89 = arith.constant 0 : i32
      %dma_start3A_90 = tpu.memref_slice %arg16[%dma_start3A_88, %dma_start3A_89] : memref<157x128xi32, #tpu.memory_space<vmem>> -> memref<1x128xi32, #tpu.memory_space<vmem>>
      %dma_start3A_91 = tpu.memref_squeeze %dma_start3A_90 : memref<1x128xi32, #tpu.memory_space<vmem>> -> memref<128xi32, #tpu.memory_space<vmem>>
      %dma_start3A_92 = arith.constant 0 : i32
      %dma_start3A_93 = arith.constant 0 : i32
      %dma_start3A_94 = tpu.memref_slice %arg5[%dma_start3A_92, %dma_start3A_93] : memref<10000x32xi16, #tpu.memory_space<hbm>> -> memref<10000x32xi16, #tpu.memory_space<hbm>>
      tpu.enqueue_indirect_dma source(%dma_start3A_94 : memref<10000x32xi16, #tpu.memory_space<hbm>>) target(%arg29 : memref<128x32xi16, #tpu.memory_space<vmem>>) offsets(%dma_start3A_91 : memref<128xi32, #tpu.memory_space<vmem>>) semaphore(%arg35 : memref<!tpu.dma_semaphore, #tpu.memory_space<semaphore_mem>>)
      %scan3A = arith.constant 0 : i32
      %scan3A_95 = arith.constant 0 : i32
      %scan3A_96 = arith.constant 26 : i32
      %scan3A_97 = arith.addi %scan3A_95, %scan3A_96 : i32
      %scan3A_98 = arith.constant 1 : i32
      scf.for %scan3A_105 = %scan3A_95 to %scan3A_97 step %scan3A_98  : i32 {
        %mul3A_106 = arith.constant 6 : i32
        %mul3A_107 = arith.muli %mul3A_106, %scan3A_105 : i32
        %add3A_108 = arith.constant 0 : i32
        %add3A_109 = arith.addi %mul3A_107, %add3A_108 : i32
        %dma_wait3A = arith.constant 0 : i32
        %dma_wait3A_110 = tpu.memref_slice %arg16[%add3A_109, %dma_wait3A] : memref<157x128xi32, #tpu.memory_space<vmem>> -> memref<1x128xi32, #tpu.memory_space<vmem>>
        %dma_wait3A_111 = tpu.memref_squeeze %dma_wait3A_110 : memref<1x128xi32, #tpu.memory_space<vmem>> -> memref<128xi32, #tpu.memory_space<vmem>>
        %dma_wait3A_112 = arith.constant 0 : i32
        %dma_wait3A_113 = arith.constant 0 : i32
        %dma_wait3A_114 = tpu.memref_slice %arg3[%dma_wait3A_112, %dma_wait3A_113] : memref<10000x64xbf16, #tpu.memory_space<hbm>> -> memref<10000x64xbf16, #tpu.memory_space<hbm>>
        tpu.wait_indirect_dma semaphore(%arg30 : memref<!tpu.dma_semaphore, #tpu.memory_space<semaphore_mem>>) src(%dma_wait3A_114 : memref<10000x64xbf16, #tpu.memory_space<hbm>>) dst(%arg18 : memref<128x64xbf16, #tpu.memory_space<vmem>>)
        %add3A_115 = arith.constant 0 : i32
        %add3A_116 = arith.addi %mul3A_107, %add3A_115 : i32
        %dma_wait3A_117 = arith.constant 0 : i32
        %dma_wait3A_118 = tpu.memref_slice %arg16[%add3A_116, %dma_wait3A_117] : memref<157x128xi32, #tpu.memory_space<vmem>> -> memref<1x128xi32, #tpu.memory_space<vmem>>
        %dma_wait3A_119 = tpu.memref_squeeze %dma_wait3A_118 : memref<1x128xi32, #tpu.memory_space<vmem>> -> memref<128xi32, #tpu.memory_space<vmem>>
        %dma_wait3A_120 = arith.constant 0 : i32
        %dma_wait3A_121 = arith.constant 0 : i32
        %dma_wait3A_122 = tpu.memref_slice %arg5[%dma_wait3A_120, %dma_wait3A_121] : memref<10000x32xi16, #tpu.memory_space<hbm>> -> memref<10000x32xi16, #tpu.memory_space<hbm>>
        tpu.wait_indirect_dma semaphore(%arg30 : memref<!tpu.dma_semaphore, #tpu.memory_space<semaphore_mem>>) src(%dma_wait3A_122 : memref<10000x32xi16, #tpu.memory_space<hbm>>) dst(%arg24 : memref<128x32xi16, #tpu.memory_space<vmem>>)
        %add3A_123 = arith.constant 0 : i32
        %add3A_124 = arith.addi %mul3A_107, %add3A_123 : i32
        %dma_start3A_125 = arith.constant 0 : i32
        %dma_start3A_126 = tpu.memref_slice %arg17[%add3A_124, %dma_start3A_125] : memref<157x128xi32, #tpu.memory_space<vmem>> -> memref<1x128xi32, #tpu.memory_space<vmem>>
        %dma_start3A_127 = tpu.memref_squeeze %dma_start3A_126 : memref<1x128xi32, #tpu.memory_space<vmem>> -> memref<128xi32, #tpu.memory_space<vmem>>
        %dma_start3A_128 = arith.constant 0 : i32
        %dma_start3A_129 = arith.constant 0 : i32
        %dma_start3A_130 = tpu.memref_slice %arg14[%dma_start3A_128, %dma_start3A_129] : memref<10000x64xbf16, #tpu.memory_space<vmem_shared>> -> memref<10000x64xbf16, #tpu.memory_space<vmem_shared>>
        tpu.enqueue_indirect_dma source(%arg18 : memref<128x64xbf16, #tpu.memory_space<vmem>>) target(%dma_start3A_130 : memref<10000x64xbf16, #tpu.memory_space<vmem_shared>>) offsets(%dma_start3A_127 : memref<128xi32, #tpu.memory_space<vmem>>) semaphore(%arg36 : memref<!tpu.dma_semaphore, #tpu.memory_space<semaphore_mem>>) {add = true}
        %add3A_131 = arith.constant 0 : i32
        %add3A_132 = arith.addi %mul3A_107, %add3A_131 : i32
        %dma_start3A_133 = arith.constant 0 : i32
        %dma_start3A_134 = tpu.memref_slice %arg17[%add3A_132, %dma_start3A_133] : memref<157x128xi32, #tpu.memory_space<vmem>> -> memref<1x128xi32, #tpu.memory_space<vmem>>
        %dma_start3A_135 = tpu.memref_squeeze %dma_start3A_134 : memref<1x128xi32, #tpu.memory_space<vmem>> -> memref<128xi32, #tpu.memory_space<vmem>>
        %dma_start3A_136 = arith.constant 0 : i32
        %dma_start3A_137 = arith.constant 0 : i32
        %dma_start3A_138 = tpu.memref_slice %arg15[%dma_start3A_136, %dma_start3A_137] : memref<10000x32xi16, #tpu.memory_space<vmem_shared>> -> memref<10000x32xi16, #tpu.memory_space<vmem_shared>>
        tpu.enqueue_indirect_dma source(%arg24 : memref<128x32xi16, #tpu.memory_space<vmem>>) target(%dma_start3A_138 : memref<10000x32xi16, #tpu.memory_space<vmem_shared>>) offsets(%dma_start3A_135 : memref<128xi32, #tpu.memory_space<vmem>>) semaphore(%arg36 : memref<!tpu.dma_semaphore, #tpu.memory_space<semaphore_mem>>) {add = true}
        %add3A_139 = arith.constant 1 : i32
        %add3A_140 = arith.addi %mul3A_107, %add3A_139 : i32
        %dma_wait3A_141 = arith.constant 0 : i32
        %dma_wait3A_142 = tpu.memref_slice %arg16[%add3A_140, %dma_wait3A_141] : memref<157x128xi32, #tpu.memory_space<vmem>> -> memref<1x128xi32, #tpu.memory_space<vmem>>
        %dma_wait3A_143 = tpu.memref_squeeze %dma_wait3A_142 : memref<1x128xi32, #tpu.memory_space<vmem>> -> memref<128xi32, #tpu.memory_space<vmem>>
        %dma_wait3A_144 = arith.constant 0 : i32
        %dma_wait3A_145 = arith.constant 0 : i32
        %dma_wait3A_146 = tpu.memref_slice %arg3[%dma_wait3A_144, %dma_wait3A_145] : memref<10000x64xbf16, #tpu.memory_space<hbm>> -> memref<10000x64xbf16, #tpu.memory_space<hbm>>
        tpu.wait_indirect_dma semaphore(%arg31 : memref<!tpu.dma_semaphore, #tpu.memory_space<semaphore_mem>>) src(%dma_wait3A_146 : memref<10000x64xbf16, #tpu.memory_space<hbm>>) dst(%arg19 : memref<128x64xbf16, #tpu.memory_space<vmem>>)
        %add3A_147 = arith.constant 1 : i32
        %add3A_148 = arith.addi %mul3A_107, %add3A_147 : i32
        %dma_wait3A_149 = arith.constant 0 : i32
        %dma_wait3A_150 = tpu.memref_slice %arg16[%add3A_148, %dma_wait3A_149] : memref<157x128xi32, #tpu.memory_space<vmem>> -> memref<1x128xi32, #tpu.memory_space<vmem>>
        %dma_wait3A_151 = tpu.memref_squeeze %dma_wait3A_150 : memref<1x128xi32, #tpu.memory_space<vmem>> -> memref<128xi32, #tpu.memory_space<vmem>>
        %dma_wait3A_152 = arith.constant 0 : i32
        %dma_wait3A_153 = arith.constant 0 : i32
        %dma_wait3A_154 = tpu.memref_slice %arg5[%dma_wait3A_152, %dma_wait3A_153] : memref<10000x32xi16, #tpu.memory_space<hbm>> -> memref<10000x32xi16, #tpu.memory_space<hbm>>
        tpu.wait_indirect_dma semaphore(%arg31 : memref<!tpu.dma_semaphore, #tpu.memory_space<semaphore_mem>>) src(%dma_wait3A_154 : memref<10000x32xi16, #tpu.memory_space<hbm>>) dst(%arg25 : memref<128x32xi16, #tpu.memory_space<vmem>>)
        %add3A_155 = arith.constant 1 : i32
        %add3A_156 = arith.addi %mul3A_107, %add3A_155 : i32
        %dma_start3A_157 = arith.constant 0 : i32
        %dma_start3A_158 = tpu.memref_slice %arg17[%add3A_156, %dma_start3A_157] : memref<157x128xi32, #tpu.memory_space<vmem>> -> memref<1x128xi32, #tpu.memory_space<vmem>>
        %dma_start3A_159 = tpu.memref_squeeze %dma_start3A_158 : memref<1x128xi32, #tpu.memory_space<vmem>> -> memref<128xi32, #tpu.memory_space<vmem>>
        %dma_start3A_160 = arith.constant 0 : i32
        %dma_start3A_161 = arith.constant 0 : i32
        %dma_start3A_162 = tpu.memref_slice %arg14[%dma_start3A_160, %dma_start3A_161] : memref<10000x64xbf16, #tpu.memory_space<vmem_shared>> -> memref<10000x64xbf16, #tpu.memory_space<vmem_shared>>
        tpu.enqueue_indirect_dma source(%arg19 : memref<128x64xbf16, #tpu.memory_space<vmem>>) target(%dma_start3A_162 : memref<10000x64xbf16, #tpu.memory_space<vmem_shared>>) offsets(%dma_start3A_159 : memref<128xi32, #tpu.memory_space<vmem>>) semaphore(%arg37 : memref<!tpu.dma_semaphore, #tpu.memory_space<semaphore_mem>>) {add = true}
        %add3A_163 = arith.constant 1 : i32
        %add3A_164 = arith.addi %mul3A_107, %add3A_163 : i32
        %dma_start3A_165 = arith.constant 0 : i32
        %dma_start3A_166 = tpu.memref_slice %arg17[%add3A_164, %dma_start3A_165] : memref<157x128xi32, #tpu.memory_space<vmem>> -> memref<1x128xi32, #tpu.memory_space<vmem>>
        %dma_start3A_167 = tpu.memref_squeeze %dma_start3A_166 : memref<1x128xi32, #tpu.memory_space<vmem>> -> memref<128xi32, #tpu.memory_space<vmem>>
        %dma_start3A_168 = arith.constant 0 : i32
        %dma_start3A_169 = arith.constant 0 : i32
        %dma_start3A_170 = tpu.memref_slice %arg15[%dma_start3A_168, %dma_start3A_169] : memref<10000x32xi16, #tpu.memory_space<vmem_shared>> -> memref<10000x32xi16, #tpu.memory_space<vmem_shared>>
        tpu.enqueue_indirect_dma source(%arg25 : memref<128x32xi16, #tpu.memory_space<vmem>>) target(%dma_start3A_170 : memref<10000x32xi16, #tpu.memory_space<vmem_shared>>) offsets(%dma_start3A_167 : memref<128xi32, #tpu.memory_space<vmem>>) semaphore(%arg37 : memref<!tpu.dma_semaphore, #tpu.memory_space<semaphore_mem>>) {add = true}
        %add3A_171 = arith.constant 2 : i32
        %add3A_172 = arith.addi %mul3A_107, %add3A_171 : i32
        %dma_wait3A_173 = arith.constant 0 : i32
        %dma_wait3A_174 = tpu.memref_slice %arg16[%add3A_172, %dma_wait3A_173] : memref<157x128xi32, #tpu.memory_space<vmem>> -> memref<1x128xi32, #tpu.memory_space<vmem>>
        %dma_wait3A_175 = tpu.memref_squeeze %dma_wait3A_174 : memref<1x128xi32, #tpu.memory_space<vmem>> -> memref<128xi32, #tpu.memory_space<vmem>>
        %dma_wait3A_176 = arith.constant 0 : i32
        %dma_wait3A_177 = arith.constant 0 : i32
        %dma_wait3A_178 = tpu.memref_slice %arg3[%dma_wait3A_176, %dma_wait3A_177] : memref<10000x64xbf16, #tpu.memory_space<hbm>> -> memref<10000x64xbf16, #tpu.memory_space<hbm>>
        tpu.wait_indirect_dma semaphore(%arg32 : memref<!tpu.dma_semaphore, #tpu.memory_space<semaphore_mem>>) src(%dma_wait3A_178 : memref<10000x64xbf16, #tpu.memory_space<hbm>>) dst(%arg20 : memref<128x64xbf16, #tpu.memory_space<vmem>>)
        %add3A_179 = arith.constant 2 : i32
        %add3A_180 = arith.addi %mul3A_107, %add3A_179 : i32
        %dma_wait3A_181 = arith.constant 0 : i32
        %dma_wait3A_182 = tpu.memref_slice %arg16[%add3A_180, %dma_wait3A_181] : memref<157x128xi32, #tpu.memory_space<vmem>> -> memref<1x128xi32, #tpu.memory_space<vmem>>
        %dma_wait3A_183 = tpu.memref_squeeze %dma_wait3A_182 : memref<1x128xi32, #tpu.memory_space<vmem>> -> memref<128xi32, #tpu.memory_space<vmem>>
        %dma_wait3A_184 = arith.constant 0 : i32
        %dma_wait3A_185 = arith.constant 0 : i32
        %dma_wait3A_186 = tpu.memref_slice %arg5[%dma_wait3A_184, %dma_wait3A_185] : memref<10000x32xi16, #tpu.memory_space<hbm>> -> memref<10000x32xi16, #tpu.memory_space<hbm>>
        tpu.wait_indirect_dma semaphore(%arg32 : memref<!tpu.dma_semaphore, #tpu.memory_space<semaphore_mem>>) src(%dma_wait3A_186 : memref<10000x32xi16, #tpu.memory_space<hbm>>) dst(%arg26 : memref<128x32xi16, #tpu.memory_space<vmem>>)
        %add3A_187 = arith.constant 2 : i32
        %add3A_188 = arith.addi %mul3A_107, %add3A_187 : i32
        %dma_start3A_189 = arith.constant 0 : i32
        %dma_start3A_190 = tpu.memref_slice %arg17[%add3A_188, %dma_start3A_189] : memref<157x128xi32, #tpu.memory_space<vmem>> -> memref<1x128xi32, #tpu.memory_space<vmem>>
        %dma_start3A_191 = tpu.memref_squeeze %dma_start3A_190 : memref<1x128xi32, #tpu.memory_space<vmem>> -> memref<128xi32, #tpu.memory_space<vmem>>
        %dma_start3A_192 = arith.constant 0 : i32
        %dma_start3A_193 = arith.constant 0 : i32
        %dma_start3A_194 = tpu.memref_slice %arg14[%dma_start3A_192, %dma_start3A_193] : memref<10000x64xbf16, #tpu.memory_space<vmem_shared>> -> memref<10000x64xbf16, #tpu.memory_space<vmem_shared>>
        tpu.enqueue_indirect_dma source(%arg20 : memref<128x64xbf16, #tpu.memory_space<vmem>>) target(%dma_start3A_194 : memref<10000x64xbf16, #tpu.memory_space<vmem_shared>>) offsets(%dma_start3A_191 : memref<128xi32, #tpu.memory_space<vmem>>) semaphore(%arg38 : memref<!tpu.dma_semaphore, #tpu.memory_space<semaphore_mem>>) {add = true}
        %add3A_195 = arith.constant 2 : i32
        %add3A_196 = arith.addi %mul3A_107, %add3A_195 : i32
        %dma_start3A_197 = arith.constant 0 : i32
        %dma_start3A_198 = tpu.memref_slice %arg17[%add3A_196, %dma_start3A_197] : memref<157x128xi32, #tpu.memory_space<vmem>> -> memref<1x128xi32, #tpu.memory_space<vmem>>
        %dma_start3A_199 = tpu.memref_squeeze %dma_start3A_198 : memref<1x128xi32, #tpu.memory_space<vmem>> -> memref<128xi32, #tpu.memory_space<vmem>>
        %dma_start3A_200 = arith.constant 0 : i32
        %dma_start3A_201 = arith.constant 0 : i32
        %dma_start3A_202 = tpu.memref_slice %arg15[%dma_start3A_200, %dma_start3A_201] : memref<10000x32xi16, #tpu.memory_space<vmem_shared>> -> memref<10000x32xi16, #tpu.memory_space<vmem_shared>>
        tpu.enqueue_indirect_dma source(%arg26 : memref<128x32xi16, #tpu.memory_space<vmem>>) target(%dma_start3A_202 : memref<10000x32xi16, #tpu.memory_space<vmem_shared>>) offsets(%dma_start3A_199 : memref<128xi32, #tpu.memory_space<vmem>>) semaphore(%arg38 : memref<!tpu.dma_semaphore, #tpu.memory_space<semaphore_mem>>) {add = true}
        %add3A_203 = arith.constant 3 : i32
        %add3A_204 = arith.addi %mul3A_107, %add3A_203 : i32
        %dma_wait3A_205 = arith.constant 0 : i32
        %dma_wait3A_206 = tpu.memref_slice %arg16[%add3A_204, %dma_wait3A_205] : memref<157x128xi32, #tpu.memory_space<vmem>> -> memref<1x128xi32, #tpu.memory_space<vmem>>
        %dma_wait3A_207 = tpu.memref_squeeze %dma_wait3A_206 : memref<1x128xi32, #tpu.memory_space<vmem>> -> memref<128xi32, #tpu.memory_space<vmem>>
        %dma_wait3A_208 = arith.constant 0 : i32
        %dma_wait3A_209 = arith.constant 0 : i32
        %dma_wait3A_210 = tpu.memref_slice %arg3[%dma_wait3A_208, %dma_wait3A_209] : memref<10000x64xbf16, #tpu.memory_space<hbm>> -> memref<10000x64xbf16, #tpu.memory_space<hbm>>
        tpu.wait_indirect_dma semaphore(%arg33 : memref<!tpu.dma_semaphore, #tpu.memory_space<semaphore_mem>>) src(%dma_wait3A_210 : memref<10000x64xbf16, #tpu.memory_space<hbm>>) dst(%arg21 : memref<128x64xbf16, #tpu.memory_space<vmem>>)
        %add3A_211 = arith.constant 3 : i32
        %add3A_212 = arith.addi %mul3A_107, %add3A_211 : i32
        %dma_wait3A_213 = arith.constant 0 : i32
        %dma_wait3A_214 = tpu.memref_slice %arg16[%add3A_212, %dma_wait3A_213] : memref<157x128xi32, #tpu.memory_space<vmem>> -> memref<1x128xi32, #tpu.memory_space<vmem>>
        %dma_wait3A_215 = tpu.memref_squeeze %dma_wait3A_214 : memref<1x128xi32, #tpu.memory_space<vmem>> -> memref<128xi32, #tpu.memory_space<vmem>>
        %dma_wait3A_216 = arith.constant 0 : i32
        %dma_wait3A_217 = arith.constant 0 : i32
        %dma_wait3A_218 = tpu.memref_slice %arg5[%dma_wait3A_216, %dma_wait3A_217] : memref<10000x32xi16, #tpu.memory_space<hbm>> -> memref<10000x32xi16, #tpu.memory_space<hbm>>
        tpu.wait_indirect_dma semaphore(%arg33 : memref<!tpu.dma_semaphore, #tpu.memory_space<semaphore_mem>>) src(%dma_wait3A_218 : memref<10000x32xi16, #tpu.memory_space<hbm>>) dst(%arg27 : memref<128x32xi16, #tpu.memory_space<vmem>>)
        %add3A_219 = arith.constant 3 : i32
        %add3A_220 = arith.addi %mul3A_107, %add3A_219 : i32
        %dma_start3A_221 = arith.constant 0 : i32
        %dma_start3A_222 = tpu.memref_slice %arg17[%add3A_220, %dma_start3A_221] : memref<157x128xi32, #tpu.memory_space<vmem>> -> memref<1x128xi32, #tpu.memory_space<vmem>>
        %dma_start3A_223 = tpu.memref_squeeze %dma_start3A_222 : memref<1x128xi32, #tpu.memory_space<vmem>> -> memref<128xi32, #tpu.memory_space<vmem>>
        %dma_start3A_224 = arith.constant 0 : i32
        %dma_start3A_225 = arith.constant 0 : i32
        %dma_start3A_226 = tpu.memref_slice %arg14[%dma_start3A_224, %dma_start3A_225] : memref<10000x64xbf16, #tpu.memory_space<vmem_shared>> -> memref<10000x64xbf16, #tpu.memory_space<vmem_shared>>
        tpu.enqueue_indirect_dma source(%arg21 : memref<128x64xbf16, #tpu.memory_space<vmem>>) target(%dma_start3A_226 : memref<10000x64xbf16, #tpu.memory_space<vmem_shared>>) offsets(%dma_start3A_223 : memref<128xi32, #tpu.memory_space<vmem>>) semaphore(%arg39 : memref<!tpu.dma_semaphore, #tpu.memory_space<semaphore_mem>>) {add = true}
        %add3A_227 = arith.constant 3 : i32
        %add3A_228 = arith.addi %mul3A_107, %add3A_227 : i32
        %dma_start3A_229 = arith.constant 0 : i32
        %dma_start3A_230 = tpu.memref_slice %arg17[%add3A_228, %dma_start3A_229] : memref<157x128xi32, #tpu.memory_space<vmem>> -> memref<1x128xi32, #tpu.memory_space<vmem>>
        %dma_start3A_231 = tpu.memref_squeeze %dma_start3A_230 : memref<1x128xi32, #tpu.memory_space<vmem>> -> memref<128xi32, #tpu.memory_space<vmem>>
        %dma_start3A_232 = arith.constant 0 : i32
        %dma_start3A_233 = arith.constant 0 : i32
        %dma_start3A_234 = tpu.memref_slice %arg15[%dma_start3A_232, %dma_start3A_233] : memref<10000x32xi16, #tpu.memory_space<vmem_shared>> -> memref<10000x32xi16, #tpu.memory_space<vmem_shared>>
        tpu.enqueue_indirect_dma source(%arg27 : memref<128x32xi16, #tpu.memory_space<vmem>>) target(%dma_start3A_234 : memref<10000x32xi16, #tpu.memory_space<vmem_shared>>) offsets(%dma_start3A_231 : memref<128xi32, #tpu.memory_space<vmem>>) semaphore(%arg39 : memref<!tpu.dma_semaphore, #tpu.memory_space<semaphore_mem>>) {add = true}
        %add3A_235 = arith.constant 4 : i32
        %add3A_236 = arith.addi %mul3A_107, %add3A_235 : i32
        %dma_wait3A_237 = arith.constant 0 : i32
        %dma_wait3A_238 = tpu.memref_slice %arg16[%add3A_236, %dma_wait3A_237] : memref<157x128xi32, #tpu.memory_space<vmem>> -> memref<1x128xi32, #tpu.memory_space<vmem>>
        %dma_wait3A_239 = tpu.memref_squeeze %dma_wait3A_238 : memref<1x128xi32, #tpu.memory_space<vmem>> -> memref<128xi32, #tpu.memory_space<vmem>>
        %dma_wait3A_240 = arith.constant 0 : i32
        %dma_wait3A_241 = arith.constant 0 : i32
        %dma_wait3A_242 = tpu.memref_slice %arg3[%dma_wait3A_240, %dma_wait3A_241] : memref<10000x64xbf16, #tpu.memory_space<hbm>> -> memref<10000x64xbf16, #tpu.memory_space<hbm>>
        tpu.wait_indirect_dma semaphore(%arg34 : memref<!tpu.dma_semaphore, #tpu.memory_space<semaphore_mem>>) src(%dma_wait3A_242 : memref<10000x64xbf16, #tpu.memory_space<hbm>>) dst(%arg22 : memref<128x64xbf16, #tpu.memory_space<vmem>>)
        %add3A_243 = arith.constant 4 : i32
        %add3A_244 = arith.addi %mul3A_107, %add3A_243 : i32
        %dma_wait3A_245 = arith.constant 0 : i32
        %dma_wait3A_246 = tpu.memref_slice %arg16[%add3A_244, %dma_wait3A_245] : memref<157x128xi32, #tpu.memory_space<vmem>> -> memref<1x128xi32, #tpu.memory_space<vmem>>
        %dma_wait3A_247 = tpu.memref_squeeze %dma_wait3A_246 : memref<1x128xi32, #tpu.memory_space<vmem>> -> memref<128xi32, #tpu.memory_space<vmem>>
        %dma_wait3A_248 = arith.constant 0 : i32
        %dma_wait3A_249 = arith.constant 0 : i32
        %dma_wait3A_250 = tpu.memref_slice %arg5[%dma_wait3A_248, %dma_wait3A_249] : memref<10000x32xi16, #tpu.memory_space<hbm>> -> memref<10000x32xi16, #tpu.memory_space<hbm>>
        tpu.wait_indirect_dma semaphore(%arg34 : memref<!tpu.dma_semaphore, #tpu.memory_space<semaphore_mem>>) src(%dma_wait3A_250 : memref<10000x32xi16, #tpu.memory_space<hbm>>) dst(%arg28 : memref<128x32xi16, #tpu.memory_space<vmem>>)
        %add3A_251 = arith.constant 4 : i32
        %add3A_252 = arith.addi %mul3A_107, %add3A_251 : i32
        %dma_start3A_253 = arith.constant 0 : i32
        %dma_start3A_254 = tpu.memref_slice %arg17[%add3A_252, %dma_start3A_253] : memref<157x128xi32, #tpu.memory_space<vmem>> -> memref<1x128xi32, #tpu.memory_space<vmem>>
        %dma_start3A_255 = tpu.memref_squeeze %dma_start3A_254 : memref<1x128xi32, #tpu.memory_space<vmem>> -> memref<128xi32, #tpu.memory_space<vmem>>
        %dma_start3A_256 = arith.constant 0 : i32
        %dma_start3A_257 = arith.constant 0 : i32
        %dma_start3A_258 = tpu.memref_slice %arg14[%dma_start3A_256, %dma_start3A_257] : memref<10000x64xbf16, #tpu.memory_space<vmem_shared>> -> memref<10000x64xbf16, #tpu.memory_space<vmem_shared>>
        tpu.enqueue_indirect_dma source(%arg22 : memref<128x64xbf16, #tpu.memory_space<vmem>>) target(%dma_start3A_258 : memref<10000x64xbf16, #tpu.memory_space<vmem_shared>>) offsets(%dma_start3A_255 : memref<128xi32, #tpu.memory_space<vmem>>) semaphore(%arg40 : memref<!tpu.dma_semaphore, #tpu.memory_space<semaphore_mem>>) {add = true}
        %add3A_259 = arith.constant 4 : i32
        %add3A_260 = arith.addi %mul3A_107, %add3A_259 : i32
        %dma_start3A_261 = arith.constant 0 : i32
        %dma_start3A_262 = tpu.memref_slice %arg17[%add3A_260, %dma_start3A_261] : memref<157x128xi32, #tpu.memory_space<vmem>> -> memref<1x128xi32, #tpu.memory_space<vmem>>
        %dma_start3A_263 = tpu.memref_squeeze %dma_start3A_262 : memref<1x128xi32, #tpu.memory_space<vmem>> -> memref<128xi32, #tpu.memory_space<vmem>>
        %dma_start3A_264 = arith.constant 0 : i32
        %dma_start3A_265 = arith.constant 0 : i32
        %dma_start3A_266 = tpu.memref_slice %arg15[%dma_start3A_264, %dma_start3A_265] : memref<10000x32xi16, #tpu.memory_space<vmem_shared>> -> memref<10000x32xi16, #tpu.memory_space<vmem_shared>>
        tpu.enqueue_indirect_dma source(%arg28 : memref<128x32xi16, #tpu.memory_space<vmem>>) target(%dma_start3A_266 : memref<10000x32xi16, #tpu.memory_space<vmem_shared>>) offsets(%dma_start3A_263 : memref<128xi32, #tpu.memory_space<vmem>>) semaphore(%arg40 : memref<!tpu.dma_semaphore, #tpu.memory_space<semaphore_mem>>) {add = true}
        %add3A_267 = arith.constant 5 : i32
        %add3A_268 = arith.addi %mul3A_107, %add3A_267 : i32
        %dma_wait3A_269 = arith.constant 0 : i32
        %dma_wait3A_270 = tpu.memref_slice %arg16[%add3A_268, %dma_wait3A_269] : memref<157x128xi32, #tpu.memory_space<vmem>> -> memref<1x128xi32, #tpu.memory_space<vmem>>
        %dma_wait3A_271 = tpu.memref_squeeze %dma_wait3A_270 : memref<1x128xi32, #tpu.memory_space<vmem>> -> memref<128xi32, #tpu.memory_space<vmem>>
        %dma_wait3A_272 = arith.constant 0 : i32
        %dma_wait3A_273 = arith.constant 0 : i32
        %dma_wait3A_274 = tpu.memref_slice %arg3[%dma_wait3A_272, %dma_wait3A_273] : memref<10000x64xbf16, #tpu.memory_space<hbm>> -> memref<10000x64xbf16, #tpu.memory_space<hbm>>
        tpu.wait_indirect_dma semaphore(%arg35 : memref<!tpu.dma_semaphore, #tpu.memory_space<semaphore_mem>>) src(%dma_wait3A_274 : memref<10000x64xbf16, #tpu.memory_space<hbm>>) dst(%arg23 : memref<128x64xbf16, #tpu.memory_space<vmem>>)
        %add3A_275 = arith.constant 5 : i32
        %add3A_276 = arith.addi %mul3A_107, %add3A_275 : i32
        %dma_wait3A_277 = arith.constant 0 : i32
        %dma_wait3A_278 = tpu.memref_slice %arg16[%add3A_276, %dma_wait3A_277] : memref<157x128xi32, #tpu.memory_space<vmem>> -> memref<1x128xi32, #tpu.memory_space<vmem>>
        %dma_wait3A_279 = tpu.memref_squeeze %dma_wait3A_278 : memref<1x128xi32, #tpu.memory_space<vmem>> -> memref<128xi32, #tpu.memory_space<vmem>>
        %dma_wait3A_280 = arith.constant 0 : i32
        %dma_wait3A_281 = arith.constant 0 : i32
        %dma_wait3A_282 = tpu.memref_slice %arg5[%dma_wait3A_280, %dma_wait3A_281] : memref<10000x32xi16, #tpu.memory_space<hbm>> -> memref<10000x32xi16, #tpu.memory_space<hbm>>
        tpu.wait_indirect_dma semaphore(%arg35 : memref<!tpu.dma_semaphore, #tpu.memory_space<semaphore_mem>>) src(%dma_wait3A_282 : memref<10000x32xi16, #tpu.memory_space<hbm>>) dst(%arg29 : memref<128x32xi16, #tpu.memory_space<vmem>>)
        %add3A_283 = arith.constant 5 : i32
        %add3A_284 = arith.addi %mul3A_107, %add3A_283 : i32
        %dma_start3A_285 = arith.constant 0 : i32
        %dma_start3A_286 = tpu.memref_slice %arg17[%add3A_284, %dma_start3A_285] : memref<157x128xi32, #tpu.memory_space<vmem>> -> memref<1x128xi32, #tpu.memory_space<vmem>>
        %dma_start3A_287 = tpu.memref_squeeze %dma_start3A_286 : memref<1x128xi32, #tpu.memory_space<vmem>> -> memref<128xi32, #tpu.memory_space<vmem>>
        %dma_start3A_288 = arith.constant 0 : i32
        %dma_start3A_289 = arith.constant 0 : i32
        %dma_start3A_290 = tpu.memref_slice %arg14[%dma_start3A_288, %dma_start3A_289] : memref<10000x64xbf16, #tpu.memory_space<vmem_shared>> -> memref<10000x64xbf16, #tpu.memory_space<vmem_shared>>
        tpu.enqueue_indirect_dma source(%arg23 : memref<128x64xbf16, #tpu.memory_space<vmem>>) target(%dma_start3A_290 : memref<10000x64xbf16, #tpu.memory_space<vmem_shared>>) offsets(%dma_start3A_287 : memref<128xi32, #tpu.memory_space<vmem>>) semaphore(%arg41 : memref<!tpu.dma_semaphore, #tpu.memory_space<semaphore_mem>>) {add = true}
        %add3A_291 = arith.constant 5 : i32
        %add3A_292 = arith.addi %mul3A_107, %add3A_291 : i32
        %dma_start3A_293 = arith.constant 0 : i32
        %dma_start3A_294 = tpu.memref_slice %arg17[%add3A_292, %dma_start3A_293] : memref<157x128xi32, #tpu.memory_space<vmem>> -> memref<1x128xi32, #tpu.memory_space<vmem>>
        %dma_start3A_295 = tpu.memref_squeeze %dma_start3A_294 : memref<1x128xi32, #tpu.memory_space<vmem>> -> memref<128xi32, #tpu.memory_space<vmem>>
        %dma_start3A_296 = arith.constant 0 : i32
        %dma_start3A_297 = arith.constant 0 : i32
        %dma_start3A_298 = tpu.memref_slice %arg15[%dma_start3A_296, %dma_start3A_297] : memref<10000x32xi16, #tpu.memory_space<vmem_shared>> -> memref<10000x32xi16, #tpu.memory_space<vmem_shared>>
        tpu.enqueue_indirect_dma source(%arg29 : memref<128x32xi16, #tpu.memory_space<vmem>>) target(%dma_start3A_298 : memref<10000x32xi16, #tpu.memory_space<vmem_shared>>) offsets(%dma_start3A_295 : memref<128xi32, #tpu.memory_space<vmem>>) semaphore(%arg41 : memref<!tpu.dma_semaphore, #tpu.memory_space<semaphore_mem>>) {add = true}
        %add3A_299 = arith.constant 0 : i32
        %add3A_300 = arith.addi %mul3A_107, %add3A_299 : i32
        %dma_wait3A_301 = arith.constant 0 : i32
        %dma_wait3A_302 = tpu.memref_slice %arg17[%add3A_300, %dma_wait3A_301] : memref<157x128xi32, #tpu.memory_space<vmem>> -> memref<1x128xi32, #tpu.memory_space<vmem>>
        %dma_wait3A_303 = tpu.memref_squeeze %dma_wait3A_302 : memref<1x128xi32, #tpu.memory_space<vmem>> -> memref<128xi32, #tpu.memory_space<vmem>>
        %dma_wait3A_304 = arith.constant 0 : i32
        %dma_wait3A_305 = arith.constant 0 : i32
        %dma_wait3A_306 = tpu.memref_slice %arg14[%dma_wait3A_304, %dma_wait3A_305] : memref<10000x64xbf16, #tpu.memory_space<vmem_shared>> -> memref<10000x64xbf16, #tpu.memory_space<vmem_shared>>
        tpu.wait_indirect_dma semaphore(%arg36 : memref<!tpu.dma_semaphore, #tpu.memory_space<semaphore_mem>>) src(%arg18 : memref<128x64xbf16, #tpu.memory_space<vmem>>) dst(%dma_wait3A_306 : memref<10000x64xbf16, #tpu.memory_space<vmem_shared>>)
        %add3A_307 = arith.constant 0 : i32
        %add3A_308 = arith.addi %mul3A_107, %add3A_307 : i32
        %dma_wait3A_309 = arith.constant 0 : i32
        %dma_wait3A_310 = tpu.memref_slice %arg17[%add3A_308, %dma_wait3A_309] : memref<157x128xi32, #tpu.memory_space<vmem>> -> memref<1x128xi32, #tpu.memory_space<vmem>>
        %dma_wait3A_311 = tpu.memref_squeeze %dma_wait3A_310 : memref<1x128xi32, #tpu.memory_space<vmem>> -> memref<128xi32, #tpu.memory_space<vmem>>
        %dma_wait3A_312 = arith.constant 0 : i32
        %dma_wait3A_313 = arith.constant 0 : i32
        %dma_wait3A_314 = tpu.memref_slice %arg15[%dma_wait3A_312, %dma_wait3A_313] : memref<10000x32xi16, #tpu.memory_space<vmem_shared>> -> memref<10000x32xi16, #tpu.memory_space<vmem_shared>>
        tpu.wait_indirect_dma semaphore(%arg36 : memref<!tpu.dma_semaphore, #tpu.memory_space<semaphore_mem>>) src(%arg24 : memref<128x32xi16, #tpu.memory_space<vmem>>) dst(%dma_wait3A_314 : memref<10000x32xi16, #tpu.memory_space<vmem_shared>>)
        %lt3A = arith.constant 25 : i32
        %lt3A_315 = arith.cmpi slt, %scan3A_105, %lt3A : i32
        %convert_element_type3A_316 = arith.extui %lt3A_315 : i1 to i32
        %cond3A_317 = arith.constant 0 : i32
        %cond3A_318 = arith.cmpi ne, %convert_element_type3A_316, %cond3A_317 : i32
        scf.if %cond3A_318 {
          %add3A_424 = arith.constant 6 : i32
          %add3A_425 = arith.addi %mul3A_107, %add3A_424 : i32
          %add3A_426 = arith.constant 0 : i32
          %add3A_427 = arith.addi %add3A_425, %add3A_426 : i32
          %dma_start3A_428 = arith.constant 0 : i32
          %dma_start3A_429 = tpu.memref_slice %arg16[%add3A_427, %dma_start3A_428] : memref<157x128xi32, #tpu.memory_space<vmem>> -> memref<1x128xi32, #tpu.memory_space<vmem>>
          %dma_start3A_430 = tpu.memref_squeeze %dma_start3A_429 : memref<1x128xi32, #tpu.memory_space<vmem>> -> memref<128xi32, #tpu.memory_space<vmem>>
          %dma_start3A_431 = arith.constant 0 : i32
          %dma_start3A_432 = arith.constant 0 : i32
          %dma_start3A_433 = tpu.memref_slice %arg3[%dma_start3A_431, %dma_start3A_432] : memref<10000x64xbf16, #tpu.memory_space<hbm>> -> memref<10000x64xbf16, #tpu.memory_space<hbm>>
          tpu.enqueue_indirect_dma source(%dma_start3A_433 : memref<10000x64xbf16, #tpu.memory_space<hbm>>) target(%arg18 : memref<128x64xbf16, #tpu.memory_space<vmem>>) offsets(%dma_start3A_430 : memref<128xi32, #tpu.memory_space<vmem>>) semaphore(%arg30 : memref<!tpu.dma_semaphore, #tpu.memory_space<semaphore_mem>>)
          %add3A_434 = arith.constant 6 : i32
          %add3A_435 = arith.addi %mul3A_107, %add3A_434 : i32
          %add3A_436 = arith.constant 0 : i32
          %add3A_437 = arith.addi %add3A_435, %add3A_436 : i32
          %dma_start3A_438 = arith.constant 0 : i32
          %dma_start3A_439 = tpu.memref_slice %arg16[%add3A_437, %dma_start3A_438] : memref<157x128xi32, #tpu.memory_space<vmem>> -> memref<1x128xi32, #tpu.memory_space<vmem>>
          %dma_start3A_440 = tpu.memref_squeeze %dma_start3A_439 : memref<1x128xi32, #tpu.memory_space<vmem>> -> memref<128xi32, #tpu.memory_space<vmem>>
          %dma_start3A_441 = arith.constant 0 : i32
          %dma_start3A_442 = arith.constant 0 : i32
          %dma_start3A_443 = tpu.memref_slice %arg5[%dma_start3A_441, %dma_start3A_442] : memref<10000x32xi16, #tpu.memory_space<hbm>> -> memref<10000x32xi16, #tpu.memory_space<hbm>>
          tpu.enqueue_indirect_dma source(%dma_start3A_443 : memref<10000x32xi16, #tpu.memory_space<hbm>>) target(%arg24 : memref<128x32xi16, #tpu.memory_space<vmem>>) offsets(%dma_start3A_440 : memref<128xi32, #tpu.memory_space<vmem>>) semaphore(%arg30 : memref<!tpu.dma_semaphore, #tpu.memory_space<semaphore_mem>>)
        } else {
        }
        %add3A_319 = arith.constant 1 : i32
        %add3A_320 = arith.addi %mul3A_107, %add3A_319 : i32
        %dma_wait3A_321 = arith.constant 0 : i32
        %dma_wait3A_322 = tpu.memref_slice %arg17[%add3A_320, %dma_wait3A_321] : memref<157x128xi32, #tpu.memory_space<vmem>> -> memref<1x128xi32, #tpu.memory_space<vmem>>
        %dma_wait3A_323 = tpu.memref_squeeze %dma_wait3A_322 : memref<1x128xi32, #tpu.memory_space<vmem>> -> memref<128xi32, #tpu.memory_space<vmem>>
        %dma_wait3A_324 = arith.constant 0 : i32
        %dma_wait3A_325 = arith.constant 0 : i32
        %dma_wait3A_326 = tpu.memref_slice %arg14[%dma_wait3A_324, %dma_wait3A_325] : memref<10000x64xbf16, #tpu.memory_space<vmem_shared>> -> memref<10000x64xbf16, #tpu.memory_space<vmem_shared>>
        tpu.wait_indirect_dma semaphore(%arg37 : memref<!tpu.dma_semaphore, #tpu.memory_space<semaphore_mem>>) src(%arg19 : memref<128x64xbf16, #tpu.memory_space<vmem>>) dst(%dma_wait3A_326 : memref<10000x64xbf16, #tpu.memory_space<vmem_shared>>)
        %add3A_327 = arith.constant 1 : i32
        %add3A_328 = arith.addi %mul3A_107, %add3A_327 : i32
        %dma_wait3A_329 = arith.constant 0 : i32
        %dma_wait3A_330 = tpu.memref_slice %arg17[%add3A_328, %dma_wait3A_329] : memref<157x128xi32, #tpu.memory_space<vmem>> -> memref<1x128xi32, #tpu.memory_space<vmem>>
        %dma_wait3A_331 = tpu.memref_squeeze %dma_wait3A_330 : memref<1x128xi32, #tpu.memory_space<vmem>> -> memref<128xi32, #tpu.memory_space<vmem>>
        %dma_wait3A_332 = arith.constant 0 : i32
        %dma_wait3A_333 = arith.constant 0 : i32
        %dma_wait3A_334 = tpu.memref_slice %arg15[%dma_wait3A_332, %dma_wait3A_333] : memref<10000x32xi16, #tpu.memory_space<vmem_shared>> -> memref<10000x32xi16, #tpu.memory_space<vmem_shared>>
        tpu.wait_indirect_dma semaphore(%arg37 : memref<!tpu.dma_semaphore, #tpu.memory_space<semaphore_mem>>) src(%arg25 : memref<128x32xi16, #tpu.memory_space<vmem>>) dst(%dma_wait3A_334 : memref<10000x32xi16, #tpu.memory_space<vmem_shared>>)
        %lt3A_335 = arith.constant 25 : i32
        %lt3A_336 = arith.cmpi slt, %scan3A_105, %lt3A_335 : i32
        %convert_element_type3A_337 = arith.extui %lt3A_336 : i1 to i32
        %cond3A_338 = arith.constant 0 : i32
        %cond3A_339 = arith.cmpi ne, %convert_element_type3A_337, %cond3A_338 : i32
        scf.if %cond3A_339 {
          %add3A_424 = arith.constant 6 : i32
          %add3A_425 = arith.addi %mul3A_107, %add3A_424 : i32
          %add3A_426 = arith.constant 1 : i32
          %add3A_427 = arith.addi %add3A_425, %add3A_426 : i32
          %dma_start3A_428 = arith.constant 0 : i32
          %dma_start3A_429 = tpu.memref_slice %arg16[%add3A_427, %dma_start3A_428] : memref<157x128xi32, #tpu.memory_space<vmem>> -> memref<1x128xi32, #tpu.memory_space<vmem>>
          %dma_start3A_430 = tpu.memref_squeeze %dma_start3A_429 : memref<1x128xi32, #tpu.memory_space<vmem>> -> memref<128xi32, #tpu.memory_space<vmem>>
          %dma_start3A_431 = arith.constant 0 : i32
          %dma_start3A_432 = arith.constant 0 : i32
          %dma_start3A_433 = tpu.memref_slice %arg3[%dma_start3A_431, %dma_start3A_432] : memref<10000x64xbf16, #tpu.memory_space<hbm>> -> memref<10000x64xbf16, #tpu.memory_space<hbm>>
          tpu.enqueue_indirect_dma source(%dma_start3A_433 : memref<10000x64xbf16, #tpu.memory_space<hbm>>) target(%arg19 : memref<128x64xbf16, #tpu.memory_space<vmem>>) offsets(%dma_start3A_430 : memref<128xi32, #tpu.memory_space<vmem>>) semaphore(%arg31 : memref<!tpu.dma_semaphore, #tpu.memory_space<semaphore_mem>>)
          %add3A_434 = arith.constant 6 : i32
          %add3A_435 = arith.addi %mul3A_107, %add3A_434 : i32
          %add3A_436 = arith.constant 1 : i32
          %add3A_437 = arith.addi %add3A_435, %add3A_436 : i32
          %dma_start3A_438 = arith.constant 0 : i32
          %dma_start3A_439 = tpu.memref_slice %arg16[%add3A_437, %dma_start3A_438] : memref<157x128xi32, #tpu.memory_space<vmem>> -> memref<1x128xi32, #tpu.memory_space<vmem>>
          %dma_start3A_440 = tpu.memref_squeeze %dma_start3A_439 : memref<1x128xi32, #tpu.memory_space<vmem>> -> memref<128xi32, #tpu.memory_space<vmem>>
          %dma_start3A_441 = arith.constant 0 : i32
          %dma_start3A_442 = arith.constant 0 : i32
          %dma_start3A_443 = tpu.memref_slice %arg5[%dma_start3A_441, %dma_start3A_442] : memref<10000x32xi16, #tpu.memory_space<hbm>> -> memref<10000x32xi16, #tpu.memory_space<hbm>>
          tpu.enqueue_indirect_dma source(%dma_start3A_443 : memref<10000x32xi16, #tpu.memory_space<hbm>>) target(%arg25 : memref<128x32xi16, #tpu.memory_space<vmem>>) offsets(%dma_start3A_440 : memref<128xi32, #tpu.memory_space<vmem>>) semaphore(%arg31 : memref<!tpu.dma_semaphore, #tpu.memory_space<semaphore_mem>>)
        } else {
        }
        %add3A_340 = arith.constant 2 : i32
        %add3A_341 = arith.addi %mul3A_107, %add3A_340 : i32
        %dma_wait3A_342 = arith.constant 0 : i32
        %dma_wait3A_343 = tpu.memref_slice %arg17[%add3A_341, %dma_wait3A_342] : memref<157x128xi32, #tpu.memory_space<vmem>> -> memref<1x128xi32, #tpu.memory_space<vmem>>
        %dma_wait3A_344 = tpu.memref_squeeze %dma_wait3A_343 : memref<1x128xi32, #tpu.memory_space<vmem>> -> memref<128xi32, #tpu.memory_space<vmem>>
        %dma_wait3A_345 = arith.constant 0 : i32
        %dma_wait3A_346 = arith.constant 0 : i32
        %dma_wait3A_347 = tpu.memref_slice %arg14[%dma_wait3A_345, %dma_wait3A_346] : memref<10000x64xbf16, #tpu.memory_space<vmem_shared>> -> memref<10000x64xbf16, #tpu.memory_space<vmem_shared>>
        tpu.wait_indirect_dma semaphore(%arg38 : memref<!tpu.dma_semaphore, #tpu.memory_space<semaphore_mem>>) src(%arg20 : memref<128x64xbf16, #tpu.memory_space<vmem>>) dst(%dma_wait3A_347 : memref<10000x64xbf16, #tpu.memory_space<vmem_shared>>)
        %add3A_348 = arith.constant 2 : i32
        %add3A_349 = arith.addi %mul3A_107, %add3A_348 : i32
        %dma_wait3A_350 = arith.constant 0 : i32
        %dma_wait3A_351 = tpu.memref_slice %arg17[%add3A_349, %dma_wait3A_350] : memref<157x128xi32, #tpu.memory_space<vmem>> -> memref<1x128xi32, #tpu.memory_space<vmem>>
        %dma_wait3A_352 = tpu.memref_squeeze %dma_wait3A_351 : memref<1x128xi32, #tpu.memory_space<vmem>> -> memref<128xi32, #tpu.memory_space<vmem>>
        %dma_wait3A_353 = arith.constant 0 : i32
        %dma_wait3A_354 = arith.constant 0 : i32
        %dma_wait3A_355 = tpu.memref_slice %arg15[%dma_wait3A_353, %dma_wait3A_354] : memref<10000x32xi16, #tpu.memory_space<vmem_shared>> -> memref<10000x32xi16, #tpu.memory_space<vmem_shared>>
        tpu.wait_indirect_dma semaphore(%arg38 : memref<!tpu.dma_semaphore, #tpu.memory_space<semaphore_mem>>) src(%arg26 : memref<128x32xi16, #tpu.memory_space<vmem>>) dst(%dma_wait3A_355 : memref<10000x32xi16, #tpu.memory_space<vmem_shared>>)
        %lt3A_356 = arith.constant 25 : i32
        %lt3A_357 = arith.cmpi slt, %scan3A_105, %lt3A_356 : i32
        %convert_element_type3A_358 = arith.extui %lt3A_357 : i1 to i32
        %cond3A_359 = arith.constant 0 : i32
        %cond3A_360 = arith.cmpi ne, %convert_element_type3A_358, %cond3A_359 : i32
        scf.if %cond3A_360 {
          %add3A_424 = arith.constant 6 : i32
          %add3A_425 = arith.addi %mul3A_107, %add3A_424 : i32
          %add3A_426 = arith.constant 2 : i32
          %add3A_427 = arith.addi %add3A_425, %add3A_426 : i32
          %dma_start3A_428 = arith.constant 0 : i32
          %dma_start3A_429 = tpu.memref_slice %arg16[%add3A_427, %dma_start3A_428] : memref<157x128xi32, #tpu.memory_space<vmem>> -> memref<1x128xi32, #tpu.memory_space<vmem>>
          %dma_start3A_430 = tpu.memref_squeeze %dma_start3A_429 : memref<1x128xi32, #tpu.memory_space<vmem>> -> memref<128xi32, #tpu.memory_space<vmem>>
          %dma_start3A_431 = arith.constant 0 : i32
          %dma_start3A_432 = arith.constant 0 : i32
          %dma_start3A_433 = tpu.memref_slice %arg3[%dma_start3A_431, %dma_start3A_432] : memref<10000x64xbf16, #tpu.memory_space<hbm>> -> memref<10000x64xbf16, #tpu.memory_space<hbm>>
          tpu.enqueue_indirect_dma source(%dma_start3A_433 : memref<10000x64xbf16, #tpu.memory_space<hbm>>) target(%arg20 : memref<128x64xbf16, #tpu.memory_space<vmem>>) offsets(%dma_start3A_430 : memref<128xi32, #tpu.memory_space<vmem>>) semaphore(%arg32 : memref<!tpu.dma_semaphore, #tpu.memory_space<semaphore_mem>>)
          %add3A_434 = arith.constant 6 : i32
          %add3A_435 = arith.addi %mul3A_107, %add3A_434 : i32
          %add3A_436 = arith.constant 2 : i32
          %add3A_437 = arith.addi %add3A_435, %add3A_436 : i32
          %dma_start3A_438 = arith.constant 0 : i32
          %dma_start3A_439 = tpu.memref_slice %arg16[%add3A_437, %dma_start3A_438] : memref<157x128xi32, #tpu.memory_space<vmem>> -> memref<1x128xi32, #tpu.memory_space<vmem>>
          %dma_start3A_440 = tpu.memref_squeeze %dma_start3A_439 : memref<1x128xi32, #tpu.memory_space<vmem>> -> memref<128xi32, #tpu.memory_space<vmem>>
          %dma_start3A_441 = arith.constant 0 : i32
          %dma_start3A_442 = arith.constant 0 : i32
          %dma_start3A_443 = tpu.memref_slice %arg5[%dma_start3A_441, %dma_start3A_442] : memref<10000x32xi16, #tpu.memory_space<hbm>> -> memref<10000x32xi16, #tpu.memory_space<hbm>>
          tpu.enqueue_indirect_dma source(%dma_start3A_443 : memref<10000x32xi16, #tpu.memory_space<hbm>>) target(%arg26 : memref<128x32xi16, #tpu.memory_space<vmem>>) offsets(%dma_start3A_440 : memref<128xi32, #tpu.memory_space<vmem>>) semaphore(%arg32 : memref<!tpu.dma_semaphore, #tpu.memory_space<semaphore_mem>>)
        } else {
        }
        %add3A_361 = arith.constant 3 : i32
        %add3A_362 = arith.addi %mul3A_107, %add3A_361 : i32
        %dma_wait3A_363 = arith.constant 0 : i32
        %dma_wait3A_364 = tpu.memref_slice %arg17[%add3A_362, %dma_wait3A_363] : memref<157x128xi32, #tpu.memory_space<vmem>> -> memref<1x128xi32, #tpu.memory_space<vmem>>
        %dma_wait3A_365 = tpu.memref_squeeze %dma_wait3A_364 : memref<1x128xi32, #tpu.memory_space<vmem>> -> memref<128xi32, #tpu.memory_space<vmem>>
        %dma_wait3A_366 = arith.constant 0 : i32
        %dma_wait3A_367 = arith.constant 0 : i32
        %dma_wait3A_368 = tpu.memref_slice %arg14[%dma_wait3A_366, %dma_wait3A_367] : memref<10000x64xbf16, #tpu.memory_space<vmem_shared>> -> memref<10000x64xbf16, #tpu.memory_space<vmem_shared>>
        tpu.wait_indirect_dma semaphore(%arg39 : memref<!tpu.dma_semaphore, #tpu.memory_space<semaphore_mem>>) src(%arg21 : memref<128x64xbf16, #tpu.memory_space<vmem>>) dst(%dma_wait3A_368 : memref<10000x64xbf16, #tpu.memory_space<vmem_shared>>)
        %add3A_369 = arith.constant 3 : i32
        %add3A_370 = arith.addi %mul3A_107, %add3A_369 : i32
        %dma_wait3A_371 = arith.constant 0 : i32
        %dma_wait3A_372 = tpu.memref_slice %arg17[%add3A_370, %dma_wait3A_371] : memref<157x128xi32, #tpu.memory_space<vmem>> -> memref<1x128xi32, #tpu.memory_space<vmem>>
        %dma_wait3A_373 = tpu.memref_squeeze %dma_wait3A_372 : memref<1x128xi32, #tpu.memory_space<vmem>> -> memref<128xi32, #tpu.memory_space<vmem>>
        %dma_wait3A_374 = arith.constant 0 : i32
        %dma_wait3A_375 = arith.constant 0 : i32
        %dma_wait3A_376 = tpu.memref_slice %arg15[%dma_wait3A_374, %dma_wait3A_375] : memref<10000x32xi16, #tpu.memory_space<vmem_shared>> -> memref<10000x32xi16, #tpu.memory_space<vmem_shared>>
        tpu.wait_indirect_dma semaphore(%arg39 : memref<!tpu.dma_semaphore, #tpu.memory_space<semaphore_mem>>) src(%arg27 : memref<128x32xi16, #tpu.memory_space<vmem>>) dst(%dma_wait3A_376 : memref<10000x32xi16, #tpu.memory_space<vmem_shared>>)
        %lt3A_377 = arith.constant 25 : i32
        %lt3A_378 = arith.cmpi slt, %scan3A_105, %lt3A_377 : i32
        %convert_element_type3A_379 = arith.extui %lt3A_378 : i1 to i32
        %cond3A_380 = arith.constant 0 : i32
        %cond3A_381 = arith.cmpi ne, %convert_element_type3A_379, %cond3A_380 : i32
        scf.if %cond3A_381 {
          %add3A_424 = arith.constant 6 : i32
          %add3A_425 = arith.addi %mul3A_107, %add3A_424 : i32
          %add3A_426 = arith.constant 3 : i32
          %add3A_427 = arith.addi %add3A_425, %add3A_426 : i32
          %dma_start3A_428 = arith.constant 0 : i32
          %dma_start3A_429 = tpu.memref_slice %arg16[%add3A_427, %dma_start3A_428] : memref<157x128xi32, #tpu.memory_space<vmem>> -> memref<1x128xi32, #tpu.memory_space<vmem>>
          %dma_start3A_430 = tpu.memref_squeeze %dma_start3A_429 : memref<1x128xi32, #tpu.memory_space<vmem>> -> memref<128xi32, #tpu.memory_space<vmem>>
          %dma_start3A_431 = arith.constant 0 : i32
          %dma_start3A_432 = arith.constant 0 : i32
          %dma_start3A_433 = tpu.memref_slice %arg3[%dma_start3A_431, %dma_start3A_432] : memref<10000x64xbf16, #tpu.memory_space<hbm>> -> memref<10000x64xbf16, #tpu.memory_space<hbm>>
          tpu.enqueue_indirect_dma source(%dma_start3A_433 : memref<10000x64xbf16, #tpu.memory_space<hbm>>) target(%arg21 : memref<128x64xbf16, #tpu.memory_space<vmem>>) offsets(%dma_start3A_430 : memref<128xi32, #tpu.memory_space<vmem>>) semaphore(%arg33 : memref<!tpu.dma_semaphore, #tpu.memory_space<semaphore_mem>>)
          %add3A_434 = arith.constant 6 : i32
          %add3A_435 = arith.addi %mul3A_107, %add3A_434 : i32
          %add3A_436 = arith.constant 3 : i32
          %add3A_437 = arith.addi %add3A_435, %add3A_436 : i32
          %dma_start3A_438 = arith.constant 0 : i32
          %dma_start3A_439 = tpu.memref_slice %arg16[%add3A_437, %dma_start3A_438] : memref<157x128xi32, #tpu.memory_space<vmem>> -> memref<1x128xi32, #tpu.memory_space<vmem>>
          %dma_start3A_440 = tpu.memref_squeeze %dma_start3A_439 : memref<1x128xi32, #tpu.memory_space<vmem>> -> memref<128xi32, #tpu.memory_space<vmem>>
          %dma_start3A_441 = arith.constant 0 : i32
          %dma_start3A_442 = arith.constant 0 : i32
          %dma_start3A_443 = tpu.memref_slice %arg5[%dma_start3A_441, %dma_start3A_442] : memref<10000x32xi16, #tpu.memory_space<hbm>> -> memref<10000x32xi16, #tpu.memory_space<hbm>>
          tpu.enqueue_indirect_dma source(%dma_start3A_443 : memref<10000x32xi16, #tpu.memory_space<hbm>>) target(%arg27 : memref<128x32xi16, #tpu.memory_space<vmem>>) offsets(%dma_start3A_440 : memref<128xi32, #tpu.memory_space<vmem>>) semaphore(%arg33 : memref<!tpu.dma_semaphore, #tpu.memory_space<semaphore_mem>>)
        } else {
        }
        %add3A_382 = arith.constant 4 : i32
        %add3A_383 = arith.addi %mul3A_107, %add3A_382 : i32
        %dma_wait3A_384 = arith.constant 0 : i32
        %dma_wait3A_385 = tpu.memref_slice %arg17[%add3A_383, %dma_wait3A_384] : memref<157x128xi32, #tpu.memory_space<vmem>> -> memref<1x128xi32, #tpu.memory_space<vmem>>
        %dma_wait3A_386 = tpu.memref_squeeze %dma_wait3A_385 : memref<1x128xi32, #tpu.memory_space<vmem>> -> memref<128xi32, #tpu.memory_space<vmem>>
        %dma_wait3A_387 = arith.constant 0 : i32
        %dma_wait3A_388 = arith.constant 0 : i32
        %dma_wait3A_389 = tpu.memref_slice %arg14[%dma_wait3A_387, %dma_wait3A_388] : memref<10000x64xbf16, #tpu.memory_space<vmem_shared>> -> memref<10000x64xbf16, #tpu.memory_space<vmem_shared>>
        tpu.wait_indirect_dma semaphore(%arg40 : memref<!tpu.dma_semaphore, #tpu.memory_space<semaphore_mem>>) src(%arg22 : memref<128x64xbf16, #tpu.memory_space<vmem>>) dst(%dma_wait3A_389 : memref<10000x64xbf16, #tpu.memory_space<vmem_shared>>)
        %add3A_390 = arith.constant 4 : i32
        %add3A_391 = arith.addi %mul3A_107, %add3A_390 : i32
        %dma_wait3A_392 = arith.constant 0 : i32
        %dma_wait3A_393 = tpu.memref_slice %arg17[%add3A_391, %dma_wait3A_392] : memref<157x128xi32, #tpu.memory_space<vmem>> -> memref<1x128xi32, #tpu.memory_space<vmem>>
        %dma_wait3A_394 = tpu.memref_squeeze %dma_wait3A_393 : memref<1x128xi32, #tpu.memory_space<vmem>> -> memref<128xi32, #tpu.memory_space<vmem>>
        %dma_wait3A_395 = arith.constant 0 : i32
        %dma_wait3A_396 = arith.constant 0 : i32
        %dma_wait3A_397 = tpu.memref_slice %arg15[%dma_wait3A_395, %dma_wait3A_396] : memref<10000x32xi16, #tpu.memory_space<vmem_shared>> -> memref<10000x32xi16, #tpu.memory_space<vmem_shared>>
        tpu.wait_indirect_dma semaphore(%arg40 : memref<!tpu.dma_semaphore, #tpu.memory_space<semaphore_mem>>) src(%arg28 : memref<128x32xi16, #tpu.memory_space<vmem>>) dst(%dma_wait3A_397 : memref<10000x32xi16, #tpu.memory_space<vmem_shared>>)
        %lt3A_398 = arith.constant 25 : i32
        %lt3A_399 = arith.cmpi slt, %scan3A_105, %lt3A_398 : i32
        %convert_element_type3A_400 = arith.extui %lt3A_399 : i1 to i32
        %cond3A_401 = arith.constant 0 : i32
        %cond3A_402 = arith.cmpi ne, %convert_element_type3A_400, %cond3A_401 : i32
        scf.if %cond3A_402 {
          %add3A_424 = arith.constant 6 : i32
          %add3A_425 = arith.addi %mul3A_107, %add3A_424 : i32
          %add3A_426 = arith.constant 4 : i32
          %add3A_427 = arith.addi %add3A_425, %add3A_426 : i32
          %dma_start3A_428 = arith.constant 0 : i32
          %dma_start3A_429 = tpu.memref_slice %arg16[%add3A_427, %dma_start3A_428] : memref<157x128xi32, #tpu.memory_space<vmem>> -> memref<1x128xi32, #tpu.memory_space<vmem>>
          %dma_start3A_430 = tpu.memref_squeeze %dma_start3A_429 : memref<1x128xi32, #tpu.memory_space<vmem>> -> memref<128xi32, #tpu.memory_space<vmem>>
          %dma_start3A_431 = arith.constant 0 : i32
          %dma_start3A_432 = arith.constant 0 : i32
          %dma_start3A_433 = tpu.memref_slice %arg3[%dma_start3A_431, %dma_start3A_432] : memref<10000x64xbf16, #tpu.memory_space<hbm>> -> memref<10000x64xbf16, #tpu.memory_space<hbm>>
          tpu.enqueue_indirect_dma source(%dma_start3A_433 : memref<10000x64xbf16, #tpu.memory_space<hbm>>) target(%arg22 : memref<128x64xbf16, #tpu.memory_space<vmem>>) offsets(%dma_start3A_430 : memref<128xi32, #tpu.memory_space<vmem>>) semaphore(%arg34 : memref<!tpu.dma_semaphore, #tpu.memory_space<semaphore_mem>>)
          %add3A_434 = arith.constant 6 : i32
          %add3A_435 = arith.addi %mul3A_107, %add3A_434 : i32
          %add3A_436 = arith.constant 4 : i32
          %add3A_437 = arith.addi %add3A_435, %add3A_436 : i32
          %dma_start3A_438 = arith.constant 0 : i32
          %dma_start3A_439 = tpu.memref_slice %arg16[%add3A_437, %dma_start3A_438] : memref<157x128xi32, #tpu.memory_space<vmem>> -> memref<1x128xi32, #tpu.memory_space<vmem>>
          %dma_start3A_440 = tpu.memref_squeeze %dma_start3A_439 : memref<1x128xi32, #tpu.memory_space<vmem>> -> memref<128xi32, #tpu.memory_space<vmem>>
          %dma_start3A_441 = arith.constant 0 : i32
          %dma_start3A_442 = arith.constant 0 : i32
          %dma_start3A_443 = tpu.memref_slice %arg5[%dma_start3A_441, %dma_start3A_442] : memref<10000x32xi16, #tpu.memory_space<hbm>> -> memref<10000x32xi16, #tpu.memory_space<hbm>>
          tpu.enqueue_indirect_dma source(%dma_start3A_443 : memref<10000x32xi16, #tpu.memory_space<hbm>>) target(%arg28 : memref<128x32xi16, #tpu.memory_space<vmem>>) offsets(%dma_start3A_440 : memref<128xi32, #tpu.memory_space<vmem>>) semaphore(%arg34 : memref<!tpu.dma_semaphore, #tpu.memory_space<semaphore_mem>>)
        } else {
        }
        %add3A_403 = arith.constant 5 : i32
        %add3A_404 = arith.addi %mul3A_107, %add3A_403 : i32
        %dma_wait3A_405 = arith.constant 0 : i32
        %dma_wait3A_406 = tpu.memref_slice %arg17[%add3A_404, %dma_wait3A_405] : memref<157x128xi32, #tpu.memory_space<vmem>> -> memref<1x128xi32, #tpu.memory_space<vmem>>
        %dma_wait3A_407 = tpu.memref_squeeze %dma_wait3A_406 : memref<1x128xi32, #tpu.memory_space<vmem>> -> memref<128xi32, #tpu.memory_space<vmem>>
        %dma_wait3A_408 = arith.constant 0 : i32
        %dma_wait3A_409 = arith.constant 0 : i32
        %dma_wait3A_410 = tpu.memref_slice %arg14[%dma_wait3A_408, %dma_wait3A_409] : memref<10000x64xbf16, #tpu.memory_space<vmem_shared>> -> memref<10000x64xbf16, #tpu.memory_space<vmem_shared>>
        tpu.wait_indirect_dma semaphore(%arg41 : memref<!tpu.dma_semaphore, #tpu.memory_space<semaphore_mem>>) src(%arg23 : memref<128x64xbf16, #tpu.memory_space<vmem>>) dst(%dma_wait3A_410 : memref<10000x64xbf16, #tpu.memory_space<vmem_shared>>)
        %add3A_411 = arith.constant 5 : i32
        %add3A_412 = arith.addi %mul3A_107, %add3A_411 : i32
        %dma_wait3A_413 = arith.constant 0 : i32
        %dma_wait3A_414 = tpu.memref_slice %arg17[%add3A_412, %dma_wait3A_413] : memref<157x128xi32, #tpu.memory_space<vmem>> -> memref<1x128xi32, #tpu.memory_space<vmem>>
        %dma_wait3A_415 = tpu.memref_squeeze %dma_wait3A_414 : memref<1x128xi32, #tpu.memory_space<vmem>> -> memref<128xi32, #tpu.memory_space<vmem>>
        %dma_wait3A_416 = arith.constant 0 : i32
        %dma_wait3A_417 = arith.constant 0 : i32
        %dma_wait3A_418 = tpu.memref_slice %arg15[%dma_wait3A_416, %dma_wait3A_417] : memref<10000x32xi16, #tpu.memory_space<vmem_shared>> -> memref<10000x32xi16, #tpu.memory_space<vmem_shared>>
        tpu.wait_indirect_dma semaphore(%arg41 : memref<!tpu.dma_semaphore, #tpu.memory_space<semaphore_mem>>) src(%arg29 : memref<128x32xi16, #tpu.memory_space<vmem>>) dst(%dma_wait3A_418 : memref<10000x32xi16, #tpu.memory_space<vmem_shared>>)
        %lt3A_419 = arith.constant 25 : i32
        %lt3A_420 = arith.cmpi slt, %scan3A_105, %lt3A_419 : i32
        %convert_element_type3A_421 = arith.extui %lt3A_420 : i1 to i32
        %cond3A_422 = arith.constant 0 : i32
        %cond3A_423 = arith.cmpi ne, %convert_element_type3A_421, %cond3A_422 : i32
        scf.if %cond3A_423 {
          %add3A_424 = arith.constant 6 : i32
          %add3A_425 = arith.addi %mul3A_107, %add3A_424 : i32
          %add3A_426 = arith.constant 5 : i32
          %add3A_427 = arith.addi %add3A_425, %add3A_426 : i32
          %dma_start3A_428 = arith.constant 0 : i32
          %dma_start3A_429 = tpu.memref_slice %arg16[%add3A_427, %dma_start3A_428] : memref<157x128xi32, #tpu.memory_space<vmem>> -> memref<1x128xi32, #tpu.memory_space<vmem>>
          %dma_start3A_430 = tpu.memref_squeeze %dma_start3A_429 : memref<1x128xi32, #tpu.memory_space<vmem>> -> memref<128xi32, #tpu.memory_space<vmem>>
          %dma_start3A_431 = arith.constant 0 : i32
          %dma_start3A_432 = arith.constant 0 : i32
          %dma_start3A_433 = tpu.memref_slice %arg3[%dma_start3A_431, %dma_start3A_432] : memref<10000x64xbf16, #tpu.memory_space<hbm>> -> memref<10000x64xbf16, #tpu.memory_space<hbm>>
          tpu.enqueue_indirect_dma source(%dma_start3A_433 : memref<10000x64xbf16, #tpu.memory_space<hbm>>) target(%arg23 : memref<128x64xbf16, #tpu.memory_space<vmem>>) offsets(%dma_start3A_430 : memref<128xi32, #tpu.memory_space<vmem>>) semaphore(%arg35 : memref<!tpu.dma_semaphore, #tpu.memory_space<semaphore_mem>>)
          %add3A_434 = arith.constant 6 : i32
          %add3A_435 = arith.addi %mul3A_107, %add3A_434 : i32
          %add3A_436 = arith.constant 5 : i32
          %add3A_437 = arith.addi %add3A_435, %add3A_436 : i32
          %dma_start3A_438 = arith.constant 0 : i32
          %dma_start3A_439 = tpu.memref_slice %arg16[%add3A_437, %dma_start3A_438] : memref<157x128xi32, #tpu.memory_space<vmem>> -> memref<1x128xi32, #tpu.memory_space<vmem>>
          %dma_start3A_440 = tpu.memref_squeeze %dma_start3A_439 : memref<1x128xi32, #tpu.memory_space<vmem>> -> memref<128xi32, #tpu.memory_space<vmem>>
          %dma_start3A_441 = arith.constant 0 : i32
          %dma_start3A_442 = arith.constant 0 : i32
          %dma_start3A_443 = tpu.memref_slice %arg5[%dma_start3A_441, %dma_start3A_442] : memref<10000x32xi16, #tpu.memory_space<hbm>> -> memref<10000x32xi16, #tpu.memory_space<hbm>>
          tpu.enqueue_indirect_dma source(%dma_start3A_443 : memref<10000x32xi16, #tpu.memory_space<hbm>>) target(%arg29 : memref<128x32xi16, #tpu.memory_space<vmem>>) offsets(%dma_start3A_440 : memref<128xi32, #tpu.memory_space<vmem>>) semaphore(%arg35 : memref<!tpu.dma_semaphore, #tpu.memory_space<semaphore_mem>>)
        } else {
        }
      }
      %scan3A_99 = arith.constant 26 : i32
      %ge3A = arith.constant 12 : i32
      %ge3A_100 = arith.cmpi sge, %arg1, %ge3A : i32
      %convert_element_type3A_101 = arith.extui %ge3A_100 : i1 to i32
      %cond3A_102 = arith.constant 0 : i32
      %cond3A_103 = arith.cmpi ne, %convert_element_type3A_101, %cond3A_102 : i32
      scf.if %cond3A_103 {
        %dma_start3A_105 = arith.constant 156 : i32
        %dma_start3A_106 = arith.constant 0 : i32
        %dma_start3A_107 = tpu.memref_slice %arg16[%dma_start3A_105, %dma_start3A_106] : memref<157x128xi32, #tpu.memory_space<vmem>> -> memref<1x128xi32, #tpu.memory_space<vmem>>
        %dma_start3A_108 = tpu.memref_squeeze %dma_start3A_107 : memref<1x128xi32, #tpu.memory_space<vmem>> -> memref<128xi32, #tpu.memory_space<vmem>>
        %dma_start3A_109 = arith.constant 0 : i32
        %dma_start3A_110 = arith.constant 0 : i32
        %dma_start3A_111 = tpu.memref_slice %arg3[%dma_start3A_109, %dma_start3A_110] : memref<10000x64xbf16, #tpu.memory_space<hbm>> -> memref<10000x64xbf16, #tpu.memory_space<hbm>>
        tpu.enqueue_indirect_dma source(%dma_start3A_111 : memref<10000x64xbf16, #tpu.memory_space<hbm>>) target(%arg18 : memref<128x64xbf16, #tpu.memory_space<vmem>>) offsets(%dma_start3A_108 : memref<128xi32, #tpu.memory_space<vmem>>) semaphore(%arg30 : memref<!tpu.dma_semaphore, #tpu.memory_space<semaphore_mem>>)
        %dma_start3A_112 = arith.constant 156 : i32
        %dma_start3A_113 = arith.constant 0 : i32
        %dma_start3A_114 = tpu.memref_slice %arg16[%dma_start3A_112, %dma_start3A_113] : memref<157x128xi32, #tpu.memory_space<vmem>> -> memref<1x128xi32, #tpu.memory_space<vmem>>
        %dma_start3A_115 = tpu.memref_squeeze %dma_start3A_114 : memref<1x128xi32, #tpu.memory_space<vmem>> -> memref<128xi32, #tpu.memory_space<vmem>>
        %dma_start3A_116 = arith.constant 0 : i32
        %dma_start3A_117 = arith.constant 0 : i32
        %dma_start3A_118 = tpu.memref_slice %arg5[%dma_start3A_116, %dma_start3A_117] : memref<10000x32xi16, #tpu.memory_space<hbm>> -> memref<10000x32xi16, #tpu.memory_space<hbm>>
        tpu.enqueue_indirect_dma source(%dma_start3A_118 : memref<10000x32xi16, #tpu.memory_space<hbm>>) target(%arg24 : memref<128x32xi16, #tpu.memory_space<vmem>>) offsets(%dma_start3A_115 : memref<128xi32, #tpu.memory_space<vmem>>) semaphore(%arg30 : memref<!tpu.dma_semaphore, #tpu.memory_space<semaphore_mem>>)
        %dma_wait3A = arith.constant 156 : i32
        %dma_wait3A_119 = arith.constant 0 : i32
        %dma_wait3A_120 = tpu.memref_slice %arg16[%dma_wait3A, %dma_wait3A_119] : memref<157x128xi32, #tpu.memory_space<vmem>> -> memref<1x128xi32, #tpu.memory_space<vmem>>
        %dma_wait3A_121 = tpu.memref_squeeze %dma_wait3A_120 : memref<1x128xi32, #tpu.memory_space<vmem>> -> memref<128xi32, #tpu.memory_space<vmem>>
        %dma_wait3A_122 = arith.constant 0 : i32
        %dma_wait3A_123 = arith.constant 0 : i32
        %dma_wait3A_124 = tpu.memref_slice %arg3[%dma_wait3A_122, %dma_wait3A_123] : memref<10000x64xbf16, #tpu.memory_space<hbm>> -> memref<10000x64xbf16, #tpu.memory_space<hbm>>
        tpu.wait_indirect_dma semaphore(%arg30 : memref<!tpu.dma_semaphore, #tpu.memory_space<semaphore_mem>>) src(%dma_wait3A_124 : memref<10000x64xbf16, #tpu.memory_space<hbm>>) dst(%arg18 : memref<128x64xbf16, #tpu.memory_space<vmem>>)
        %dma_wait3A_125 = arith.constant 156 : i32
        %dma_wait3A_126 = arith.constant 0 : i32
        %dma_wait3A_127 = tpu.memref_slice %arg16[%dma_wait3A_125, %dma_wait3A_126] : memref<157x128xi32, #tpu.memory_space<vmem>> -> memref<1x128xi32, #tpu.memory_space<vmem>>
        %dma_wait3A_128 = tpu.memref_squeeze %dma_wait3A_127 : memref<1x128xi32, #tpu.memory_space<vmem>> -> memref<128xi32, #tpu.memory_space<vmem>>
        %dma_wait3A_129 = arith.constant 0 : i32
        %dma_wait3A_130 = arith.constant 0 : i32
        %dma_wait3A_131 = tpu.memref_slice %arg5[%dma_wait3A_129, %dma_wait3A_130] : memref<10000x32xi16, #tpu.memory_space<hbm>> -> memref<10000x32xi16, #tpu.memory_space<hbm>>
        tpu.wait_indirect_dma semaphore(%arg30 : memref<!tpu.dma_semaphore, #tpu.memory_space<semaphore_mem>>) src(%dma_wait3A_131 : memref<10000x32xi16, #tpu.memory_space<hbm>>) dst(%arg24 : memref<128x32xi16, #tpu.memory_space<vmem>>)
        %dma_start3A_132 = arith.constant 156 : i32
        %dma_start3A_133 = arith.constant 0 : i32
        %dma_start3A_134 = tpu.memref_slice %arg17[%dma_start3A_132, %dma_start3A_133] : memref<157x128xi32, #tpu.memory_space<vmem>> -> memref<1x128xi32, #tpu.memory_space<vmem>>
        %dma_start3A_135 = tpu.memref_squeeze %dma_start3A_134 : memref<1x128xi32, #tpu.memory_space<vmem>> -> memref<128xi32, #tpu.memory_space<vmem>>
        %dma_start3A_136 = arith.constant 0 : i32
        %dma_start3A_137 = arith.constant 0 : i32
        %dma_start3A_138 = tpu.memref_slice %arg14[%dma_start3A_136, %dma_start3A_137] : memref<10000x64xbf16, #tpu.memory_space<vmem_shared>> -> memref<10000x64xbf16, #tpu.memory_space<vmem_shared>>
        tpu.enqueue_indirect_dma source(%arg18 : memref<128x64xbf16, #tpu.memory_space<vmem>>) target(%dma_start3A_138 : memref<10000x64xbf16, #tpu.memory_space<vmem_shared>>) offsets(%dma_start3A_135 : memref<128xi32, #tpu.memory_space<vmem>>) semaphore(%arg36 : memref<!tpu.dma_semaphore, #tpu.memory_space<semaphore_mem>>) {add = true}
        %dma_start3A_139 = arith.constant 156 : i32
        %dma_start3A_140 = arith.constant 0 : i32
        %dma_start3A_141 = tpu.memref_slice %arg17[%dma_start3A_139, %dma_start3A_140] : memref<157x128xi32, #tpu.memory_space<vmem>> -> memref<1x128xi32, #tpu.memory_space<vmem>>
        %dma_start3A_142 = tpu.memref_squeeze %dma_start3A_141 : memref<1x128xi32, #tpu.memory_space<vmem>> -> memref<128xi32, #tpu.memory_space<vmem>>
        %dma_start3A_143 = arith.constant 0 : i32
        %dma_start3A_144 = arith.constant 0 : i32
        %dma_start3A_145 = tpu.memref_slice %arg15[%dma_start3A_143, %dma_start3A_144] : memref<10000x32xi16, #tpu.memory_space<vmem_shared>> -> memref<10000x32xi16, #tpu.memory_space<vmem_shared>>
        tpu.enqueue_indirect_dma source(%arg24 : memref<128x32xi16, #tpu.memory_space<vmem>>) target(%dma_start3A_145 : memref<10000x32xi16, #tpu.memory_space<vmem_shared>>) offsets(%dma_start3A_142 : memref<128xi32, #tpu.memory_space<vmem>>) semaphore(%arg36 : memref<!tpu.dma_semaphore, #tpu.memory_space<semaphore_mem>>) {add = true}
        %dma_wait3A_146 = arith.constant 156 : i32
        %dma_wait3A_147 = arith.constant 0 : i32
        %dma_wait3A_148 = tpu.memref_slice %arg17[%dma_wait3A_146, %dma_wait3A_147] : memref<157x128xi32, #tpu.memory_space<vmem>> -> memref<1x128xi32, #tpu.memory_space<vmem>>
        %dma_wait3A_149 = tpu.memref_squeeze %dma_wait3A_148 : memref<1x128xi32, #tpu.memory_space<vmem>> -> memref<128xi32, #tpu.memory_space<vmem>>
        %dma_wait3A_150 = arith.constant 0 : i32
        %dma_wait3A_151 = arith.constant 0 : i32
        %dma_wait3A_152 = tpu.memref_slice %arg14[%dma_wait3A_150, %dma_wait3A_151] : memref<10000x64xbf16, #tpu.memory_space<vmem_shared>> -> memref<10000x64xbf16, #tpu.memory_space<vmem_shared>>
        tpu.wait_indirect_dma semaphore(%arg36 : memref<!tpu.dma_semaphore, #tpu.memory_space<semaphore_mem>>) src(%arg18 : memref<128x64xbf16, #tpu.memory_space<vmem>>) dst(%dma_wait3A_152 : memref<10000x64xbf16, #tpu.memory_space<vmem_shared>>)
        %dma_wait3A_153 = arith.constant 156 : i32
        %dma_wait3A_154 = arith.constant 0 : i32
        %dma_wait3A_155 = tpu.memref_slice %arg17[%dma_wait3A_153, %dma_wait3A_154] : memref<157x128xi32, #tpu.memory_space<vmem>> -> memref<1x128xi32, #tpu.memory_space<vmem>>
        %dma_wait3A_156 = tpu.memref_squeeze %dma_wait3A_155 : memref<1x128xi32, #tpu.memory_space<vmem>> -> memref<128xi32, #tpu.memory_space<vmem>>
        %dma_wait3A_157 = arith.constant 0 : i32
        %dma_wait3A_158 = arith.constant 0 : i32
        %dma_wait3A_159 = tpu.memref_slice %arg15[%dma_wait3A_157, %dma_wait3A_158] : memref<10000x32xi16, #tpu.memory_space<vmem_shared>> -> memref<10000x32xi16, #tpu.memory_space<vmem_shared>>
        tpu.wait_indirect_dma semaphore(%arg36 : memref<!tpu.dma_semaphore, #tpu.memory_space<semaphore_mem>>) src(%arg24 : memref<128x32xi16, #tpu.memory_space<vmem>>) dst(%dma_wait3A_159 : memref<10000x32xi16, #tpu.memory_space<vmem_shared>>)
      } else {
      }
      %barrier3A_104 = arith.constant 0 : index
      tpu.barrier barrier_id(%barrier3A_104)
      "tpu.region"() ({
        %run_scoped3A = tpu.sem_alloc : memref<!tpu.dma_semaphore, #tpu.memory_space<semaphore_mem>>
        %dma_start3A_105 = arith.constant 0 : i32
        %dma_start3A_106 = tpu.memref_slice %arg11[%mul3A_0, %dma_start3A_105] : memref<10000x64xbf16, #tpu.memory_space<hbm>> -> memref<625x64xbf16, #tpu.memory_space<hbm>>
        %dma_start3A_107 = arith.constant 0 : i32
        %dma_start3A_108 = tpu.memref_slice %arg14[%mul3A_0, %dma_start3A_107] : memref<10000x64xbf16, #tpu.memory_space<vmem_shared>> -> memref<625x64xbf16, #tpu.memory_space<vmem_shared>>
        tpu.enqueue_dma source(%dma_start3A_108 : memref<625x64xbf16, #tpu.memory_space<vmem_shared>>) target(%dma_start3A_106 : memref<625x64xbf16, #tpu.memory_space<hbm>>) target_semaphore(%run_scoped3A : memref<!tpu.dma_semaphore, #tpu.memory_space<semaphore_mem>>)
        %dma_wait3A = arith.constant 0 : i32
        %dma_wait3A_109 = tpu.memref_slice %arg11[%mul3A_0, %dma_wait3A] : memref<10000x64xbf16, #tpu.memory_space<hbm>> -> memref<625x64xbf16, #tpu.memory_space<hbm>>
        %dma_wait3A_110 = arith.constant 0 : i32
        %dma_wait3A_111 = tpu.memref_slice %arg14[%mul3A_0, %dma_wait3A_110] : memref<10000x64xbf16, #tpu.memory_space<vmem_shared>> -> memref<625x64xbf16, #tpu.memory_space<vmem_shared>>
        tpu.wait_dma2 semaphore(%run_scoped3A : memref<!tpu.dma_semaphore, #tpu.memory_space<semaphore_mem>>) src(%dma_wait3A_111 : memref<625x64xbf16, #tpu.memory_space<vmem_shared>>) dst(%dma_wait3A_109 : memref<625x64xbf16, #tpu.memory_space<hbm>>)
        tpu.yield
      }) : () -> ()
      "tpu.region"() ({
        %run_scoped3A = tpu.sem_alloc : memref<!tpu.dma_semaphore, #tpu.memory_space<semaphore_mem>>
        %dma_start3A_105 = arith.constant 0 : i32
        %dma_start3A_106 = tpu.memref_slice %arg13[%mul3A_0, %dma_start3A_105] : memref<10000x32xi16, #tpu.memory_space<hbm>> -> memref<625x32xi16, #tpu.memory_space<hbm>>
        %dma_start3A_107 = arith.constant 0 : i32
        %dma_start3A_108 = tpu.memref_slice %arg15[%mul3A_0, %dma_start3A_107] : memref<10000x32xi16, #tpu.memory_space<vmem_shared>> -> memref<625x32xi16, #tpu.memory_space<vmem_shared>>
        tpu.enqueue_dma source(%dma_start3A_108 : memref<625x32xi16, #tpu.memory_space<vmem_shared>>) target(%dma_start3A_106 : memref<625x32xi16, #tpu.memory_space<hbm>>) target_semaphore(%run_scoped3A : memref<!tpu.dma_semaphore, #tpu.memory_space<semaphore_mem>>)
        %dma_wait3A = arith.constant 0 : i32
        %dma_wait3A_109 = tpu.memref_slice %arg13[%mul3A_0, %dma_wait3A] : memref<10000x32xi16, #tpu.memory_space<hbm>> -> memref<625x32xi16, #tpu.memory_space<hbm>>
        %dma_wait3A_110 = arith.constant 0 : i32
        %dma_wait3A_111 = tpu.memref_slice %arg15[%mul3A_0, %dma_wait3A_110] : memref<10000x32xi16, #tpu.memory_space<vmem_shared>> -> memref<625x32xi16, #tpu.memory_space<vmem_shared>>
        tpu.wait_dma2 semaphore(%run_scoped3A : memref<!tpu.dma_semaphore, #tpu.memory_space<semaphore_mem>>) src(%dma_wait3A_111 : memref<625x32xi16, #tpu.memory_space<vmem_shared>>) dst(%dma_wait3A_109 : memref<625x32xi16, #tpu.memory_space<hbm>>)
        tpu.yield
      }) : () -> ()
    } else {
    }
    return
  }
}

module attributes {stable_mosaic.version = 14 : i64} {
  func.func @_dense_body(%arg0: i32, %arg1: memref<2000x128xf32, #tpu.memory_space<vmem>>, %arg2: memref<2000x8xf32, #tpu.memory_space<vmem>>, %arg3: memref<128x128xf32, #tpu.memory_space<vmem>>, %arg4: memref<128x64xf32, #tpu.memory_space<vmem>>, %arg5: memref<1x64xf32, #tpu.memory_space<vmem>>, %arg6: memref<2000x64xbf16, #tpu.memory_space<vmem>>, %arg7: memref<2000x64xbf16, #tpu.memory_space<vmem>>, %arg8: memref<2000x32xi16, #tpu.memory_space<vmem>>, %arg9: memref<2000x32xi16, #tpu.memory_space<vmem>>) attributes {dimension_semantics = [#tpu.dimension_semantics<arbitrary>], iteration_bounds = array<i64: 5>, scalar_prefetch = 0 : i64, scratch_operands = 0 : i64, tpu.core_type = #tpu.core_type<tc>, window_params = [{transform_indices = @transform_0, window_bounds = array<i64: 2000, 128>}, {transform_indices = @transform_1, window_bounds = array<i64: 2000, 8>}, {pipeline_mode = #tpu.pipeline_mode<synchronous>, transform_indices = @transform_2, window_bounds = array<i64: 128, 128>}, {pipeline_mode = #tpu.pipeline_mode<synchronous>, transform_indices = @transform_3, window_bounds = array<i64: 128, 64>}, {pipeline_mode = #tpu.pipeline_mode<synchronous>, transform_indices = @transform_4, window_bounds = array<i64: 1, 64>}, {transform_indices = @transform_5, window_bounds = array<i64: 2000, 64>}, {transform_indices = @transform_6, window_bounds = array<i64: 2000, 64>}, {transform_indices = @transform_7, window_bounds = array<i64: 2000, 32>}, {transform_indices = @transform_8, window_bounds = array<i64: 2000, 32>}]} {
    %get3A = arith.constant 0 : index
    %get3A_0 = arith.constant 0 : index
    %get3A_1 = vector.load %arg1[%get3A, %get3A_0] : memref<2000x128xf32, #tpu.memory_space<vmem>>, vector<2000x128xf32>
    %get3A_2 = arith.constant 0 : index
    %get3A_3 = arith.constant 0 : index
    %get3A_4 = vector.load %arg2[%get3A_2, %get3A_3] : memref<2000x8xf32, #tpu.memory_space<vmem>>, vector<2000x8xf32>
    %slice3A = vector.extract_strided_slice %get3A_4 {offsets = [0, 0], sizes = [2000, 1], strides = [1, 1]} : vector<2000x8xf32> to vector<2000x1xf32>
    %max3A = arith.constant 1.000000e+00 : f32
    %max3A_5 = vector.broadcast %max3A : f32 to vector<2000x1xf32>
    %max3A_6 = arith.maximumf %slice3A, %max3A_5 : vector<2000x1xf32>
    %rsqrt3A = math.rsqrt %max3A_6 : vector<2000x1xf32>
    %mul3A = vector.broadcast %rsqrt3A : vector<2000x1xf32> to vector<2000x128xf32>
    %mul3A_7 = arith.mulf %get3A_1, %mul3A : vector<2000x128xf32>
    %get3A_8 = arith.constant 0 : index
    %get3A_9 = arith.constant 0 : index
    %get3A_10 = vector.load %arg3[%get3A_8, %get3A_9] : memref<128x128xf32, #tpu.memory_space<vmem>>, vector<128x128xf32>
    %dot_general3A = arith.constant dense<0.000000e+00> : vector<2000x128xf32>
    %dot_general3A_11 = tpu.matmul %mul3A_7, %get3A_10, %dot_general3A {dimension_numbers = #tpu.dot_dimension_numbers<[1], [0], [0], [1], [0, 0, 1, 1], [], []>, transpose_lhs_hint = false} : vector<2000x128xf32>, vector<128x128xf32>, vector<2000x128xf32> -> vector<2000x128xf32>
    %get3A_12 = arith.constant 0 : index
    %get3A_13 = arith.constant 0 : index
    %get3A_14 = vector.load %arg4[%get3A_12, %get3A_13] : memref<128x64xf32, #tpu.memory_space<vmem>>, vector<128x64xf32>
    %dot_general3A_15 = arith.constant dense<0.000000e+00> : vector<2000x64xf32>
    %dot_general3A_16 = tpu.matmul %mul3A_7, %get3A_14, %dot_general3A_15 {dimension_numbers = #tpu.dot_dimension_numbers<[1], [0], [0], [1], [0, 0, 1, 1], [], []>, transpose_lhs_hint = false} : vector<2000x128xf32>, vector<128x64xf32>, vector<2000x64xf32> -> vector<2000x64xf32>
    %get3A_17 = arith.constant 0 : index
    %get3A_18 = arith.constant 0 : index
    %get3A_19 = vector.load %arg5[%get3A_17, %get3A_18] : memref<1x64xf32, #tpu.memory_space<vmem>>, vector<1x64xf32>
    %add3A = vector.broadcast %get3A_19 : vector<1x64xf32> to vector<2000x64xf32>
    %add3A_20 = arith.addf %dot_general3A_16, %add3A : vector<2000x64xf32>
    %tanh3A = math.tanh %add3A_20 : vector<2000x64xf32>
    %abs3A = math.absf %tanh3A : vector<2000x64xf32>
    %max3A_21 = arith.constant 1.000000e-30 : f32
    %max3A_22 = vector.broadcast %max3A_21 : f32 to vector<2000x64xf32>
    %max3A_23 = arith.maximumf %abs3A, %max3A_22 : vector<2000x64xf32>
    %log3A = math.log %max3A_23 : vector<2000x64xf32>
    %max3A_24 = arith.constant -4.000000e+00 : f32
    %max3A_25 = vector.broadcast %max3A_24 : f32 to vector<2000x64xf32>
    %max3A_26 = arith.maximumf %log3A, %max3A_25 : vector<2000x64xf32>
    %mul3A_27 = arith.constant 6.400000e+01 : f32
    %mul3A_28 = vector.broadcast %mul3A_27 : f32 to vector<2000x64xf32>
    %mul3A_29 = arith.mulf %max3A_26, %mul3A_28 : vector<2000x64xf32>
    %round3A = math.roundeven %mul3A_29 : vector<2000x64xf32>
    %convert_element_type3A = arith.fptosi %round3A : vector<2000x64xf32> to vector<2000x64xi32>
    %mul3A_30 = arith.constant 2 : i32
    %mul3A_31 = vector.broadcast %mul3A_30 : i32 to vector<2000x64xi32>
    %mul3A_32 = arith.muli %mul3A_31, %convert_element_type3A : vector<2000x64xi32>
    %lt3A = arith.constant 0.000000e+00 : f32
    %lt3A_33 = vector.broadcast %lt3A : f32 to vector<2000x64xf32>
    %lt3A_34 = arith.cmpf olt, %tanh3A, %lt3A_33 : vector<2000x64xf32>
    %convert_element_type3A_35 = arith.extui %lt3A_34 : vector<2000x64xi1> to vector<2000x64xi32>
    %add3A_36 = arith.addi %mul3A_32, %convert_element_type3A_35 : vector<2000x64xi32>
    %convert_element_type3A_37 = arith.trunci %add3A_36 : vector<2000x64xi32> to vector<2000x64xi16>
    %slice3A_38 = vector.extract_strided_slice %dot_general3A_11 {offsets = [0, 0], sizes = [2000, 64], strides = [1, 1]} : vector<2000x128xf32> to vector<2000x64xf32>
    %convert_element_type3A_39 = arith.truncf %slice3A_38 : vector<2000x64xf32> to vector<2000x64xbf16>
    %swap3A = arith.constant 0 : index
    %swap3A_40 = arith.constant 0 : index
    %swap3A_41 = vector.load %arg6[%swap3A, %swap3A_40] : memref<2000x64xbf16, #tpu.memory_space<vmem>>, vector<2000x64xbf16>
    tpu.vector_store %arg6[%swap3A, %swap3A_40], %convert_element_type3A_39 {strides = array<i32>} : memref<2000x64xbf16, #tpu.memory_space<vmem>>, vector<2000x64xbf16>,
    %slice3A_42 = vector.extract_strided_slice %dot_general3A_11 {offsets = [0, 64], sizes = [2000, 64], strides = [1, 1]} : vector<2000x128xf32> to vector<2000x64xf32>
    %convert_element_type3A_43 = arith.truncf %slice3A_42 : vector<2000x64xf32> to vector<2000x64xbf16>
    %swap3A_44 = arith.constant 0 : index
    %swap3A_45 = arith.constant 0 : index
    %swap3A_46 = vector.load %arg7[%swap3A_44, %swap3A_45] : memref<2000x64xbf16, #tpu.memory_space<vmem>>, vector<2000x64xbf16>
    tpu.vector_store %arg7[%swap3A_44, %swap3A_45], %convert_element_type3A_43 {strides = array<i32>} : memref<2000x64xbf16, #tpu.memory_space<vmem>>, vector<2000x64xbf16>,
    %slice3A_47 = vector.extract_strided_slice %convert_element_type3A_37 {offsets = [0, 0], sizes = [2000, 32], strides = [1, 1]} : vector<2000x64xi16> to vector<2000x32xi16>
    %swap3A_48 = arith.constant 0 : index
    %swap3A_49 = arith.constant 0 : index
    %swap3A_50 = vector.load %arg8[%swap3A_48, %swap3A_49] : memref<2000x32xi16, #tpu.memory_space<vmem>>, vector<2000x32xi16>
    tpu.vector_store %arg8[%swap3A_48, %swap3A_49], %slice3A_47 {strides = array<i32>} : memref<2000x32xi16, #tpu.memory_space<vmem>>, vector<2000x32xi16>,
    %slice3A_51 = vector.extract_strided_slice %convert_element_type3A_37 {offsets = [0, 32], sizes = [2000, 32], strides = [1, 1]} : vector<2000x64xi16> to vector<2000x32xi16>
    %swap3A_52 = arith.constant 0 : index
    %swap3A_53 = arith.constant 0 : index
    %swap3A_54 = vector.load %arg9[%swap3A_52, %swap3A_53] : memref<2000x32xi16, #tpu.memory_space<vmem>>, vector<2000x32xi16>
    tpu.vector_store %arg9[%swap3A_52, %swap3A_53], %slice3A_51 {strides = array<i32>} : memref<2000x32xi16, #tpu.memory_space<vmem>>, vector<2000x32xi16>,
    return
  }
  func.func @transform_0(%arg0: i32) -> (i32, i32) {
    %c0_i32 = arith.constant 0 : i32
    %c0_i32_0 = arith.constant 0 : i32
    return %arg0, %c0_i32 : i32, i32
  }
  func.func @transform_1(%arg0: i32) -> (i32, i32) {
    %c0_i32 = arith.constant 0 : i32
    %c0_i32_0 = arith.constant 0 : i32
    return %arg0, %c0_i32 : i32, i32
  }
  func.func @transform_2(%arg0: i32) -> (i32, i32) {
    %c0_i32 = arith.constant 0 : i32
    %c0_i32_0 = arith.constant 0 : i32
    %c0_i32_1 = arith.constant 0 : i32
    return %c0_i32, %c0_i32_0 : i32, i32
  }
  func.func @transform_3(%arg0: i32) -> (i32, i32) {
    %c0_i32 = arith.constant 0 : i32
    %c0_i32_0 = arith.constant 0 : i32
    %c0_i32_1 = arith.constant 0 : i32
    return %c0_i32, %c0_i32_0 : i32, i32
  }
  func.func @transform_4(%arg0: i32) -> (i32, i32) {
    %c0_i32 = arith.constant 0 : i32
    %c0_i32_0 = arith.constant 0 : i32
    %c0_i32_1 = arith.constant 0 : i32
    return %c0_i32, %c0_i32_0 : i32, i32
  }
  func.func @transform_5(%arg0: i32) -> (i32, i32) {
    %c0_i32 = arith.constant 0 : i32
    %c0_i32_0 = arith.constant 0 : i32
    return %arg0, %c0_i32 : i32, i32
  }
  func.func @transform_6(%arg0: i32) -> (i32, i32) {
    %c0_i32 = arith.constant 0 : i32
    %c0_i32_0 = arith.constant 0 : i32
    return %arg0, %c0_i32 : i32, i32
  }
  func.func @transform_7(%arg0: i32) -> (i32, i32) {
    %c0_i32 = arith.constant 0 : i32
    %c0_i32_0 = arith.constant 0 : i32
    return %arg0, %c0_i32 : i32, i32
  }
  func.func @transform_8(%arg0: i32) -> (i32, i32) {
    %c0_i32 = arith.constant 0 : i32
    %c0_i32_0 = arith.constant 0 : i32
    return %arg0, %c0_i32 : i32, i32
  }
}

module attributes {stable_mosaic.version = 14 : i64} {
  func.func @_final_body(%arg0: i32, %arg1: memref<2000x64xbf16, #tpu.memory_space<vmem>>, %arg2: memref<2000x64xbf16, #tpu.memory_space<vmem>>, %arg3: memref<2000x32xi16, #tpu.memory_space<vmem>>, %arg4: memref<2000x32xi16, #tpu.memory_space<vmem>>, %arg5: memref<2000x8xf32, #tpu.memory_space<vmem>>, %arg6: memref<64x128xf32, #tpu.memory_space<vmem>>, %arg7: memref<2000x128xf32, #tpu.memory_space<vmem>>) attributes {dimension_semantics = [#tpu.dimension_semantics<arbitrary>], iteration_bounds = array<i64: 5>, scalar_prefetch = 0 : i64, scratch_operands = 0 : i64, tpu.core_type = #tpu.core_type<tc>, window_params = [{transform_indices = @transform_0, window_bounds = array<i64: 2000, 64>}, {transform_indices = @transform_1, window_bounds = array<i64: 2000, 64>}, {transform_indices = @transform_2, window_bounds = array<i64: 2000, 32>}, {transform_indices = @transform_3, window_bounds = array<i64: 2000, 32>}, {transform_indices = @transform_4, window_bounds = array<i64: 2000, 8>}, {pipeline_mode = #tpu.pipeline_mode<synchronous>, transform_indices = @transform_5, window_bounds = array<i64: 64, 128>}, {transform_indices = @transform_6, window_bounds = array<i64: 2000, 128>}]} {
    %get3A = arith.constant 0 : index
    %get3A_0 = arith.constant 0 : index
    %get3A_1 = vector.load %arg5[%get3A, %get3A_0] : memref<2000x8xf32, #tpu.memory_space<vmem>>, vector<2000x8xf32>
    %slice3A = vector.extract_strided_slice %get3A_1 {offsets = [0, 0], sizes = [2000, 1], strides = [1, 1]} : vector<2000x8xf32> to vector<2000x1xf32>
    %get3A_2 = arith.constant 0 : index
    %get3A_3 = arith.constant 0 : index
    %get3A_4 = vector.load %arg1[%get3A_2, %get3A_3] : memref<2000x64xbf16, #tpu.memory_space<vmem>>, vector<2000x64xbf16>
    %get3A_5 = arith.constant 0 : index
    %get3A_6 = arith.constant 0 : index
    %get3A_7 = vector.load %arg2[%get3A_5, %get3A_6] : memref<2000x64xbf16, #tpu.memory_space<vmem>>, vector<2000x64xbf16>
    %concatenate3A = tpu.concatenate %get3A_4, %get3A_7 in 1 : vector<2000x64xbf16>, vector<2000x64xbf16> -> vector<2000x128xbf16>
    %convert_element_type3A = arith.extf %concatenate3A : vector<2000x128xbf16> to vector<2000x128xf32>
    %get3A_8 = arith.constant 0 : index
    %get3A_9 = arith.constant 0 : index
    %get3A_10 = vector.load %arg3[%get3A_8, %get3A_9] : memref<2000x32xi16, #tpu.memory_space<vmem>>, vector<2000x32xi16>
    %get3A_11 = arith.constant 0 : index
    %get3A_12 = arith.constant 0 : index
    %get3A_13 = vector.load %arg4[%get3A_11, %get3A_12] : memref<2000x32xi16, #tpu.memory_space<vmem>>, vector<2000x32xi16>
    %concatenate3A_14 = tpu.concatenate %get3A_10, %get3A_13 in 1 : vector<2000x32xi16>, vector<2000x32xi16> -> vector<2000x64xi16>
    %convert_element_type3A_15 = arith.extsi %concatenate3A_14 : vector<2000x64xi16> to vector<2000x64xi32>
    %and3A = arith.constant 1 : i32
    %and3A_16 = vector.broadcast %and3A : i32 to vector<2000x64xi32>
    %and3A_17 = arith.andi %convert_element_type3A_15, %and3A_16 : vector<2000x64xi32>
    %mul3A = arith.constant 2 : i32
    %mul3A_18 = vector.broadcast %mul3A : i32 to vector<2000x64xi32>
    %mul3A_19 = arith.muli %mul3A_18, %and3A_17 : vector<2000x64xi32>
    %sub3A = arith.constant 1 : i32
    %sub3A_20 = vector.broadcast %sub3A : i32 to vector<2000x64xi32>
    %sub3A_21 = arith.subi %sub3A_20, %mul3A_19 : vector<2000x64xi32>
    %convert_element_type3A_22 = arith.sitofp %sub3A_21 : vector<2000x64xi32> to vector<2000x64xf32>
    %sub3A_23 = arith.subi %convert_element_type3A_15, %and3A_17 : vector<2000x64xi32>
    %jit3A = arith.constant 2 : i32
    %div3A = vector.broadcast %jit3A : i32 to vector<2000x64xi32>
    %div3A_24 = arith.divsi %sub3A_23, %div3A : vector<2000x64xi32>
    %sign3A = arith.constant 0 : i32
    %sign3A_25 = vector.broadcast %sign3A : i32 to vector<2000x64xi32>
    %sign3A_26 = arith.cmpi sgt, %sub3A_23, %sign3A_25 : vector<2000x64xi32>
    %sign3A_27 = arith.extui %sign3A_26 : vector<2000x64xi1> to vector<2000x64xi32>
    %sign3A_28 = arith.constant 0 : i32
    %sign3A_29 = vector.broadcast %sign3A_28 : i32 to vector<2000x64xi32>
    %sign3A_30 = arith.cmpi slt, %sub3A_23, %sign3A_29 : vector<2000x64xi32>
    %sign3A_31 = arith.extui %sign3A_30 : vector<2000x64xi1> to vector<2000x64xi32>
    %sign3A_32 = arith.subi %sign3A_27, %sign3A_31 : vector<2000x64xi32>
    %sign3A_33 = arith.constant 0 : i32
    %sign3A_34 = arith.cmpi sgt, %jit3A, %sign3A_33 : i32
    %sign3A_35 = arith.extui %sign3A_34 : i1 to i32
    %sign3A_36 = arith.constant 0 : i32
    %sign3A_37 = arith.cmpi slt, %jit3A, %sign3A_36 : i32
    %sign3A_38 = arith.extui %sign3A_37 : i1 to i32
    %sign3A_39 = arith.subi %sign3A_35, %sign3A_38 : i32
    %ne3A = vector.broadcast %sign3A_39 : i32 to vector<2000x64xi32>
    %ne3A_40 = arith.cmpi ne, %sign3A_32, %ne3A : vector<2000x64xi32>
    %rem3A = vector.broadcast %jit3A : i32 to vector<2000x64xi32>
    %rem3A_41 = arith.remsi %sub3A_23, %rem3A : vector<2000x64xi32>
    %ne3A_42 = arith.constant 0 : i32
    %ne3A_43 = vector.broadcast %ne3A_42 : i32 to vector<2000x64xi32>
    %ne3A_44 = arith.cmpi ne, %rem3A_41, %ne3A_43 : vector<2000x64xi32>
    %and3A_45 = arith.andi %ne3A_40, %ne3A_44 : vector<2000x64xi1>
    %sub3A_46 = arith.constant 1 : i32
    %sub3A_47 = vector.broadcast %sub3A_46 : i32 to vector<2000x64xi32>
    %sub3A_48 = arith.subi %div3A_24, %sub3A_47 : vector<2000x64xi32>
    %select_n3A = arith.select %and3A_45, %sub3A_48, %div3A_24 : vector<2000x64xi1>, vector<2000x64xi32>
    %convert_element_type3A_49 = arith.sitofp %select_n3A : vector<2000x64xi32> to vector<2000x64xf32>
    %mul3A_50 = arith.constant 1.562500e-02 : f32
    %mul3A_51 = vector.broadcast %mul3A_50 : f32 to vector<2000x64xf32>
    %mul3A_52 = arith.mulf %convert_element_type3A_49, %mul3A_51 : vector<2000x64xf32>
    %exp3A = math.exp %mul3A_52 : vector<2000x64xf32>
    %mul3A_53 = arith.mulf %convert_element_type3A_22, %exp3A : vector<2000x64xf32>
    %gt3A = arith.constant 0.000000e+00 : f32
    %gt3A_54 = vector.broadcast %gt3A : f32 to vector<2000x1xf32>
    %gt3A_55 = arith.cmpf ogt, %slice3A, %gt3A_54 : vector<2000x1xf32>
    %convert_element_type3A_56 = arith.extui %gt3A_55 : vector<2000x1xi1> to vector<2000x1xi32>
    %convert_element_type3A_57 = arith.sitofp %convert_element_type3A_56 : vector<2000x1xi32> to vector<2000x1xf32>
    %mul3A_58 = vector.broadcast %convert_element_type3A_57 : vector<2000x1xf32> to vector<2000x64xf32>
    %mul3A_59 = arith.mulf %mul3A_53, %mul3A_58 : vector<2000x64xf32>
    %get3A_60 = arith.constant 0 : index
    %get3A_61 = arith.constant 0 : index
    %get3A_62 = vector.load %arg6[%get3A_60, %get3A_61] : memref<64x128xf32, #tpu.memory_space<vmem>>, vector<64x128xf32>
    %dot_general3A = arith.constant dense<0.000000e+00> : vector<2000x128xf32>
    %dot_general3A_63 = tpu.matmul %mul3A_59, %get3A_62, %dot_general3A {dimension_numbers = #tpu.dot_dimension_numbers<[1], [0], [0], [1], [0, 0, 1, 1], [], []>, transpose_lhs_hint = false} : vector<2000x64xf32>, vector<64x128xf32>, vector<2000x128xf32> -> vector<2000x128xf32>
    %add3A = arith.addf %convert_element_type3A, %dot_general3A_63 : vector<2000x128xf32>
    %max3A = arith.constant 1.000000e+00 : f32
    %max3A_64 = vector.broadcast %max3A : f32 to vector<2000x1xf32>
    %max3A_65 = arith.maximumf %slice3A, %max3A_64 : vector<2000x1xf32>
    %rsqrt3A = math.rsqrt %max3A_65 : vector<2000x1xf32>
    %mul3A_66 = vector.broadcast %rsqrt3A : vector<2000x1xf32> to vector<2000x128xf32>
    %mul3A_67 = arith.mulf %add3A, %mul3A_66 : vector<2000x128xf32>
    %swap3A = arith.constant 0 : index
    %swap3A_68 = arith.constant 0 : index
    %swap3A_69 = vector.load %arg7[%swap3A, %swap3A_68] : memref<2000x128xf32, #tpu.memory_space<vmem>>, vector<2000x128xf32>
    tpu.vector_store %arg7[%swap3A, %swap3A_68], %mul3A_67 {strides = array<i32>} : memref<2000x128xf32, #tpu.memory_space<vmem>>, vector<2000x128xf32>,
    return
  }
  func.func @transform_0(%arg0: i32) -> (i32, i32) {
    %c0_i32 = arith.constant 0 : i32
    %c0_i32_0 = arith.constant 0 : i32
    return %arg0, %c0_i32 : i32, i32
  }
  func.func @transform_1(%arg0: i32) -> (i32, i32) {
    %c0_i32 = arith.constant 0 : i32
    %c0_i32_0 = arith.constant 0 : i32
    return %arg0, %c0_i32 : i32, i32
  }
  func.func @transform_2(%arg0: i32) -> (i32, i32) {
    %c0_i32 = arith.constant 0 : i32
    %c0_i32_0 = arith.constant 0 : i32
    return %arg0, %c0_i32 : i32, i32
  }
  func.func @transform_3(%arg0: i32) -> (i32, i32) {
    %c0_i32 = arith.constant 0 : i32
    %c0_i32_0 = arith.constant 0 : i32
    return %arg0, %c0_i32 : i32, i32
  }
  func.func @transform_4(%arg0: i32) -> (i32, i32) {
    %c0_i32 = arith.constant 0 : i32
    %c0_i32_0 = arith.constant 0 : i32
    return %arg0, %c0_i32 : i32, i32
  }
  func.func @transform_5(%arg0: i32) -> (i32, i32) {
    %c0_i32 = arith.constant 0 : i32
    %c0_i32_0 = arith.constant 0 : i32
    %c0_i32_1 = arith.constant 0 : i32
    return %c0_i32, %c0_i32_0 : i32, i32
  }
  func.func @transform_6(%arg0: i32) -> (i32, i32) {
    %c0_i32 = arith.constant 0 : i32
    %c0_i32_0 = arith.constant 0 : i32
    return %arg0, %c0_i32 : i32, i32
  }
}

</mosaic_0001>

<sc_bundles>
// kernel: kernel.6.cloned.1.call-start
scs
__scs_entry_jumppad:
0x0: {  	(pc) =	sbr.rel $0x88, $3  }
0x1: {  	(tag) =	ssettag $0x0;
	lr =	simm.s32 $0x1  }
0x2: {  	[smem:$0x3F9C] =	sst lr;
	_ =	strace $0xD0000000  }
0x3: {  	_ = 	snop  }
0x4: {  	_ = 	snop  }
0x5: {  	_ = 	snop  }
0x6: {  	_ = 	snop  }
0x7: {  	_ = 	snop  }
__scs_overlays_trampoline_lowered:
0x8: {  	[smem:$0x3FAB] =	sst s0  }
0x9: {  	[smem:$0x3FAC] =	sst s1  }
0xa: {  	[smem:$0x3FAD] =	sst s2  }
0xb: {  	[smem:$0x3FAE] =	sst s3  }
0xc: {  	[smem:$0x3FAF] =	sst s4  }
0xd: {  	[smem:$0x3FB0] =	sst s5  }
0xe: {  	[smem:$0x3FB1] =	sst s6  }
0xf: {  	[smem:$0x3FB2] =	sst s7  }
0x10: {  	[smem:$0x3FB3] =	sst s8  }
0x11: {  	[smem:$0x3FB4] =	sst s9;
	s0 =	simm.s32 @!p0 $0x0  }
0x12: {  	s1 =	sld [smem:$0x3F9A];
	s0 =	simm.s32 @p0 $0x1  }
0x13: {  	[smem:$0x3FB5] =	sst s0;
	s0 =	simm.s32 @!p1 $0x0  }
0x14: {  	s2 =	sld [smem:$0x3F99];
	s0 =	simm.s32 @p1 $0x1  }
0x15: {  	[smem:$0x3FB6] =	sst s0;
	s0 =	simm.s32 @!p2 $0x0  }
0x16: {  	s3 =	sld [smem:$0x3FDB];
	s0 =	simm.s32 @p2 $0x1  }
0x17: {  	s4 =	simm.s32 $0x1BF5;
	[smem:$0x3FB8] =	sst s0  }
0x18: {  	s0 =	sld [smem:$0x3F9B];
	_ =	swait.ge [sflag:s4], $0x0  }
0x19: {  	s7 =	sld [smem:$0x3F9C]  }
0x1a: {  	s8 =	sadd.s32 $0xFFFFE003, lr  }
0x1b: {  	s9 =	sadd.s32 $0xFFFFFEF7, lr;
	s5 =	simm.s32 $0xFFFFFFFF;
	p2 =	slt.u32 s8, $0xFFFFF086  }
0x1c: {  	p1 =	slt.u32 s9, $0xF7A;
	s5 =	simm.s32 @!p2 $0x0  }
0x1d: {  	s5 =	simm.s32 @p1 $0x1;
	p0 =	seq.s32 s7, s2  }
0x1e: {  	s7 =	smul.u32 @!p0 $0xF7A, s2;
	p2 =	seq.s32 @!p0 s5, $0x0  }
0x1f: {  	s9 =	smul.u32 $0xF7A, s1;
	s8 =	simm.s32 @!p0 $0x1BF5;
	p2 =	por !p2, p0  }
0x20: {  	[sflag:s8] =	ssyncset.s32 @!p0 $0xFFFFF086;
	s6 =	sadd.s32 @!p0 s3, s7;
	s7 =	simm.s32 @!p0 $0x108  }
0x21: {  	s3 =	sadd.s32 s3, s9;
	s6 =	sadd.s32 @!p0 $0x88, s6;
	s7 =	simm.s32 @p2 $0x1082  }
0x22: {  	[simem:s7], [sflag:s8] =	dma.local @!p0 [hbm:s6], $0xF7A  }
0x23: {  	s9 =	sor.u32 $0xD0000000, s2;
	s6 =	simm.s32 $0x108;
	_ =	swait.ge @!p0 [sflag:s8], $0x0  }
0x24: {  	s3 =	sadd.s32 $0x88, s3;
	s6 =	simm.s32 @!p1 $0x1082;
	[sflag:s4] =	ssyncset.s32 $0xFFFFF086  }
0x25: {  	[simem:s6], [sflag:s4] =	dma.local [hbm:s3], $0xF7A  }
0x26: {  	[smem:$0x3F9C] =	sst s1;
	(tag) =	ssettag s2;
	_ =	strace s9  }
0x27: {  	s1 =	sld [smem:$0x3FAC]  }
0x28: {  	s2 =	sld [smem:$0x3FAD]  }
0x29: {  	s4 =	sld [smem:$0x3FAF]  }
0x2a: {  	p0 =	seq.s32 s5, $0x0;
	s5 =	sld [smem:$0x3FB0]  }
0x2b: {  	s6 =	sld [smem:$0x3FB1]  }
0x2c: {  	s7 =	sld [smem:$0x3FB2]  }
0x2d: {  	s3 =	simm.s32 $0x108;
	s8 =	sld [smem:$0x3FB3]  }
0x2e: {  	s3 =	simm.s32 @!p0 $0x1082;
	s9 =	sld [smem:$0x3FB4]  }
0x2f: {  	lr =	sadd.s32 s0, s3;
	s0 =	sld [smem:$0x3FAB]  }
0x30: {  	s3 =	sld [smem:$0x3FAE]  }
0x31: {  	[smem:$0x3FB7] =	sst s10  }
0x32: {  	s10 =	sld [smem:$0x3FB5];
	_ =	sdelay $0x3  }
0x33: {  	p0 =	seq.s32 s10, $0x1;
	s10 =	sld [smem:$0x3FB7];
	_ =	sdelay $0x3  }
0x34: {  	[smem:$0x3FB7] =	sst s10  }
0x35: {  	s10 =	sld [smem:$0x3FB6];
	_ =	sdelay $0x3  }
0x36: {  	p1 =	seq.s32 s10, $0x1;
	s10 =	sld [smem:$0x3FB7];
	_ =	sdelay $0x3  }
0x37: {  	[smem:$0x3FB7] =	sst s10  }
0x38: {  	s10 =	sld [smem:$0x3FB8]  }
0x39: {  	_ = 	snop;
	(pc) =	sbr.ind lr, $3  }
0x3a: {  	_ = 	snop  }
0x3b: {  	_ = 	snop  }
0x3c: {  	p2 =	seq.s32 s10, $0x1;
	s10 =	sld [smem:$0x3FB7]  }
0x3d: {  	_ =	shalt  }
0x3e: {  	_ =	shalt  }
0x3f: {  	_ =	shalt  }
0x40: {  	_ =	shalt  }
0x41: {  	_ =	shalt  }
0x42: {  	_ =	shalt  }
0x43: {  	_ =	shalt  }
0x44: {  	_ =	shalt  }
0x45: {  	_ =	shalt  }
0x46: {  	_ =	shalt  }
0x47: {  	_ =	shalt  }
0x48: {  	_ =	shalt  }
0x49: {  	_ =	shalt  }
0x4a: {  	_ =	shalt  }
0x4b: {  	_ =	shalt  }
0x4c: {  	_ =	shalt  }
0x4d: {  	_ =	shalt  }
0x4e: {  	_ =	shalt  }
0x4f: {  	_ =	shalt  }
0x50: {  	_ =	shalt  }
0x51: {  	_ =	shalt  }
0x52: {  	_ =	shalt  }
0x53: {  	_ =	shalt  }
0x54: {  	_ =	shalt  }
0x55: {  	_ =	shalt  }
0x56: {  	_ =	shalt  }
0x57: {  	_ =	shalt  }
0x58: {  	_ =	shalt  }
0x59: {  	_ =	shalt  }
0x5a: {  	_ =	shalt  }
0x5b: {  	_ =	shalt  }
0x5c: {  	_ =	shalt  }
0x5d: {  	_ =	shalt  }
0x5e: {  	_ =	shalt  }
0x5f: {  	_ =	shalt  }
0x60: {  	_ =	shalt  }
0x61: {  	_ =	shalt  }
0x62: {  	_ =	shalt  }
0x63: {  	_ =	shalt  }
0x64: {  	_ =	shalt  }
0x65: {  	_ =	shalt  }
0x66: {  	_ =	shalt  }
0x67: {  	_ =	shalt  }
0x68: {  	_ =	shalt  }
0x69: {  	_ =	shalt  }
0x6a: {  	_ =	shalt  }
0x6b: {  	_ =	shalt  }
0x6c: {  	_ =	shalt  }
0x6d: {  	_ =	shalt  }
0x6e: {  	_ =	shalt  }
0x6f: {  	_ =	shalt  }
0x70: {  	_ =	shalt  }
0x71: {  	_ =	shalt  }
0x72: {  	_ =	shalt  }
0x73: {  	_ =	shalt  }
0x74: {  	_ =	shalt  }
0x75: {  	_ =	shalt  }
0x76: {  	_ =	shalt  }
0x77: {  	_ =	shalt  }
0x78: {  	_ =	shalt  }
0x79: {  	_ =	shalt  }
0x7a: {  	_ =	shalt  }
0x7b: {  	_ =	shalt  }
0x7c: {  	_ =	shalt  }
0x7d: {  	_ =	shalt  }
0x7e: {  	_ =	shalt  }
0x7f: {  	_ =	shalt  }
0x80: {  	_ =	shalt  }
0x81: {  	_ =	shalt  }
0x82: {  	_ =	shalt  }
0x83: {  	_ =	shalt  }
0x84: {  	_ =	shalt  }
0x85: {  	_ =	shalt  }
0x86: {  	_ =	shalt  }
0x87: {  	_ =	shalt  }
.Lfunc_end0:
.L_simem_size_0:
called_computation_lowered:
.L_overlay_start_0:
0x88: {  	s2 =	sld [smem:$0x3FD9]  }
0x89: {  	s3 =	sld [smem:$0x3FFE];
	_ =	sdelay $0x1  }
0x8a: {  	s1 =	srdreg.scid  }
0x8b: {  	s0 =	sand.u32 $0x1, s1  }
0x8c: {  	s17 =	sshll.u32 s0, $0xA;
	s2 =	sadd.s32 s3, s2  }
0x8d: {  	s2 =	sadd.s32 s2, s17  }
0x8e: {  	[smem:$0x3FC3] =	sst s2  }
0x8f: {  	_ = 	snop  }
0x90: {  	s2 =	sld [smem:$0x3FD0];
	(tm) =	ssettm $0x1  }
0x91: {  	s18 =	sld [smem:$0x3FFB];
	_ =	sdelay $0x3  }
0x92: {  	_ =	strace s18  }
0x93: {  	s3 =	sld [smem:$0x3FFC];
	_ =	sdelay $0x3  }
0x94: {  	_ =	strace s3  }
0x95: {  	s3 =	sld [smem:$0x3FFD];
	_ =	sdelay $0x3  }
0x96: {  	_ =	strace s3  }
0x97: {  	_ =	strace $0x8FFFFFFF  }
0x98: {  	s19 =	sld [smem:$0x3FDB];
	_ =	sdelay $0x1  }
0x99: {  	s4 =	simm.s32 $_scs_section_size  }
0x9a: {  	s5 =	simm.s32 $_size__tile_overlayer_lowered;
	s6 =	simm.s32 $_tile_overlayer_lowered  }
0x9b: {  	s22 =	simm.s32 $0x1BFF;
	s21 =	sshll.u32 s6, $0x1;
	s3 =	sadd.s32 s4, s19  }
0x9c: {  	s7 =	simm.s32 $0x0;
	s20 =	sshll.u32 s5, $0x1;
	s5 =	sadd.s32 s21, s3  }
0x9d: {  	[timem:s7], [sflag:s22] =	dma.local [hbm:s5], s20  }
0x9e: {  	_ =	swait.ge [sflag:s22], s20  }
0x9f: {  	s4 =	ssub.s32 $0x0, s20;
	[sflag:s22] =	ssyncset.done $0x0  }
0xa0: {  	[sflag:s22] =	ssyncadd.s32 s4;
	_ =	sdelay $0x1  }
0xa1: {  	s23 =	simm.s32 $0x1B8B  }
0xa2: {  	_ =	swait.ge [sflag:s23], $0x1  }
0xa3: {  	[sflag:s23] =	ssyncset.done $0x0  }
0xa4: {  	s25 =	simm.s32 $0x1B8E;
	s24 =	sld [smem:$0x3FFE];
	[sflag:s23] =	ssyncadd.s32 $0xFFFFFFFF  }
0xa5: {  	s26 =	simm.s32 $execute0_lowered;
	[smem:$0x3FD2] =	sst s25  }
0xa6: {  	s5 =	sshll.u32 s26, $0x1;
	_ =	strace $0x80000046;
	[dreg:$0x1] =	wrdreg $0xFFFFFFFF  }
0xa7: {  	s28 =	simm.s32 $_size_execute0_lowered;
	s3 =	sadd.s32 s3, s5;
	[dreg:$0x0] =	wrdreg $0x0  }
0xa8: {  	s5 =	sshll.u32 s28, $0x1;
	[dreg:$0x2] =	wrdreg s3  }
0xa9: {  	[dreg:$0x3] =	wrdreg s5  }
0xaa: {  	[dreg:$0x4] =	wrdreg $0xC0  }
0xab: {  	_ =	task [dreg:s7], $0x5FFFF  }
0xac: {  	[dreg:$0x1] =	wrdreg $0xFFFFFFFF  }
0xad: {  	[dreg:$0x0] =	wrdreg $0x60  }
0xae: {  	[dreg:$0x2] =	wrdreg s24  }
0xaf: {  	[dreg:$0x3] =	wrdreg s2  }
0xb0: {  	[dreg:$0x4] =	wrdreg $0x0  }
0xb1: {  	[dreg:$0x5] =	wrdreg $0x9  }
0xb2: {  	_ =	task.clear_ibuf [dreg:s7], $0x6FFFF;
	_ =	strace $0x90000046  }
0xb3: {  	s29 =	simm.s32 $0x9;
	_ =	strace $0x80000048  }
0xb4: {  	_ =	swait.ge [sflag:s29], $0x1  }
0xb5: {  	[sflag:s29] =	ssyncadd.s32 $0xFFFFFFFF  }
0xb6: {  	_ =	strace $0x90000048  }
0xb7: {  	_ =	sfence  }
0xb8: {  	s30 =	sld [smem:$0x0];
	_ =	sdelay $0x2  }
0xb9: {  	s31 =	sshll.u32 s1, $0xD;
	s1 =	sshrl.u32 s1, $0x2  }
0xba: {  	s3 =	sand.u32 $0x4000, s31;
	s1 =	sadd.s32 s1, s30  }
0xbb: {  	s0 =	sor.u32 s3, s0;
	s1 =	sshll.u32 s1, $0x11  }
0xbc: {  	s0 =	sor.u32 s1, s0  }
0xbd: {  	s0 =	sadd.s32 $0x8F2B, s0  }
0xbe: {  	[sflag:s0] =	ssyncadd.remote.s32 $0x1  }
0xbf: {  	_ =	sfence.sel $0xFFFF  }
0xc0: {  	[dreg:$0x0] =	wrdreg $0xFFFFFFFF;
	(pc) =	sbr.abs _section_cstart, $3  }
0xc1: {  	[dreg:$0x1] =	wrdreg $0xFFFFFFFF  }
0xc2: {  	_ =	task.clear_ibuf [dreg:s7], $0x2FFFF;
	_ =	strace $0x9FFFFFFF  }
0xc3: {  	(tm) =	ssettm $0x7FFFFFFF  }
tec
execute0_lowered:
.L_overlay_start_1:
0x0: {  	(tag) =	ssettag $0x1  }
0x1: {  	s6 =	rddreg [dreg:$0x0]  }
0x2: {  	s9 =	rddreg [dreg:$0x1]  }
0x3: {  	s0 =	stileid.u32;
	s2 =	rddreg [dreg:$0x2]  }
0x4: {  	s1 =	rddreg [dreg:$0x3];
	s3 =	simm.s32 $0x0;
	s30 =	srdreg.scid  }
0x5: {  	s16 =	simm.s32 $0x80;
	s17 =	simm.s32 $0x6188;
	s18 =	simm.s32 $0x0  }
0x6: {  	s4 =	smul.u32 $0x9C, s0;
	s5 =	smax.u32 s0, $0xC;
	[smem:$0x7FF] =	sst s3  }
0x7: {  	s7 =	smul.u32 $0x1388, s0;
	s11 =	sand.u32 $0x1, s30;
	s14 =	sshll.u32 s0, $0x6  }
0x8: {  	p1 =	slt.u32 s0, $0xC;
	p2 =	sgt.u32 s0, $0xB;
	_ =	strace $0x80000047  }
0x9: {  	s13 =	ssub.s32 $0x2, s11;
	p0 =	seq.s32 s11, $0x1;
	s4 =	sadd.s32 s4, s5  }
0xa: {  	s5 =	sadd.s32 $0xC600, s6;
	s12 =	sshrl.u32 s7, $0x3;
	s31 =	sshrl.u32 s13, $0x1  }
0xb: {  	s15 =	sadd.s32 s7, s2;
	s4 =	sshll.u32 s4, $0x4;
	s12 =	sadd.s32 s12, s6  }
.Ltmp0:
0xc: {  	s13 =	ssub.s32 s13, s31;
	s10 =	sadd.s32 $0xFFFFFF40, s4;
	(pc) =	sbr.rel .LBB2_1-.Ltmp0, $4  }
0xd: {  	s4 =	sadd.s32 $0xC800, s6;
	s11 =	smax.u32 s13, $0x1;
	s13 =	simm.s32 $0x1  }
0xe: {  	s8 =	sadd.s32 s10, s6;
	s6 =	sor.u32 $0x1C01, s14;
	s9 =	sadd.s32 s9, s10  }
0xf: {  	s10 =	sadd.s32 $0xF400, s12;
	s14 =	simm.s32 $0x6208;
	s7 =	sadd.s32 $0x2800, s8  }
0x10: {  	s8 =	sadd.s32 $0xCC00, s12;
	s12 =	sshrl.u32 s15, $0x3;
	s15 =	simm.s32 $0x1388  }
.LBB2_8:
0x11: {  	[spmem:s2] =	stream.indirect.scatter.add.f32 [tilespmem:s14], [sflag:$0x1], $0x8, s17, s16, $0xb8;
	[tilespmem:$0x6608] =	vst v63  }
0x12: {  	_ =	swait.ge [sflag:s13], $0x400  }
0x13: {  	[sflag:s13] =	ssyncset.done $0x0  }
0x14: {  	[sflag:s13] =	ssyncadd.s32 $0xFFFFFC00  }
.LBB2_9:
0x15: {  	s18 =	sadd.s32 $0x1, s18  }
0x16: {  	p3 =	sne.s32 s18, s11  }
.Ltmp1:
0x17: {  	[bflag:$0x0] =	sbarrier.arrive $0xFFFF;
	(pc) =	sbr.rel @!p3 .LBB2_10-.Ltmp1, $4  }
0x18: {  	[hbm:s19], [sflag:s6] =	dma.local [spmem:s12], $0x271  }
0x19: {  	_ =	swait.ge [sflag:s13], $0x271  }
0x1a: {  	[sflag:s13] =	ssyncset.done $0x0  }
0x1b: {  	[sflag:s13] =	ssyncadd.s32 $0xFFFFFD8F  }
.LBB2_1:
0x1c: {  	[spmem:s12], [sflag:s6] =	dma.local [hbm:s4], $0x271  }
0x1d: {  	_ =	swait.ge [sflag:s13], $0x271  }
0x1e: {  	[sflag:s13] =	ssyncset.done $0x0  }
0x1f: {  	[sflag:s13] =	ssyncadd.s32 $0xFFFFFD8F  }
0x20: {  	[tilespmem:s14], [sflag:$0x1] =	stream.linear.gather [hbm4b:s5+s3], $0x400, $0x38;
	[tilespmem:$0x6608] =	vst v63  }
.Ltmp2:
0x21: {  	_ =	swait.ge [sflag:s13], $0x400;
	(pc) =	sbr.rel @!p0 .LBB2_2-.Ltmp2, $4  }
0x22: {  	[sflag:s13] =	ssyncset.done $0x0  }
0x23: {  	[sflag:s13] =	ssyncadd.s32 $0xFFFFFC00  }
0x24: {  	[bflag:$0x0] =	sbarrier.arrive $0xFFFF  }
0x25: {  	s19 =	simm.s32 $0x0  }
0x26: {  	[tilespmem:s15], [sflag:$0x1] =	stream.linear.gather [hbm4b:s9+s19], $0x4E80, $0x38;
	[tilespmem:$0x6608] =	vst v63  }
0x27: {  	_ =	swait.ge [sflag:s13], $0x4E80  }
0x28: {  	[sflag:s13] =	ssyncset.done $0x0  }
0x29: {  	s31 =	simm.s32 $0x1388;
	[sflag:s13] =	ssyncadd.s32 $0xFFFFB180  }
0x2a: {  	[spmem:s2] =	stream.indirect.scatter.add.f32 [tilespmem:s14], [sflag:$0x1], $0x8, s31, s16, $0xb8;
	[tilespmem:$0x6608] =	vst v63  }
0x2b: {  	s19 =	simm.s32 $0x200;
	_ =	swait.ge [sflag:s13], $0x400  }
.LBB2_6:
0x2c: {  	s20 =	sshra.s32 s19, $0x2;
	[sflag:s13] =	ssyncset.done $0x0;
	p3 =	sne.s32 s19, $0x13600  }
.Ltmp3:
0x2d: {  	s20 =	sadd.s32 $0x1388, s20;
	[sflag:s13] =	ssyncadd.s32 $0xFFFFFC00;
	(pc) =	sbr.rel @p3 .LBB2_6-.Ltmp3, $3  }
0x2e: {  	[spmem:s2] =	stream.indirect.scatter.add.f32 [tilespmem:s14], [sflag:$0x1], $0x8, s20, s16, $0xb8;
	[tilespmem:$0x6608] =	vst v63  }
0x2f: {  	s19 =	sadd.s32 $0x200, s19;
	_ =	sdelay $0x1  }
0x30: {  	_ =	swait.ge [sflag:s13], $0x400  }
.Ltmp4:
0x31: {  	(pc) =	sbr.rel @p1 .LBB2_9-.Ltmp4, $4  }
.Ltmp5:
0x32: {  	(pc) =	sbr.rel @!p1 .LBB2_8-.Ltmp5, $4  }
0x33: {  	_ = 	snop  }
0x34: {  	[sflag:s13] =	ssyncset.done $0x0  }
0x35: {  	s19 =	smov.u32 s10;
	[sflag:s13] =	ssyncadd.s32 $0xFFFFFC00  }
0x36: {  	_ = 	snop  }
.LBB2_2:
0x37: {  	[tilespmem:s15], [sflag:$0x1] =	stream.linear.gather [hbm4b:s7+s19], $0x4E80, $0x38;
	[tilespmem:$0x6608] =	vst v63  }
0x38: {  	_ =	swait.ge [sflag:s13], $0x4E80  }
0x39: {  	[sflag:s13] =	ssyncset.done $0x0  }
0x3a: {  	s31 =	simm.s32 $0x1388;
	[sflag:s13] =	ssyncadd.s32 $0xFFFFB180  }
0x3b: {  	[spmem:s2] =	stream.indirect.scatter.add.f32 [tilespmem:s14], [sflag:$0x1], $0x8, s31, s16, $0xb8;
	[tilespmem:$0x6608] =	vst v63  }
0x3c: {  	s19 =	simm.s32 $0x200;
	_ =	swait.ge [sflag:s13], $0x400  }
.LBB2_3:
0x3d: {  	s20 =	sshra.s32 s19, $0x2;
	[sflag:s13] =	ssyncset.done $0x0;
	p3 =	sne.s32 s19, $0x13600  }
.Ltmp6:
0x3e: {  	s20 =	sadd.s32 $0x1388, s20;
	[sflag:s13] =	ssyncadd.s32 $0xFFFFFC00;
	(pc) =	sbr.rel @p3 .LBB2_3-.Ltmp6, $3  }
0x3f: {  	[spmem:s2] =	stream.indirect.scatter.add.f32 [tilespmem:s14], [sflag:$0x1], $0x8, s20, s16, $0xb8;
	[tilespmem:$0x6608] =	vst v63  }
0x40: {  	s19 =	sadd.s32 $0x200, s19;
	_ =	sdelay $0x1  }
0x41: {  	_ =	swait.ge [sflag:s13], $0x400  }
.Ltmp7:
0x42: {  	(pc) =	sbr.rel @p2 .LBB2_8-.Ltmp7, $4  }
.Ltmp8:
0x43: {  	(pc) =	sbr.rel @!p2 .LBB2_9-.Ltmp8, $4  }
0x44: {  	_ = 	snop  }
0x45: {  	[sflag:s13] =	ssyncset.done $0x0  }
0x46: {  	s19 =	smov.u32 s8;
	[sflag:s13] =	ssyncadd.s32 $0xFFFFFC00  }
0x47: {  	_ = 	snop  }
.LBB2_10:
0x48: {  	_ =	sfence.sel $0x180000  }
0x49: {  	[bflag:$0x0] =	sbarrier.arrive $0xFFFF  }
0x4a: {  	p0 =	sne.s32 s0, $0x0;
	_ =	strace $0x90000047  }
0x4b: {  	s0 =	sadd.s32 @!p0 $0x100000, s1;
	[bflag:$0x2] =	sbarrier.arrive $0xFFFF  }
0x4c: {  	[sflag:s0] =	ssyncadd.tile.s32 @!p0 $0x1;
	_ =	shalt  }
.Lfunc_end2:
_tile_overlayer_lowered:
.L_overlay_start_2:
0x4d: {  	(tag) =	ssettag $0x2  }
0x4e: {  	s0 =	rddreg [dreg:$0x0];
	s2 =	stileid.u32  }
0x4f: {  	s1 =	rddreg [dreg:$0x1];
	p0 =	sne.s32 s2, $0x0  }
0x50: {  	s3 =	rddreg [dreg:$0x2];
	[bflag:$0x3] =	sbarrier.arrive $0xFFFF;
	s2 =	simm.s32 @!p0 $0x1C01  }
0x51: {  	[timem:s3], [sflag:s2] =	dma.local @!p0 [hbm:s0], s1  }
0x52: {  	s0 =	simm.s32 @!p0 $0x1  }
0x53: {  	_ =	swait.ge @!p0 [sflag:s0], s1  }
0x54: {  	s1 =	ssub.s32 @!p0 $0x0, s1;
	[sflag:s0] =	ssyncset.done @!p0 $0x0  }
0x55: {  	[sflag:s0] =	ssyncadd.s32 @!p0 s1  }
0x56: {  	[bflag:$0x3] =	sbarrier.arrive $0xFFFF  }
0x57: {  	_ =	shalt  }

// kernel: kernel.9.cloned.1.call-start
scs
__scs_entry_jumppad:
0x0: {  	(pc) =	sbr.rel $0x88, $3  }
0x1: {  	(tag) =	ssettag $0x0;
	lr =	simm.s32 $0x1  }
0x2: {  	[smem:$0x3F9C] =	sst lr;
	_ =	strace $0xD0000000  }
0x3: {  	_ = 	snop  }
0x4: {  	_ = 	snop  }
0x5: {  	_ = 	snop  }
0x6: {  	_ = 	snop  }
0x7: {  	_ = 	snop  }
__scs_overlays_trampoline_lowered:
0x8: {  	[smem:$0x3FAB] =	sst s0  }
0x9: {  	[smem:$0x3FAC] =	sst s1  }
0xa: {  	[smem:$0x3FAD] =	sst s2  }
0xb: {  	[smem:$0x3FAE] =	sst s3  }
0xc: {  	[smem:$0x3FAF] =	sst s4  }
0xd: {  	[smem:$0x3FB0] =	sst s5  }
0xe: {  	[smem:$0x3FB1] =	sst s6  }
0xf: {  	[smem:$0x3FB2] =	sst s7  }
0x10: {  	[smem:$0x3FB3] =	sst s8  }
0x11: {  	[smem:$0x3FB4] =	sst s9;
	s0 =	simm.s32 @!p0 $0x0  }
0x12: {  	s1 =	sld [smem:$0x3F9A];
	s0 =	simm.s32 @p0 $0x1  }
0x13: {  	[smem:$0x3FB5] =	sst s0;
	s0 =	simm.s32 @!p1 $0x0  }
0x14: {  	s2 =	sld [smem:$0x3F99];
	s0 =	simm.s32 @p1 $0x1  }
0x15: {  	[smem:$0x3FB6] =	sst s0;
	s0 =	simm.s32 @!p2 $0x0  }
0x16: {  	s3 =	sld [smem:$0x3FDB];
	s0 =	simm.s32 @p2 $0x1  }
0x17: {  	s4 =	simm.s32 $0x1BF5;
	[smem:$0x3FB8] =	sst s0  }
0x18: {  	s0 =	sld [smem:$0x3F9B];
	_ =	swait.ge [sflag:s4], $0x0  }
0x19: {  	s7 =	sld [smem:$0x3F9C]  }
0x1a: {  	s8 =	sadd.s32 $0xFFFFE003, lr  }
0x1b: {  	s9 =	sadd.s32 $0xFFFFFEF7, lr;
	s5 =	simm.s32 $0xFFFFFFFF;
	p2 =	slt.u32 s8, $0xFFFFF086  }
0x1c: {  	p1 =	slt.u32 s9, $0xF7A;
	s5 =	simm.s32 @!p2 $0x0  }
0x1d: {  	s5 =	simm.s32 @p1 $0x1;
	p0 =	seq.s32 s7, s2  }
0x1e: {  	s7 =	smul.u32 @!p0 $0xF7A, s2;
	p2 =	seq.s32 @!p0 s5, $0x0  }
0x1f: {  	s9 =	smul.u32 $0xF7A, s1;
	s8 =	simm.s32 @!p0 $0x1BF5;
	p2 =	por !p2, p0  }
0x20: {  	[sflag:s8] =	ssyncset.s32 @!p0 $0xFFFFF086;
	s6 =	sadd.s32 @!p0 s3, s7;
	s7 =	simm.s32 @!p0 $0x108  }
0x21: {  	s3 =	sadd.s32 s3, s9;
	s6 =	sadd.s32 @!p0 $0x88, s6;
	s7 =	simm.s32 @p2 $0x1082  }
0x22: {  	[simem:s7], [sflag:s8] =	dma.local @!p0 [hbm:s6], $0xF7A  }
0x23: {  	s9 =	sor.u32 $0xD0000000, s2;
	s6 =	simm.s32 $0x108;
	_ =	swait.ge @!p0 [sflag:s8], $0x0  }
0x24: {  	s3 =	sadd.s32 $0x88, s3;
	s6 =	simm.s32 @!p1 $0x1082;
	[sflag:s4] =	ssyncset.s32 $0xFFFFF086  }
0x25: {  	[simem:s6], [sflag:s4] =	dma.local [hbm:s3], $0xF7A  }
0x26: {  	[smem:$0x3F9C] =	sst s1;
	(tag) =	ssettag s2;
	_ =	strace s9  }
0x27: {  	s1 =	sld [smem:$0x3FAC]  }
0x28: {  	s2 =	sld [smem:$0x3FAD]  }
0x29: {  	s4 =	sld [smem:$0x3FAF]  }
0x2a: {  	p0 =	seq.s32 s5, $0x0;
	s5 =	sld [smem:$0x3FB0]  }
0x2b: {  	s6 =	sld [smem:$0x3FB1]  }
0x2c: {  	s7 =	sld [smem:$0x3FB2]  }
0x2d: {  	s3 =	simm.s32 $0x108;
	s8 =	sld [smem:$0x3FB3]  }
0x2e: {  	s3 =	simm.s32 @!p0 $0x1082;
	s9 =	sld [smem:$0x3FB4]  }
0x2f: {  	lr =	sadd.s32 s0, s3;
	s0 =	sld [smem:$0x3FAB]  }
0x30: {  	s3 =	sld [smem:$0x3FAE]  }
0x31: {  	[smem:$0x3FB7] =	sst s10  }
0x32: {  	s10 =	sld [smem:$0x3FB5];
	_ =	sdelay $0x3  }
0x33: {  	p0 =	seq.s32 s10, $0x1;
	s10 =	sld [smem:$0x3FB7];
	_ =	sdelay $0x3  }
0x34: {  	[smem:$0x3FB7] =	sst s10  }
0x35: {  	s10 =	sld [smem:$0x3FB6];
	_ =	sdelay $0x3  }
0x36: {  	p1 =	seq.s32 s10, $0x1;
	s10 =	sld [smem:$0x3FB7];
	_ =	sdelay $0x3  }
0x37: {  	[smem:$0x3FB7] =	sst s10  }
0x38: {  	s10 =	sld [smem:$0x3FB8]  }
0x39: {  	_ = 	snop;
	(pc) =	sbr.ind lr, $3  }
0x3a: {  	_ = 	snop  }
0x3b: {  	_ = 	snop  }
0x3c: {  	p2 =	seq.s32 s10, $0x1;
	s10 =	sld [smem:$0x3FB7]  }
0x3d: {  	_ =	shalt  }
0x3e: {  	_ =	shalt  }
0x3f: {  	_ =	shalt  }
0x40: {  	_ =	shalt  }
0x41: {  	_ =	shalt  }
0x42: {  	_ =	shalt  }
0x43: {  	_ =	shalt  }
0x44: {  	_ =	shalt  }
0x45: {  	_ =	shalt  }
0x46: {  	_ =	shalt  }
0x47: {  	_ =	shalt  }
0x48: {  	_ =	shalt  }
0x49: {  	_ =	shalt  }
0x4a: {  	_ =	shalt  }
0x4b: {  	_ =	shalt  }
0x4c: {  	_ =	shalt  }
0x4d: {  	_ =	shalt  }
0x4e: {  	_ =	shalt  }
0x4f: {  	_ =	shalt  }
0x50: {  	_ =	shalt  }
0x51: {  	_ =	shalt  }
0x52: {  	_ =	shalt  }
0x53: {  	_ =	shalt  }
0x54: {  	_ =	shalt  }
0x55: {  	_ =	shalt  }
0x56: {  	_ =	shalt  }
0x57: {  	_ =	shalt  }
0x58: {  	_ =	shalt  }
0x59: {  	_ =	shalt  }
0x5a: {  	_ =	shalt  }
0x5b: {  	_ =	shalt  }
0x5c: {  	_ =	shalt  }
0x5d: {  	_ =	shalt  }
0x5e: {  	_ =	shalt  }
0x5f: {  	_ =	shalt  }
0x60: {  	_ =	shalt  }
0x61: {  	_ =	shalt  }
0x62: {  	_ =	shalt  }
0x63: {  	_ =	shalt  }
0x64: {  	_ =	shalt  }
0x65: {  	_ =	shalt  }
0x66: {  	_ =	shalt  }
0x67: {  	_ =	shalt  }
0x68: {  	_ =	shalt  }
0x69: {  	_ =	shalt  }
0x6a: {  	_ =	shalt  }
0x6b: {  	_ =	shalt  }
0x6c: {  	_ =	shalt  }
0x6d: {  	_ =	shalt  }
0x6e: {  	_ =	shalt  }
0x6f: {  	_ =	shalt  }
0x70: {  	_ =	shalt  }
0x71: {  	_ =	shalt  }
0x72: {  	_ =	shalt  }
0x73: {  	_ =	shalt  }
0x74: {  	_ =	shalt  }
0x75: {  	_ =	shalt  }
0x76: {  	_ =	shalt  }
0x77: {  	_ =	shalt  }
0x78: {  	_ =	shalt  }
0x79: {  	_ =	shalt  }
0x7a: {  	_ =	shalt  }
0x7b: {  	_ =	shalt  }
0x7c: {  	_ =	shalt  }
0x7d: {  	_ =	shalt  }
0x7e: {  	_ =	shalt  }
0x7f: {  	_ =	shalt  }
0x80: {  	_ =	shalt  }
0x81: {  	_ =	shalt  }
0x82: {  	_ =	shalt  }
0x83: {  	_ =	shalt  }
0x84: {  	_ =	shalt  }
0x85: {  	_ =	shalt  }
0x86: {  	_ =	shalt  }
0x87: {  	_ =	shalt  }
.Lfunc_end0:
.L_simem_size_0:
called_computation.1_lowered:
.L_overlay_start_0:
0x88: {  	s2 =	sld [smem:$0x3FD9]  }
0x89: {  	s3 =	sld [smem:$0x3FFE];
	_ =	sdelay $0x1  }
0x8a: {  	s1 =	srdreg.scid  }
0x8b: {  	s0 =	sand.u32 $0x1, s1  }
0x8c: {  	s17 =	sshll.u32 s0, $0xA;
	s2 =	sadd.s32 s3, s2  }
0x8d: {  	s2 =	sadd.s32 s2, s17  }
0x8e: {  	[smem:$0x3FC3] =	sst s2  }
0x8f: {  	_ = 	snop  }
0x90: {  	s2 =	sld [smem:$0x3FD0];
	(tm) =	ssettm $0x1  }
0x91: {  	s18 =	sld [smem:$0x3FFB];
	_ =	sdelay $0x3  }
0x92: {  	_ =	strace s18  }
0x93: {  	s3 =	sld [smem:$0x3FFC];
	_ =	sdelay $0x3  }
0x94: {  	_ =	strace s3  }
0x95: {  	s3 =	sld [smem:$0x3FFD];
	_ =	sdelay $0x3  }
0x96: {  	_ =	strace s3  }
0x97: {  	_ =	strace $0x8FFFFFFF  }
0x98: {  	s19 =	sld [smem:$0x3FDB];
	_ =	sdelay $0x1  }
0x99: {  	s4 =	simm.s32 $_scs_section_size  }
0x9a: {  	s5 =	simm.s32 $_size__tile_overlayer_lowered;
	s6 =	simm.s32 $_tile_overlayer_lowered  }
0x9b: {  	s22 =	simm.s32 $0x1BFF;
	s21 =	sshll.u32 s6, $0x1;
	s3 =	sadd.s32 s4, s19  }
0x9c: {  	s7 =	simm.s32 $0x0;
	s20 =	sshll.u32 s5, $0x1;
	s5 =	sadd.s32 s21, s3  }
0x9d: {  	[timem:s7], [sflag:s22] =	dma.local [hbm:s5], s20  }
0x9e: {  	_ =	swait.ge [sflag:s22], s20  }
0x9f: {  	s4 =	ssub.s32 $0x0, s20;
	[sflag:s22] =	ssyncset.done $0x0  }
0xa0: {  	[sflag:s22] =	ssyncadd.s32 s4;
	_ =	sdelay $0x1  }
0xa1: {  	s23 =	simm.s32 $0x1B8B  }
0xa2: {  	_ =	swait.ge [sflag:s23], $0x1  }
0xa3: {  	[sflag:s23] =	ssyncset.done $0x0  }
0xa4: {  	s25 =	simm.s32 $0x1B8E;
	s24 =	sld [smem:$0x3FFE];
	[sflag:s23] =	ssyncadd.s32 $0xFFFFFFFF  }
0xa5: {  	s26 =	simm.s32 $execute0_lowered;
	[smem:$0x3FD2] =	sst s25  }
0xa6: {  	s5 =	sshll.u32 s26, $0x1;
	_ =	strace $0x80000049;
	[dreg:$0x1] =	wrdreg $0xFFFFFFFF  }
0xa7: {  	s28 =	simm.s32 $_size_execute0_lowered;
	s3 =	sadd.s32 s3, s5;
	[dreg:$0x0] =	wrdreg $0x0  }
0xa8: {  	s5 =	sshll.u32 s28, $0x1;
	[dreg:$0x2] =	wrdreg s3  }
0xa9: {  	[dreg:$0x3] =	wrdreg s5  }
0xaa: {  	[dreg:$0x4] =	wrdreg $0xC0  }
0xab: {  	_ =	task [dreg:s7], $0x5FFFF  }
0xac: {  	[dreg:$0x1] =	wrdreg $0xFFFFFFFF  }
0xad: {  	[dreg:$0x0] =	wrdreg $0x60  }
0xae: {  	[dreg:$0x2] =	wrdreg s24  }
0xaf: {  	[dreg:$0x3] =	wrdreg s2  }
0xb0: {  	[dreg:$0x4] =	wrdreg $0x0  }
0xb1: {  	[dreg:$0x5] =	wrdreg $0x4E200  }
0xb2: {  	[dreg:$0x6] =	wrdreg $0x9  }
0xb3: {  	_ =	task.clear_ibuf [dreg:s7], $0x7FFFF;
	_ =	strace $0x90000049  }
0xb4: {  	s29 =	simm.s32 $0x9;
	_ =	strace $0x8000004B  }
0xb5: {  	_ =	swait.ge [sflag:s29], $0x1  }
0xb6: {  	[sflag:s29] =	ssyncadd.s32 $0xFFFFFFFF  }
0xb7: {  	_ =	strace $0x9000004B  }
0xb8: {  	_ =	sfence  }
0xb9: {  	s30 =	sld [smem:$0x0];
	_ =	sdelay $0x2  }
0xba: {  	s31 =	sshll.u32 s1, $0xD;
	s1 =	sshrl.u32 s1, $0x2  }
0xbb: {  	s3 =	sand.u32 $0x4000, s31;
	s1 =	sadd.s32 s1, s30  }
0xbc: {  	s0 =	sor.u32 s3, s0;
	s1 =	sshll.u32 s1, $0x11  }
0xbd: {  	s0 =	sor.u32 s1, s0  }
0xbe: {  	s0 =	sadd.s32 $0x8F2B, s0  }
0xbf: {  	[sflag:s0] =	ssyncadd.remote.s32 $0x1  }
0xc0: {  	_ =	sfence.sel $0xFFFF  }
0xc1: {  	[dreg:$0x0] =	wrdreg $0xFFFFFFFF;
	(pc) =	sbr.abs _section_cstart, $3  }
0xc2: {  	[dreg:$0x1] =	wrdreg $0xFFFFFFFF  }
0xc3: {  	_ =	task.clear_ibuf [dreg:s7], $0x2FFFF;
	_ =	strace $0x9FFFFFFF  }
0xc4: {  	(tm) =	ssettm $0x7FFFFFFF  }
0xc5: {  	_ =	shalt  }
tec
execute0_lowered:
.L_overlay_start_1:
0x0: {  	(tag) =	ssettag $0x1  }
0x1: {  	s0 =	rddreg [dreg:$0x0]  }
0x2: {  	s1 =	rddreg [dreg:$0x1]  }
0x3: {  	s2 =	rddreg [dreg:$0x2]  }
0x4: {  	s3 =	rddreg [dreg:$0x3]  }
0x5: {  	s4 =	simm.s32 $0x0;
	s17 =	stileid.u32;
	s10 =	srdreg.scid  }
0x6: {  	s29 =	simm.s32 $0xD;
	s18 =	simm.s32 $0x15230;
	s28 =	simm.s32 $0x4  }
0x7: {  	s31 =	simm.s32 $0x5;
	[smem:$0x7FF] =	sst s4;
	s19 =	smul.u32 $0x9C, s17  }
0x8: {  	s7 =	smax.u32 s17, $0xC;
	s5 =	sadd.s32 $0x1CA00, s0;
	s9 =	smul.u32 $0x9C40, s17  }
0x9: {  	s6 =	sadd.s32 $0x12C00, s0;
	s8 =	sadd.s32 $0x26800, s0;
	s12 =	smul.u32 $0x4E20, s17  }
0xa: {  	s10 =	sand.u32 $0x1, s10;
	s13 =	sadd.s32 $0x11C00, s0;
	s20 =	sadd.s32 $0x12600, s0  }
0xb: {  	s22 =	sshll.u32 s17, $0x6;
	p1 =	slt.u32 s17, $0xC;
	p2 =	sgt.u32 s17, $0xB  }
0xc: {  	s17 =	simm.s32 $0x7;
	_ =	strace $0x8000004A;
	[dreg:$0x5] =	wrdreg s13  }
0xd: {  	[dreg:$0x6] =	wrdreg s20;
	s21 =	ssub.s32 $0x2, s10;
	p0 =	seq.s32 s10, $0x1  }
0xe: {  	s10 =	simm.s32 $0x16230;
	s20 =	simm.s32 $0xC;
	s4 =	sadd.s32 s19, s7  }
0xf: {  	s7 =	sadd.s32 $0x2B800, s0;
	s14 =	sshrl.u32 s9, $0x4;
	s15 =	sshrl.u32 s12, $0x4  }
0x10: {  	s16 =	sshrl.u32 s21, $0x1;
	s9 =	sshrl.u32 s9, $0x1;
	s12 =	sshrl.u32 s12, $0x1  }
0x11: {  	s19 =	simm.s32 $0x3;
	s4 =	sshll.u32 s4, $0x4;
	s14 =	sadd.s32 s14, s0  }
0x12: {  	s13 =	ssub.s32 s21, s16;
	s9 =	sadd.s32 s9, s2;
	s21 =	sor.u32 $0x1C0D, s22  }
0x13: {  	s12 =	sadd.s32 s12, s3;
	s16 =	simm.s32 $0x18A30;
	s22 =	simm.s32 $0xB  }
0x14: {  	s4 =	sadd.s32 $0xFFFFFF40, s4;
	[dreg:$0x8] =	wrdreg s12;
	s24 =	sadd.s32 $0x30800, s14  }
0x15: {  	s26 =	sadd.s32 $0x3A600, s14;
	s30 =	smax.u32 s13, $0x1;
	[dreg:$0x7] =	wrdreg s21  }
0x16: {  	s12 =	simm.s32 $0x19A30;
	s13 =	simm.s32 $0x1;
	[dreg:$0xb] =	wrdreg s24  }
0x17: {  	s14 =	simm.s32 $0x2;
	s11 =	sadd.s32 s4, s0;
	[dreg:$0xd] =	wrdreg s26  }
0x18: {  	s0 =	sadd.s32 s15, s0;
	s1 =	sadd.s32 s1, s4;
	[dreg:$0xf] =	wrdreg s30  }
0x19: {  	s24 =	simm.s32 $0x80;
	s26 =	simm.s32 $0x17230;
	s4 =	simm.s32 $0x19230  }
.Ltmp0:
0x1a: {  	s23 =	sadd.s32 $0x2800, s11;
	[dreg:$0xa] =	wrdreg s1;
	(pc) =	sbr.rel .LBB2_1-.Ltmp0, $4  }
0x1b: {  	s15 =	simm.s32 $0x0;
	s25 =	sadd.s32 $0x49400, s0;
	[dreg:$0x9] =	wrdreg s23  }
0x1c: {  	s0 =	sadd.s32 $0x44400, s0;
	s1 =	sshrl.u32 s9, $0x3;
	[dreg:$0xc] =	wrdreg s25  }
0x1d: {  	s11 =	simm.s32 $0x7530;
	s9 =	simm.s32 $0x9;
	[dreg:$0xe] =	wrdreg s0  }
0x1e: {  	s25 =	simm.s32 $0x11230;
	s23 =	simm.s32 $0x6;
	[dreg:$0x10] =	wrdreg s1  }
.LBB2_10:
0x1f: {  	s0 =	simm.s32 $0xC330  }
0x20: {  	[tilespmem:s25], [sflag:$0x1] =	stream.indirect.gather [hbm4b:s29+s24], $0x20, s0, s24, $0xb8;
	[tilespmem:$0x1A230] =	vst v63  }
0x21: {  	_ = 	snop  }
0x22: {  	[tilespmem:s26], [sflag:$0x1] =	stream.indirect.gather [hbm4b:s30+s24], $0x10, s0, s24, $0xb8;
	[tilespmem:$0x1A230] =	vst v63  }
0x23: {  	_ =	swait.ge [sflag:s13], $0x1000  }
0x24: {  	[sflag:s13] =	ssyncset.done $0x0  }
0x25: {  	[sflag:s13] =	ssyncadd.s32 $0xFFFFF000  }
0x26: {  	_ =	swait.ge [sflag:s13], $0x800  }
0x27: {  	[sflag:s13] =	ssyncset.done $0x0  }
0x28: {  	s30 =	simm.s32 $0x111B0;
	[sflag:s13] =	ssyncadd.s32 $0xFFFFF800  }
0x29: {  	[spmem:s2] =	stream.indirect.scatter.add.bf16 [tilespmem:s25], [sflag:$0x7], $0x20, s30, s24, $0xb8;
	[tilespmem:$0x1A230] =	vst v63  }
0x2a: {  	_ = 	snop  }
0x2b: {  	[spmem:s3] =	stream.indirect.scatter.add.s16 [tilespmem:s26], [sflag:$0x7], $0x10, s30, s24, $0xb8;
	[tilespmem:$0x1A230] =	vst v63  }
0x2c: {  	_ =	swait.ge [sflag:s17], $0x1000  }
0x2d: {  	[sflag:s17] =	ssyncset.done $0x0  }
0x2e: {  	[sflag:s17] =	ssyncadd.s32 $0xFFFFF000  }
0x2f: {  	_ =	swait.ge [sflag:s17], $0x800  }
0x30: {  	[sflag:s17] =	ssyncset.done $0x0  }
0x31: {  	[sflag:s17] =	ssyncadd.s32 $0xFFFFF800  }
.LBB2_11:
0x32: {  	[bflag:$0x0] =	sbarrier.arrive $0xFFFF  }
0x33: {  	s0 =	rddreg [dreg:$0x7]  }
0x34: {  	s29 =	simm.s32 $0xD;
	s1 =	rddreg [dreg:$0x10]  }
0x35: {  	[hbm:s21], [sflag:s0] =	dma.local [spmem:s1], $0x9C4  }
0x36: {  	_ =	swait.ge [sflag:s29], $0x9C4  }
0x37: {  	[sflag:s29] =	ssyncset.done $0x0  }
0x38: {  	s21 =	smov.u32 s0;
	s30 =	rddreg [dreg:$0x12];
	[sflag:s29] =	ssyncadd.s32 $0xFFFFF63C  }
0x39: {  	[hbm:s11], [sflag:s21] =	dma.local [spmem:s30], $0x4E2  }
0x3a: {  	_ =	swait.ge [sflag:s29], $0x4E2  }
0x3b: {  	s15 =	sadd.s32 $0x1, s15;
	s30 =	rddreg [dreg:$0xf]  }
0x3c: {  	p3 =	sne.s32 s15, s30  }
.Ltmp1:
0x3d: {  	_ = 	snop;
	(pc) =	sbr.rel @!p3 .LBB2_12-.Ltmp1, $3  }
0x3e: {  	_ =	sdelay $0x1  }
0x3f: {  	[sflag:s29] =	ssyncset.done $0x0  }
0x40: {  	s11 =	simm.s32 $0x7530;
	[sflag:s29] =	ssyncadd.s32 $0xFFFFFB1E  }
.LBB2_1:
0x41: {  	[dreg:$0x11] =	wrdreg s15  }
0x42: {  	s0 =	rddreg [dreg:$0x5]  }
0x43: {  	[spmem:s1], [sflag:s21] =	dma.local [hbm:s0], $0x9C4  }
0x44: {  	_ =	swait.ge [sflag:s29], $0x9C4  }
0x45: {  	s1 =	rddreg [dreg:$0x8]  }
0x46: {  	[sflag:s29] =	ssyncset.done $0x0;
	s30 =	rddreg [dreg:$0x6];
	s15 =	sshrl.u32 s1, $0x3  }
0x47: {  	[sflag:s29] =	ssyncadd.s32 $0xFFFFF63C;
	[dreg:$0x12] =	wrdreg s15  }
0x48: {  	[spmem:s15], [sflag:s21] =	dma.local [hbm:s30], $0x4E2  }
0x49: {  	_ =	swait.ge [sflag:s29], $0x4E2  }
0x4a: {  	[sflag:s29] =	ssyncset.done $0x0  }
0x4b: {  	[sflag:s29] =	ssyncadd.s32 $0xFFFFFB1E  }
0x4c: {  	[bflag:$0x0] =	sbarrier.arrive $0xFFFF  }
0x4d: {  	s0 =	simm.s32 $0x0;
	s15 =	rddreg [dreg:$0x9]  }
0x4e: {  	[tilespmem:s11], [sflag:$0xD] =	stream.linear.gather [hbm4b:s15+s0], $0x4E80, $0x38;
	[tilespmem:$0x1A230] =	vst v63  }
0x4f: {  	_ =	swait.ge [sflag:s29], $0x4E80  }
0x50: {  	s30 =	simm.s32 $0xC3B0;
	[sflag:s29] =	ssyncset.done $0x0  }
.Ltmp2:
0x51: {  	s21 =	rddreg [dreg:$0xa];
	[sflag:s29] =	ssyncadd.s32 $0xFFFFB180;
	(pc) =	sbr.rel @!p0 .LBB2_2-.Ltmp2, $4  }
0x52: {  	[tilespmem:s30], [sflag:$0xD] =	stream.linear.gather [hbm4b:s21+s0], $0x4E80, $0x38;
	[tilespmem:$0x1A230] =	vst v63  }
0x53: {  	_ =	swait.ge [sflag:s29], $0x4E80  }
0x54: {  	[sflag:s29] =	ssyncset.done $0x0  }
0x55: {  	[sflag:s29] =	ssyncadd.s32 $0xFFFFB180  }
0x56: {  	[tilespmem:s25], [sflag:$0x1] =	stream.indirect.gather [hbm4b:s6+s24], $0x20, s11, s24, $0xb8;
	[tilespmem:$0x1A230] =	vst v63  }
0x57: {  	_ = 	snop  }
0x58: {  	[tilespmem:s26], [sflag:$0x1] =	stream.indirect.gather [hbm4b:s8+s24], $0x10, s11, s24, $0xb8;
	[tilespmem:$0x1A230] =	vst v63  }
0x59: {  	s0 =	simm.s32 $0x75B0;
	s1 =	simm.s32 $0x12230  }
0x5a: {  	[tilespmem:s1], [sflag:$0x2] =	stream.indirect.gather [hbm4b:s6+s24], $0x20, s0, s24, $0xb8;
	[tilespmem:$0x1A230] =	vst v63  }
0x5b: {  	s29 =	simm.s32 $0x17A30  }
0x5c: {  	[tilespmem:s29], [sflag:$0x2] =	stream.indirect.gather [hbm4b:s8+s24], $0x10, s0, s24, $0xb8;
	[tilespmem:$0x1A230] =	vst v63  }
0x5d: {  	s30 =	simm.s32 $0x7630;
	s11 =	simm.s32 $0x13230  }
0x5e: {  	[tilespmem:s11], [sflag:$0x3] =	stream.indirect.gather [hbm4b:s6+s24], $0x20, s30, s24, $0xb8;
	[tilespmem:$0x1A230] =	vst v63  }
0x5f: {  	s15 =	simm.s32 $0x18230  }
0x60: {  	[tilespmem:s15], [sflag:$0x3] =	stream.indirect.gather [hbm4b:s8+s24], $0x10, s30, s24, $0xb8;
	[tilespmem:$0x1A230] =	vst v63  }
0x61: {  	s21 =	simm.s32 $0x76B0;
	s15 =	simm.s32 $0x14230  }
0x62: {  	[tilespmem:s15], [sflag:$0x4] =	stream.indirect.gather [hbm4b:s6+s24], $0x20, s21, s24, $0xb8;
	[tilespmem:$0x1A230] =	vst v63  }
0x63: {  	_ = 	snop  }
0x64: {  	[tilespmem:s16], [sflag:$0x4] =	stream.indirect.gather [hbm4b:s8+s24], $0x10, s21, s24, $0xb8;
	[tilespmem:$0x1A230] =	vst v63  }
0x65: {  	s29 =	simm.s32 $0x7730  }
0x66: {  	[tilespmem:s18], [sflag:$0x5] =	stream.indirect.gather [hbm4b:s6+s24], $0x20, s29, s24, $0xb8;
	[tilespmem:$0x1A230] =	vst v63  }
0x67: {  	_ = 	snop  }
0x68: {  	[tilespmem:s4], [sflag:$0x5] =	stream.indirect.gather [hbm4b:s8+s24], $0x10, s29, s24, $0xb8;
	[tilespmem:$0x1A230] =	vst v63  }
0x69: {  	s30 =	simm.s32 $0x77B0  }
0x6a: {  	[tilespmem:s10], [sflag:$0x6] =	stream.indirect.gather [hbm4b:s6+s24], $0x20, s30, s24, $0xb8;
	[tilespmem:$0x1A230] =	vst v63  }
0x6b: {  	s11 =	simm.s32 $0x0  }
0x6c: {  	[tilespmem:s12], [sflag:$0x6] =	stream.indirect.gather [hbm4b:s8+s24], $0x10, s30, s24, $0xb8;
	[tilespmem:$0x1A230] =	vst v63  }
.LBB2_7:
0x6d: {  	_ =	swait.ge [sflag:s13], $0x1000  }
0x6e: {  	[sflag:s13] =	ssyncset.done $0x0  }
0x6f: {  	[sflag:s13] =	ssyncadd.s32 $0xFFFFF000  }
0x70: {  	_ =	swait.ge [sflag:s13], $0x800  }
0x71: {  	s21 =	sshra.s32 s11, $0x2;
	[sflag:s13] =	ssyncset.done $0x0  }
0x72: {  	s0 =	sadd.s32 $0xC3B0, s21;
	[sflag:s13] =	ssyncadd.s32 $0xFFFFF800  }
0x73: {  	[spmem:s2] =	stream.indirect.scatter.add.bf16 [tilespmem:s25], [sflag:$0x7], $0x20, s0, s24, $0xb8;
	[tilespmem:$0x1A230] =	vst v63  }
0x74: {  	_ = 	snop  }
0x75: {  	[spmem:s3] =	stream.indirect.scatter.add.s16 [tilespmem:s26], [sflag:$0x7], $0x10, s0, s24, $0xb8;
	[tilespmem:$0x1A230] =	vst v63  }
0x76: {  	_ =	swait.ge [sflag:s14], $0x1000  }
0x77: {  	[sflag:s14] =	ssyncset.done $0x0  }
0x78: {  	[sflag:s14] =	ssyncadd.s32 $0xFFFFF000  }
0x79: {  	_ =	swait.ge [sflag:s14], $0x800  }
0x7a: {  	[sflag:s14] =	ssyncset.done $0x0  }
0x7b: {  	s1 =	simm.s32 $0x12230;
	s29 =	sadd.s32 $0xC430, s21;
	[sflag:s14] =	ssyncadd.s32 $0xFFFFF800  }
0x7c: {  	[spmem:s2] =	stream.indirect.scatter.add.bf16 [tilespmem:s1], [sflag:$0x8], $0x20, s29, s24, $0xb8;
	[tilespmem:$0x1A230] =	vst v63  }
0x7d: {  	s30 =	simm.s32 $0x17A30  }
0x7e: {  	[spmem:s3] =	stream.indirect.scatter.add.s16 [tilespmem:s30], [sflag:$0x8], $0x10, s29, s24, $0xb8;
	[tilespmem:$0x1A230] =	vst v63  }
0x7f: {  	_ =	swait.ge [sflag:s19], $0x1000  }
0x80: {  	[sflag:s19] =	ssyncset.done $0x0  }
0x81: {  	[sflag:s19] =	ssyncadd.s32 $0xFFFFF000  }
0x82: {  	_ =	swait.ge [sflag:s19], $0x800  }
0x83: {  	[sflag:s19] =	ssyncset.done $0x0  }
0x84: {  	s0 =	sadd.s32 $0xC4B0, s21;
	s29 =	simm.s32 $0x13230;
	[sflag:s19] =	ssyncadd.s32 $0xFFFFF800  }
0x85: {  	[spmem:s2] =	stream.indirect.scatter.add.bf16 [tilespmem:s29], [sflag:$0x9], $0x20, s0, s24, $0xb8;
	[tilespmem:$0x1A230] =	vst v63  }
0x86: {  	s30 =	simm.s32 $0x18230  }
0x87: {  	[spmem:s3] =	stream.indirect.scatter.add.s16 [tilespmem:s30], [sflag:$0x9], $0x10, s0, s24, $0xb8;
	[tilespmem:$0x1A230] =	vst v63  }
0x88: {  	_ =	swait.ge [sflag:s28], $0x1000  }
0x89: {  	[sflag:s28] =	ssyncset.done $0x0  }
0x8a: {  	[sflag:s28] =	ssyncadd.s32 $0xFFFFF000  }
0x8b: {  	_ =	swait.ge [sflag:s28], $0x800  }
0x8c: {  	[sflag:s28] =	ssyncset.done $0x0  }
0x8d: {  	s1 =	sadd.s32 $0xC530, s21;
	[sflag:s28] =	ssyncadd.s32 $0xFFFFF800  }
0x8e: {  	[spmem:s2] =	stream.indirect.scatter.add.bf16 [tilespmem:s15], [sflag:$0xA], $0x20, s1, s24, $0xb8;
	[tilespmem:$0x1A230] =	vst v63  }
0x8f: {  	_ = 	snop  }
0x90: {  	[spmem:s3] =	stream.indirect.scatter.add.s16 [tilespmem:s16], [sflag:$0xA], $0x10, s1, s24, $0xb8;
	[tilespmem:$0x1A230] =	vst v63  }
0x91: {  	_ =	swait.ge [sflag:s31], $0x1000  }
0x92: {  	[sflag:s31] =	ssyncset.done $0x0  }
0x93: {  	[sflag:s31] =	ssyncadd.s32 $0xFFFFF000  }
0x94: {  	_ =	swait.ge [sflag:s31], $0x800  }
0x95: {  	[sflag:s31] =	ssyncset.done $0x0  }
0x96: {  	s29 =	sadd.s32 $0xC5B0, s21;
	[sflag:s31] =	ssyncadd.s32 $0xFFFFF800  }
0x97: {  	[spmem:s2] =	stream.indirect.scatter.add.bf16 [tilespmem:s18], [sflag:$0xB], $0x20, s29, s24, $0xb8;
	[tilespmem:$0x1A230] =	vst v63  }
0x98: {  	_ = 	snop  }
0x99: {  	[spmem:s3] =	stream.indirect.scatter.add.s16 [tilespmem:s4], [sflag:$0xB], $0x10, s29, s24, $0xb8;
	[tilespmem:$0x1A230] =	vst v63  }
0x9a: {  	_ =	swait.ge [sflag:s23], $0x1000  }
0x9b: {  	[sflag:s23] =	ssyncset.done $0x0  }
0x9c: {  	[sflag:s23] =	ssyncadd.s32 $0xFFFFF000  }
0x9d: {  	_ =	swait.ge [sflag:s23], $0x800  }
0x9e: {  	[sflag:s23] =	ssyncset.done $0x0  }
0x9f: {  	s30 =	sadd.s32 $0xC630, s21;
	[sflag:s23] =	ssyncadd.s32 $0xFFFFF800  }
0xa0: {  	[spmem:s2] =	stream.indirect.scatter.add.bf16 [tilespmem:s10], [sflag:$0xC], $0x20, s30, s24, $0xb8;
	[tilespmem:$0x1A230] =	vst v63  }
0xa1: {  	_ = 	snop  }
0xa2: {  	[spmem:s3] =	stream.indirect.scatter.add.s16 [tilespmem:s12], [sflag:$0xC], $0x10, s30, s24, $0xb8;
	[tilespmem:$0x1A230] =	vst v63  }
0xa3: {  	_ =	swait.ge [sflag:s17], $0x1000  }
0xa4: {  	[sflag:s17] =	ssyncset.done $0x0  }
0xa5: {  	[sflag:s17] =	ssyncadd.s32 $0xFFFFF000  }
0xa6: {  	_ =	swait.ge [sflag:s17], $0x800  }
0xa7: {  	p3 =	seq.s32 s11, $0x12C00;
	[sflag:s17] =	ssyncset.done $0x0  }
0xa8: {  	s0 =	simm.s32 @p3 $0x8;
	[sflag:s17] =	ssyncadd.s32 $0xFFFFF800  }
0xa9: {  	_ =	swait.ge @p3 [sflag:s0], $0x1000  }
0xaa: {  	[sflag:s0] =	ssyncset.done @p3 $0x0  }
0xab: {  	[sflag:s0] =	ssyncadd.s32 @p3 $0xFFFFF000  }
0xac: {  	_ =	swait.ge @p3 [sflag:s0], $0x800  }
0xad: {  	[sflag:s0] =	ssyncset.done @p3 $0x0  }
0xae: {  	[sflag:s0] =	ssyncadd.s32 @p3 $0xFFFFF800;
	s0 =	sshra.s32 @!p3 s11, $0x2  }
0xaf: {  	s29 =	simm.s32 @!p3 $0x80;
	s30 =	simm.s32 @!p3 $0x11230;
	s1 =	sadd.s32 @!p3 $0x7830, s0  }
0xb0: {  	[tilespmem:s30], [sflag:$0x1] =	stream.indirect.gather @!p3 [hbm4b:s6+s29], $0x20, s1, s29, $0xb8;
	[tilespmem:$0x1A230] =	vst v63  }
0xb1: {  	s30 =	simm.s32 @!p3 $0x17230  }
0xb2: {  	[tilespmem:s30], [sflag:$0x1] =	stream.indirect.gather @!p3 [hbm4b:s8+s29], $0x10, s1, s29, $0xb8;
	[tilespmem:$0x1A230] =	vst v63  }
0xb3: {  	s1 =	simm.s32 @!p3 $0x8  }
0xb4: {  	_ =	swait.ge @!p3 [sflag:s1], $0x1000  }
0xb5: {  	[sflag:s1] =	ssyncset.done @!p3 $0x0  }
0xb6: {  	[sflag:s1] =	ssyncadd.s32 @!p3 $0xFFFFF000  }
0xb7: {  	_ =	swait.ge @!p3 [sflag:s1], $0x800  }
0xb8: {  	[sflag:s1] =	ssyncset.done @!p3 $0x0  }
0xb9: {  	s30 =	simm.s32 @!p3 $0x12230;
	[sflag:s1] =	ssyncadd.s32 @!p3 $0xFFFFF800;
	s1 =	sadd.s32 @!p3 $0x78B0, s0  }
0xba: {  	[tilespmem:s30], [sflag:$0x2] =	stream.indirect.gather @!p3 [hbm4b:s6+s29], $0x20, s1, s29, $0xb8;
	[tilespmem:$0x1A230] =	vst v63  }
0xbb: {  	s30 =	simm.s32 @!p3 $0x17A30  }
0xbc: {  	[tilespmem:s30], [sflag:$0x2] =	stream.indirect.gather @!p3 [hbm4b:s8+s29], $0x10, s1, s29, $0xb8;
	[tilespmem:$0x1A230] =	vst v63  }
0xbd: {  	_ =	swait.ge [sflag:s9], $0x1000  }
0xbe: {  	[sflag:s9] =	ssyncset.done $0x0  }
0xbf: {  	[sflag:s9] =	ssyncadd.s32 $0xFFFFF000  }
0xc0: {  	_ =	swait.ge [sflag:s9], $0x800  }
0xc1: {  	[sflag:s9] =	ssyncset.done $0x0  }
0xc2: {  	s1 =	simm.s32 @p3 $0xA;
	[sflag:s9] =	ssyncadd.s32 $0xFFFFF800  }
0xc3: {  	_ =	swait.ge @p3 [sflag:s1], $0x1000  }
0xc4: {  	[sflag:s1] =	ssyncset.done @p3 $0x0  }
0xc5: {  	[sflag:s1] =	ssyncadd.s32 @p3 $0xFFFFF000  }
0xc6: {  	_ =	swait.ge @p3 [sflag:s1], $0x800  }
0xc7: {  	[sflag:s1] =	ssyncset.done @p3 $0x0  }
0xc8: {  	s30 =	simm.s32 @!p3 $0x13230;
	[sflag:s1] =	ssyncadd.s32 @p3 $0xFFFFF800;
	s1 =	sadd.s32 @!p3 $0x7930, s0  }
0xc9: {  	[tilespmem:s30], [sflag:$0x3] =	stream.indirect.gather @!p3 [hbm4b:s6+s29], $0x20, s1, s29, $0xb8;
	[tilespmem:$0x1A230] =	vst v63  }
0xca: {  	s30 =	simm.s32 @!p3 $0x18230  }
0xcb: {  	[tilespmem:s30], [sflag:$0x3] =	stream.indirect.gather @!p3 [hbm4b:s8+s29], $0x10, s1, s29, $0xb8;
	[tilespmem:$0x1A230] =	vst v63  }
0xcc: {  	s1 =	simm.s32 @!p3 $0xA  }
0xcd: {  	_ =	swait.ge @!p3 [sflag:s1], $0x1000  }
0xce: {  	[sflag:s1] =	ssyncset.done @!p3 $0x0  }
0xcf: {  	[sflag:s1] =	ssyncadd.s32 @!p3 $0xFFFFF000  }
0xd0: {  	_ =	swait.ge @!p3 [sflag:s1], $0x800  }
0xd1: {  	[sflag:s1] =	ssyncset.done @!p3 $0x0  }
0xd2: {  	s0 =	sadd.s32 @!p3 $0x79B0, s0;
	[sflag:s1] =	ssyncadd.s32 @!p3 $0xFFFFF800;
	s1 =	simm.s32 @!p3 $0x14230  }
0xd3: {  	[tilespmem:s1], [sflag:$0x4] =	stream.indirect.gather @!p3 [hbm4b:s6+s29], $0x20, s0, s29, $0xb8;
	[tilespmem:$0x1A230] =	vst v63  }
0xd4: {  	s1 =	simm.s32 @!p3 $0x18A30  }
0xd5: {  	[tilespmem:s1], [sflag:$0x4] =	stream.indirect.gather @!p3 [hbm4b:s8+s29], $0x10, s0, s29, $0xb8;
	[tilespmem:$0x1A230] =	vst v63  }
0xd6: {  	_ =	swait.ge [sflag:s22], $0x1000  }
.Ltmp3:
0xd7: {  	[sflag:s22] =	ssyncset.done $0x0;
	(pc) =	sbr.rel @p3 .LBB2_9-.Ltmp3, $4  }
0xd8: {  	[sflag:s22] =	ssyncadd.s32 $0xFFFFF000  }
0xd9: {  	_ =	swait.ge [sflag:s22], $0x800  }
0xda: {  	[sflag:s22] =	ssyncset.done $0x0  }
0xdb: {  	[sflag:s22] =	ssyncadd.s32 $0xFFFFF800  }
0xdc: {  	s0 =	sadd.s32 $0x7A30, s21  }
0xdd: {  	[tilespmem:s18], [sflag:$0x5] =	stream.indirect.gather [hbm4b:s6+s24], $0x20, s0, s24, $0xb8;
	[tilespmem:$0x1A230] =	vst v63  }
0xde: {  	_ = 	snop  }
0xdf: {  	[tilespmem:s4], [sflag:$0x5] =	stream.indirect.gather [hbm4b:s8+s24], $0x10, s0, s24, $0xb8;
	[tilespmem:$0x1A230] =	vst v63  }
0xe0: {  	_ =	swait.ge [sflag:s20], $0x1000  }
0xe1: {  	[sflag:s20] =	ssyncset.done $0x0  }
0xe2: {  	[sflag:s20] =	ssyncadd.s32 $0xFFFFF000  }
0xe3: {  	_ =	swait.ge [sflag:s20], $0x800  }
.Ltmp4:
0xe4: {  	[sflag:s20] =	ssyncset.done $0x0;
	(pc) =	sbr.rel .LBB2_7-.Ltmp4, $4  }
0xe5: {  	s30 =	sadd.s32 $0x7AB0, s21;
	[sflag:s20] =	ssyncadd.s32 $0xFFFFF800  }
0xe6: {  	[tilespmem:s10], [sflag:$0x6] =	stream.indirect.gather [hbm4b:s6+s24], $0x20, s30, s24, $0xb8;
	[tilespmem:$0x1A230] =	vst v63  }
0xe7: {  	s11 =	sadd.s32 $0xC00, s11  }
0xe8: {  	[tilespmem:s12], [sflag:$0x6] =	stream.indirect.gather [hbm4b:s8+s24], $0x10, s30, s24, $0xb8;
	[tilespmem:$0x1A230] =	vst v63  }
.LBB2_2:
0xe9: {  	[tilespmem:s25], [sflag:$0x1] =	stream.indirect.gather [hbm4b:s5+s24], $0x20, s11, s24, $0xb8;
	[tilespmem:$0x1A230] =	vst v63  }
0xea: {  	_ = 	snop  }
0xeb: {  	[tilespmem:s26], [sflag:$0x1] =	stream.indirect.gather [hbm4b:s7+s24], $0x10, s11, s24, $0xb8;
	[tilespmem:$0x1A230] =	vst v63  }
0xec: {  	s0 =	simm.s32 $0x75B0;
	s1 =	simm.s32 $0x12230  }
0xed: {  	[tilespmem:s1], [sflag:$0x2] =	stream.indirect.gather [hbm4b:s5+s24], $0x20, s0, s24, $0xb8;
	[tilespmem:$0x1A230] =	vst v63  }
0xee: {  	s29 =	simm.s32 $0x17A30  }
0xef: {  	[tilespmem:s29], [sflag:$0x2] =	stream.indirect.gather [hbm4b:s7+s24], $0x10, s0, s24, $0xb8;
	[tilespmem:$0x1A230] =	vst v63  }
0xf0: {  	s30 =	simm.s32 $0x7630;
	s11 =	simm.s32 $0x13230  }
0xf1: {  	[tilespmem:s11], [sflag:$0x3] =	stream.indirect.gather [hbm4b:s5+s24], $0x20, s30, s24, $0xb8;
	[tilespmem:$0x1A230] =	vst v63  }
0xf2: {  	s15 =	simm.s32 $0x18230  }
0xf3: {  	[tilespmem:s15], [sflag:$0x3] =	stream.indirect.gather [hbm4b:s7+s24], $0x10, s30, s24, $0xb8;
	[tilespmem:$0x1A230] =	vst v63  }
0xf4: {  	s21 =	simm.s32 $0x76B0;
	s15 =	simm.s32 $0x14230  }
0xf5: {  	[tilespmem:s15], [sflag:$0x4] =	stream.indirect.gather [hbm4b:s5+s24], $0x20, s21, s24, $0xb8;
	[tilespmem:$0x1A230] =	vst v63  }
0xf6: {  	_ = 	snop  }
0xf7: {  	[tilespmem:s16], [sflag:$0x4] =	stream.indirect.gather [hbm4b:s7+s24], $0x10, s21, s24, $0xb8;
	[tilespmem:$0x1A230] =	vst v63  }
0xf8: {  	s29 =	simm.s32 $0x7730  }
0xf9: {  	[tilespmem:s18], [sflag:$0x5] =	stream.indirect.gather [hbm4b:s5+s24], $0x20, s29, s24, $0xb8;
	[tilespmem:$0x1A230] =	vst v63  }
0xfa: {  	_ = 	snop  }
0xfb: {  	[tilespmem:s4], [sflag:$0x5] =	stream.indirect.gather [hbm4b:s7+s24], $0x10, s29, s24, $0xb8;
	[tilespmem:$0x1A230] =	vst v63  }
0xfc: {  	s30 =	simm.s32 $0x77B0  }
0xfd: {  	[tilespmem:s10], [sflag:$0x6] =	stream.indirect.gather [hbm4b:s5+s24], $0x20, s30, s24, $0xb8;
	[tilespmem:$0x1A230] =	vst v63  }
0xfe: {  	s11 =	simm.s32 $0x0  }
0xff: {  	[tilespmem:s12], [sflag:$0x6] =	stream.indirect.gather [hbm4b:s7+s24], $0x10, s30, s24, $0xb8;
	[tilespmem:$0x1A230] =	vst v63  }
.LBB2_3:
0x100: {  	_ =	swait.ge [sflag:s13], $0x1000  }
0x101: {  	[sflag:s13] =	ssyncset.done $0x0  }
0x102: {  	[sflag:s13] =	ssyncadd.s32 $0xFFFFF000  }
0x103: {  	_ =	swait.ge [sflag:s13], $0x800  }
0x104: {  	s21 =	sshra.s32 s11, $0x2;
	[sflag:s13] =	ssyncset.done $0x0  }
0x105: {  	s29 =	sadd.s32 $0xC3B0, s21;
	[sflag:s13] =	ssyncadd.s32 $0xFFFFF800  }
0x106: {  	[spmem:s2] =	stream.indirect.scatter.add.bf16 [tilespmem:s25], [sflag:$0x7], $0x20, s29, s24, $0xb8;
	[tilespmem:$0x1A230] =	vst v63  }
0x107: {  	_ = 	snop  }
0x108: {  	[spmem:s3] =	stream.indirect.scatter.add.s16 [tilespmem:s26], [sflag:$0x7], $0x10, s29, s24, $0xb8;
	[tilespmem:$0x1A230] =	vst v63  }
0x109: {  	_ =	swait.ge [sflag:s14], $0x1000  }
0x10a: {  	[sflag:s14] =	ssyncset.done $0x0  }
0x10b: {  	[sflag:s14] =	ssyncadd.s32 $0xFFFFF000  }
0x10c: {  	_ =	swait.ge [sflag:s14], $0x800  }
0x10d: {  	[sflag:s14] =	ssyncset.done $0x0  }
0x10e: {  	s0 =	simm.s32 $0x12230;
	s1 =	sadd.s32 $0xC430, s21;
	[sflag:s14] =	ssyncadd.s32 $0xFFFFF800  }
0x10f: {  	[spmem:s2] =	stream.indirect.scatter.add.bf16 [tilespmem:s0], [sflag:$0x8], $0x20, s1, s24, $0xb8;
	[tilespmem:$0x1A230] =	vst v63  }
0x110: {  	s30 =	simm.s32 $0x17A30  }
0x111: {  	[spmem:s3] =	stream.indirect.scatter.add.s16 [tilespmem:s30], [sflag:$0x8], $0x10, s1, s24, $0xb8;
	[tilespmem:$0x1A230] =	vst v63  }
0x112: {  	_ =	swait.ge [sflag:s19], $0x1000  }
0x113: {  	[sflag:s19] =	ssyncset.done $0x0  }
0x114: {  	[sflag:s19] =	ssyncadd.s32 $0xFFFFF000  }
0x115: {  	_ =	swait.ge [sflag:s19], $0x800  }
0x116: {  	[sflag:s19] =	ssyncset.done $0x0  }
0x117: {  	s29 =	sadd.s32 $0xC4B0, s21;
	s1 =	simm.s32 $0x13230;
	[sflag:s19] =	ssyncadd.s32 $0xFFFFF800  }
0x118: {  	[spmem:s2] =	stream.indirect.scatter.add.bf16 [tilespmem:s1], [sflag:$0x9], $0x20, s29, s24, $0xb8;
	[tilespmem:$0x1A230] =	vst v63  }
0x119: {  	s30 =	simm.s32 $0x18230  }
0x11a: {  	[spmem:s3] =	stream.indirect.scatter.add.s16 [tilespmem:s30], [sflag:$0x9], $0x10, s29, s24, $0xb8;
	[tilespmem:$0x1A230] =	vst v63  }
0x11b: {  	_ =	swait.ge [sflag:s28], $0x1000  }
0x11c: {  	[sflag:s28] =	ssyncset.done $0x0  }
0x11d: {  	[sflag:s28] =	ssyncadd.s32 $0xFFFFF000  }
0x11e: {  	_ =	swait.ge [sflag:s28], $0x800  }
0x11f: {  	[sflag:s28] =	ssyncset.done $0x0  }
0x120: {  	s0 =	sadd.s32 $0xC530, s21;
	[sflag:s28] =	ssyncadd.s32 $0xFFFFF800  }
0x121: {  	[spmem:s2] =	stream.indirect.scatter.add.bf16 [tilespmem:s15], [sflag:$0xA], $0x20, s0, s24, $0xb8;
	[tilespmem:$0x1A230] =	vst v63  }
0x122: {  	_ = 	snop  }
0x123: {  	[spmem:s3] =	stream.indirect.scatter.add.s16 [tilespmem:s16], [sflag:$0xA], $0x10, s0, s24, $0xb8;
	[tilespmem:$0x1A230] =	vst v63  }
0x124: {  	_ =	swait.ge [sflag:s31], $0x1000  }
0x125: {  	[sflag:s31] =	ssyncset.done $0x0  }
0x126: {  	[sflag:s31] =	ssyncadd.s32 $0xFFFFF000  }
0x127: {  	_ =	swait.ge [sflag:s31], $0x800  }
0x128: {  	[sflag:s31] =	ssyncset.done $0x0  }
0x129: {  	s1 =	sadd.s32 $0xC5B0, s21;
	[sflag:s31] =	ssyncadd.s32 $0xFFFFF800  }
0x12a: {  	[spmem:s2] =	stream.indirect.scatter.add.bf16 [tilespmem:s18], [sflag:$0xB], $0x20, s1, s24, $0xb8;
	[tilespmem:$0x1A230] =	vst v63  }
0x12b: {  	_ = 	snop  }
0x12c: {  	[spmem:s3] =	stream.indirect.scatter.add.s16 [tilespmem:s4], [sflag:$0xB], $0x10, s1, s24, $0xb8;
	[tilespmem:$0x1A230] =	vst v63  }
0x12d: {  	_ =	swait.ge [sflag:s23], $0x1000  }
0x12e: {  	[sflag:s23] =	ssyncset.done $0x0  }
0x12f: {  	[sflag:s23] =	ssyncadd.s32 $0xFFFFF000  }
0x130: {  	_ =	swait.ge [sflag:s23], $0x800  }
0x131: {  	[sflag:s23] =	ssyncset.done $0x0  }
0x132: {  	s30 =	sadd.s32 $0xC630, s21;
	[sflag:s23] =	ssyncadd.s32 $0xFFFFF800  }
0x133: {  	[spmem:s2] =	stream.indirect.scatter.add.bf16 [tilespmem:s10], [sflag:$0xC], $0x20, s30, s24, $0xb8;
	[tilespmem:$0x1A230] =	vst v63  }
0x134: {  	_ = 	snop  }
0x135: {  	[spmem:s3] =	stream.indirect.scatter.add.s16 [tilespmem:s12], [sflag:$0xC], $0x10, s30, s24, $0xb8;
	[tilespmem:$0x1A230] =	vst v63  }
0x136: {  	_ =	swait.ge [sflag:s17], $0x1000  }
0x137: {  	[sflag:s17] =	ssyncset.done $0x0  }
0x138: {  	[sflag:s17] =	ssyncadd.s32 $0xFFFFF000  }
0x139: {  	_ =	swait.ge [sflag:s17], $0x800  }
0x13a: {  	p3 =	seq.s32 s11, $0x12C00;
	[sflag:s17] =	ssyncset.done $0x0  }
0x13b: {  	s29 =	simm.s32 @p3 $0x8;
	[sflag:s17] =	ssyncadd.s32 $0xFFFFF800  }
0x13c: {  	_ =	swait.ge @p3 [sflag:s29], $0x1000  }
0x13d: {  	[sflag:s29] =	ssyncset.done @p3 $0x0  }
0x13e: {  	[sflag:s29] =	ssyncadd.s32 @p3 $0xFFFFF000  }
0x13f: {  	_ =	swait.ge @p3 [sflag:s29], $0x800  }
0x140: {  	[sflag:s29] =	ssyncset.done @p3 $0x0  }
0x141: {  	[sflag:s29] =	ssyncadd.s32 @p3 $0xFFFFF800;
	s29 =	sshra.s32 @!p3 s11, $0x2  }
0x142: {  	s0 =	simm.s32 @!p3 $0x80;
	s1 =	simm.s32 @!p3 $0x11230;
	s30 =	sadd.s32 @!p3 $0x7830, s29  }
0x143: {  	[tilespmem:s1], [sflag:$0x1] =	stream.indirect.gather @!p3 [hbm4b:s5+s0], $0x20, s30, s0, $0xb8;
	[tilespmem:$0x1A230] =	vst v63  }
0x144: {  	s1 =	simm.s32 @!p3 $0x17230  }
0x145: {  	[tilespmem:s1], [sflag:$0x1] =	stream.indirect.gather @!p3 [hbm4b:s7+s0], $0x10, s30, s0, $0xb8;
	[tilespmem:$0x1A230] =	vst v63  }
0x146: {  	s1 =	simm.s32 @!p3 $0x8  }
0x147: {  	_ =	swait.ge @!p3 [sflag:s1], $0x1000  }
0x148: {  	[sflag:s1] =	ssyncset.done @!p3 $0x0  }
0x149: {  	[sflag:s1] =	ssyncadd.s32 @!p3 $0xFFFFF000  }
0x14a: {  	_ =	swait.ge @!p3 [sflag:s1], $0x800  }
0x14b: {  	[sflag:s1] =	ssyncset.done @!p3 $0x0  }
0x14c: {  	s30 =	simm.s32 @!p3 $0x12230;
	[sflag:s1] =	ssyncadd.s32 @!p3 $0xFFFFF800;
	s1 =	sadd.s32 @!p3 $0x78B0, s29  }
0x14d: {  	[tilespmem:s30], [sflag:$0x2] =	stream.indirect.gather @!p3 [hbm4b:s5+s0], $0x20, s1, s0, $0xb8;
	[tilespmem:$0x1A230] =	vst v63  }
0x14e: {  	s30 =	simm.s32 @!p3 $0x17A30  }
0x14f: {  	[tilespmem:s30], [sflag:$0x2] =	stream.indirect.gather @!p3 [hbm4b:s7+s0], $0x10, s1, s0, $0xb8;
	[tilespmem:$0x1A230] =	vst v63  }
0x150: {  	_ =	swait.ge [sflag:s9], $0x1000  }
0x151: {  	[sflag:s9] =	ssyncset.done $0x0  }
0x152: {  	[sflag:s9] =	ssyncadd.s32 $0xFFFFF000  }
0x153: {  	_ =	swait.ge [sflag:s9], $0x800  }
0x154: {  	[sflag:s9] =	ssyncset.done $0x0  }
0x155: {  	s1 =	simm.s32 @p3 $0xA;
	[sflag:s9] =	ssyncadd.s32 $0xFFFFF800  }
0x156: {  	_ =	swait.ge @p3 [sflag:s1], $0x1000  }
0x157: {  	[sflag:s1] =	ssyncset.done @p3 $0x0  }
0x158: {  	[sflag:s1] =	ssyncadd.s32 @p3 $0xFFFFF000  }
0x159: {  	_ =	swait.ge @p3 [sflag:s1], $0x800  }
0x15a: {  	[sflag:s1] =	ssyncset.done @p3 $0x0  }
0x15b: {  	s30 =	simm.s32 @!p3 $0x13230;
	[sflag:s1] =	ssyncadd.s32 @p3 $0xFFFFF800;
	s1 =	sadd.s32 @!p3 $0x7930, s29  }
0x15c: {  	[tilespmem:s30], [sflag:$0x3] =	stream.indirect.gather @!p3 [hbm4b:s5+s0], $0x20, s1, s0, $0xb8;
	[tilespmem:$0x1A230] =	vst v63  }
0x15d: {  	s30 =	simm.s32 @!p3 $0x18230  }
0x15e: {  	[tilespmem:s30], [sflag:$0x3] =	stream.indirect.gather @!p3 [hbm4b:s7+s0], $0x10, s1, s0, $0xb8;
	[tilespmem:$0x1A230] =	vst v63  }
0x15f: {  	s1 =	simm.s32 @!p3 $0xA  }
0x160: {  	_ =	swait.ge @!p3 [sflag:s1], $0x1000  }
0x161: {  	[sflag:s1] =	ssyncset.done @!p3 $0x0  }
0x162: {  	[sflag:s1] =	ssyncadd.s32 @!p3 $0xFFFFF000  }
0x163: {  	_ =	swait.ge @!p3 [sflag:s1], $0x800  }
0x164: {  	[sflag:s1] =	ssyncset.done @!p3 $0x0  }
0x165: {  	[sflag:s1] =	ssyncadd.s32 @!p3 $0xFFFFF800;
	s1 =	sadd.s32 @!p3 $0x79B0, s29;
	s29 =	simm.s32 @!p3 $0x14230  }
0x166: {  	[tilespmem:s29], [sflag:$0x4] =	stream.indirect.gather @!p3 [hbm4b:s5+s0], $0x20, s1, s0, $0xb8;
	[tilespmem:$0x1A230] =	vst v63  }
0x167: {  	s29 =	simm.s32 @!p3 $0x18A30  }
0x168: {  	[tilespmem:s29], [sflag:$0x4] =	stream.indirect.gather @!p3 [hbm4b:s7+s0], $0x10, s1, s0, $0xb8;
	[tilespmem:$0x1A230] =	vst v63  }
0x169: {  	_ =	swait.ge [sflag:s22], $0x1000  }
.Ltmp5:
0x16a: {  	[sflag:s22] =	ssyncset.done $0x0;
	(pc) =	sbr.rel @p3 .LBB2_5-.Ltmp5, $4  }
0x16b: {  	[sflag:s22] =	ssyncadd.s32 $0xFFFFF000  }
0x16c: {  	_ =	swait.ge [sflag:s22], $0x800  }
0x16d: {  	[sflag:s22] =	ssyncset.done $0x0  }
0x16e: {  	[sflag:s22] =	ssyncadd.s32 $0xFFFFF800  }
0x16f: {  	s0 =	sadd.s32 $0x7A30, s21  }
0x170: {  	[tilespmem:s18], [sflag:$0x5] =	stream.indirect.gather [hbm4b:s5+s24], $0x20, s0, s24, $0xb8;
	[tilespmem:$0x1A230] =	vst v63  }
0x171: {  	_ = 	snop  }
0x172: {  	[tilespmem:s4], [sflag:$0x5] =	stream.indirect.gather [hbm4b:s7+s24], $0x10, s0, s24, $0xb8;
	[tilespmem:$0x1A230] =	vst v63  }
0x173: {  	_ =	swait.ge [sflag:s20], $0x1000  }
0x174: {  	[sflag:s20] =	ssyncset.done $0x0  }
0x175: {  	[sflag:s20] =	ssyncadd.s32 $0xFFFFF000  }
0x176: {  	_ =	swait.ge [sflag:s20], $0x800  }
.Ltmp6:
0x177: {  	[sflag:s20] =	ssyncset.done $0x0;
	(pc) =	sbr.rel .LBB2_3-.Ltmp6, $4  }
0x178: {  	s30 =	sadd.s32 $0x7AB0, s21;
	[sflag:s20] =	ssyncadd.s32 $0xFFFFF800  }
0x179: {  	[tilespmem:s10], [sflag:$0x6] =	stream.indirect.gather [hbm4b:s5+s24], $0x20, s30, s24, $0xb8;
	[tilespmem:$0x1A230] =	vst v63  }
0x17a: {  	s11 =	sadd.s32 $0xC00, s11  }
0x17b: {  	[tilespmem:s12], [sflag:$0x6] =	stream.indirect.gather [hbm4b:s7+s24], $0x10, s30, s24, $0xb8;
	[tilespmem:$0x1A230] =	vst v63  }
.LBB2_9:
0x17c: {  	_ =	swait.ge [sflag:s20], $0x1000  }
0x17d: {  	[sflag:s20] =	ssyncset.done $0x0  }
.Ltmp7:
0x17e: {  	[sflag:s20] =	ssyncadd.s32 $0xFFFFF000;
	(pc) =	sbr.rel @p1 .LBB2_11-.Ltmp7, $4  }
.Ltmp8:
0x17f: {  	_ =	swait.ge [sflag:s20], $0x800;
	(pc) =	sbr.rel @!p1 .LBB2_10-.Ltmp8, $4  }
0x180: {  	s21 =	rddreg [dreg:$0xd]  }
0x181: {  	s29 =	smov.u32 s6;
	[sflag:s20] =	ssyncset.done $0x0;
	s11 =	rddreg [dreg:$0xe]  }
0x182: {  	s30 =	smov.u32 s8;
	s15 =	rddreg [dreg:$0x11];
	[sflag:s20] =	ssyncadd.s32 $0xFFFFF800  }
0x183: {  	_ = 	snop  }
.LBB2_5:
0x184: {  	_ =	swait.ge [sflag:s20], $0x1000  }
0x185: {  	[sflag:s20] =	ssyncset.done $0x0  }
.Ltmp9:
0x186: {  	[sflag:s20] =	ssyncadd.s32 $0xFFFFF000;
	(pc) =	sbr.rel @p2 .LBB2_10-.Ltmp9, $4  }
.Ltmp10:
0x187: {  	_ =	swait.ge [sflag:s20], $0x800;
	(pc) =	sbr.rel @!p2 .LBB2_11-.Ltmp10, $4  }
0x188: {  	s21 =	rddreg [dreg:$0xb]  }
0x189: {  	s29 =	smov.u32 s5;
	[sflag:s20] =	ssyncset.done $0x0;
	s11 =	rddreg [dreg:$0xc]  }
0x18a: {  	s30 =	smov.u32 s7;
	s15 =	rddreg [dreg:$0x11];
	[sflag:s20] =	ssyncadd.s32 $0xFFFFF800  }
0x18b: {  	_ = 	snop  }
.LBB2_12:
0x18c: {  	_ =	sfence.sel $0x180000  }
0x18d: {  	[bflag:$0x0] =	sbarrier.arrive $0xFFFF  }
0x18e: {  	_ =	strace $0x9000004A  }
0x18f: {  	s0 =	stileid.u32;
	[bflag:$0x2] =	sbarrier.arrive $0xFFFF  }
0x190: {  	p0 =	sne.s32 s0, $0x0;
	s0 =	rddreg [dreg:$0x4]  }
0x191: {  	s0 =	sadd.s32 @!p0 $0x100000, s0  }
0x192: {  	[sflag:s0] =	ssyncadd.tile.s32 @!p0 $0x1;
	_ =	shalt  }
.Lfunc_end2:
_tile_overlayer_lowered:
.L_overlay_start_2:
0x193: {  	(tag) =	ssettag $0x2  }
0x194: {  	s0 =	rddreg [dreg:$0x0];
	s2 =	stileid.u32  }
0x195: {  	s1 =	rddreg [dreg:$0x1];
	p0 =	sne.s32 s2, $0x0  }
0x196: {  	s3 =	rddreg [dreg:$0x2];
	[bflag:$0x3] =	sbarrier.arrive $0xFFFF;
	s2 =	simm.s32 @!p0 $0x1C0D  }
0x197: {  	[timem:s3], [sflag:s2] =	dma.local @!p0 [hbm:s0], s1  }
0x198: {  	s0 =	simm.s32 @!p0 $0xD  }
0x199: {  	_ =	swait.ge @!p0 [sflag:s0], s1  }
0x19a: {  	s1 =	ssub.s32 @!p0 $0x0, s1;
	[sflag:s0] =	ssyncset.done @!p0 $0x0  }
0x19b: {  	[sflag:s0] =	ssyncadd.s32 @!p0 s1  }
0x19c: {  	[bflag:$0x3] =	sbarrier.arrive $0xFFFF  }
0x19d: {  	_ =	shalt  }

</sc_bundles>
